<compile_context>
chip_gen: v7x
topology: tpu7x:2x2x1
jax: 0.10.2.dev20260603
libtpu: 0.0.44.dev20260713+nightly
codegen_flags: <defaults>
</compile_context>

<pallas_src>
import functools

import jax
import jax.numpy as jnp
from jax import lax
from jax.experimental import pallas as pl
from jax.experimental.pallas import tpu as pltpu
from jax.experimental.pallas import tpu_sc as plsc

_MID_CHUNK = 1024
_RAMP = [128, 128, 256, 512]
_NBUF = 6
_LOOKAHEAD = 4


def _chunk_schedule(batch, seq):
    chunks = []
    for b in range(batch):
        sizes = []
        if b == 0:
            sizes += _RAMP
        tail = sum(_RAMP) if b == batch - 1 else 0
        n_mid = (seq - sum(sizes) - tail) // _MID_CHUNK
        sizes += [_MID_CHUNK] * n_mid
        if b == batch - 1:
            sizes += list(reversed(_RAMP))
        row = 0
        for s in sizes:
            chunks.append((b, row, s))
            row += s
    return chunks


def _stream_kernel(pos_ref, emb_ref, hs_ref, out_hs_ref,
                   buf, sem_in, sem_out, sem_ctx):
    batch, seq, _ = hs_ref.shape
    n_ctx = emb_ref.shape[1]
    sched = _chunk_schedule(batch, seq)
    n = len(sched)

    def fetch(i):
        b, row, sz = sched[i]
        m = i % _NBUF
        return pltpu.make_async_copy(
            hs_ref.at[pl.ds(b, 1), pl.ds(row, sz), :],
            buf.at[pl.ds(m, 1), pl.ds(0, sz), :], sem_in.at[m])

    def write(i):
        b, row, sz = sched[i]
        m = i % _NBUF
        return pltpu.make_async_copy(
            buf.at[pl.ds(m, 1), pl.ds(0, sz), :],
            out_hs_ref.at[pl.ds(b, 1), pl.ds(n_ctx + row, sz), :],
            sem_out.at[m])

    def ctx_copy(b2):
        p = pos_ref[0]
        return pltpu.make_async_copy(
            emb_ref.at[pl.ds(p, 1)],
            out_hs_ref.at[pl.ds(b2, 1), pl.ds(0, n_ctx), :], sem_ctx)

    for i in range(_LOOKAHEAD):
        fetch(i).start()

    for b2 in range(batch):
        ctx_copy(b2).start()

    for i in range(n):
        j = i + _LOOKAHEAD
        if j < n:
            if j - _NBUF >= 0:
                write(j - _NBUF).wait()
            fetch(j).start()
        fetch(i).wait()
        write(i).start()

    for i in range(max(0, n - _NBUF), n):
        write(i).wait()
    for b2 in range(batch):
        ctx_copy(b2).wait()


def _extend_hidden(hidden_states, position, embeddings):
    B, S, H = hidden_states.shape
    D, T, _ = embeddings.shape
    pos = jnp.asarray(position, dtype=jnp.int32).reshape((1,))
    return pl.pallas_call(
        _stream_kernel,
        in_specs=[
            pl.BlockSpec(memory_space=pltpu.SMEM),
            pl.BlockSpec(memory_space=pl.ANY),
            pl.BlockSpec(memory_space=pl.ANY),
        ],
        out_specs=pl.BlockSpec(memory_space=pl.ANY),
        out_shape=jax.ShapeDtypeStruct((B, T + S, H), hidden_states.dtype),
        scratch_shapes=[
            pltpu.VMEM((_NBUF, _MID_CHUNK, H), hidden_states.dtype),
            pltpu.SemaphoreType.DMA((_NBUF,)),
            pltpu.SemaphoreType.DMA((_NBUF,)),
            pltpu.SemaphoreType.DMA,
        ],
    )(pos, embeddings, hidden_states)


def _extend_mask(attention_mask, n_ctx):
    B, S = attention_mask.shape
    dt = attention_mask.dtype
    mesh = plsc.VectorSubcoreMesh(core_axis_name="c", subcore_axis_name="s")

    @functools.partial(
        pl.kernel,
        out_type=jax.ShapeDtypeStruct((B * (n_ctx + S),), dt),
        mesh=mesh,
        scratch_types=[
            pltpu.VMEM((S,), dt),
            pltpu.VMEM((n_ctx,), dt),
        ],
    )
    def mask_kernel(mask_hbm, out_hbm, row_buf, ones_buf):
        c = lax.axis_index("c")
        s = lax.axis_index("s")
        nc = plsc.get_sparse_core_info().num_cores
        wid = s * nc + c

        for b in range(B):
            @pl.when(wid == b)
            def _(b=b):
                ones_buf[...] = jnp.ones((n_ctx,), dt)
                pltpu.sync_copy(mask_hbm.at[pl.ds(b * S, S)], row_buf)
                pltpu.sync_copy(
                    ones_buf, out_hbm.at[pl.ds(b * (n_ctx + S), n_ctx)])
                pltpu.sync_copy(
                    row_buf, out_hbm.at[pl.ds(b * (n_ctx + S) + n_ctx, S)])

    flat = mask_kernel(attention_mask.reshape((B * S,)))
    return flat.reshape((B, n_ctx + S))


def kernel(hidden_states, attention_mask, position, embeddings):
    T = embeddings.shape[1]
    out_hs = _extend_hidden(hidden_states, position, embeddings)
    out_mask = _extend_mask(attention_mask, T)
    return out_hs, out_mask

# --- scband reference (transcript-rebuilt; emitter-appended) ---
"""Pipeline reference for scband-layer-shuffle-82849919139917 (READ-ONLY COPY).

The authoritative reference and input builder live on the scoring server;
editing this copy changes nothing except your own understanding.
"""

import jax, jax.numpy as jnp
import numpy as np

DEPTH = 24
NUM_CONTEXT_TOKENS = 16
HIDDEN_SIZE = 1024
BATCH = 4
SEQ_LEN = 8192

def setup_inputs(seed: int = 0) -> dict:
    key = jax.random.key(seed)
    k1, k2 = jax.random.split(key)
    hidden_states = jax.random.normal(k1, (BATCH, SEQ_LEN, HIDDEN_SIZE), dtype=jnp.float32)
    attention_mask = jnp.ones((BATCH, SEQ_LEN), dtype=jnp.int32)
    position = 5
    # learned parameter: context-token embeddings, init normal(0, 0.02)
    embeddings = jax.random.normal(k2, (DEPTH, NUM_CONTEXT_TOKENS, HIDDEN_SIZE), dtype=jnp.float32) * 0.02
    return {"hidden_states": hidden_states, "attention_mask": attention_mask, "position": position, "embeddings": embeddings}

def reference(hidden_states, attention_mask, position, embeddings):
    # LayerShuffle.add_context
    context = embeddings[position]  # gather one row of the depth-indexed table: [T, D]
    context = jnp.broadcast_to(context[None, :, :], (hidden_states.shape[0], context.shape[0], context.shape[1]))
    context_mask = jnp.ones((attention_mask.shape[0], NUM_CONTEXT_TOKENS), dtype=attention_mask.dtype)
    extended_attention_mask = jnp.concatenate([context_mask, attention_mask], axis=1)
    extended_hidden_states = jnp.concatenate([context, hidden_states], axis=1)
    return (extended_hidden_states, extended_attention_mask)

if __name__ == "__main__":
    import jax
    _d = setup_inputs()
    print(jax.jit(kernel)(*tuple(_d.values())))

</pallas_src>

<mosaic_0001>
#map = affine_map<(d0, d1) -> (0)>
module attributes {stable_mosaic.version = 14 : i64} {
  func.func @mask_kernel(%arg0: i32, %arg1: i32, %arg2: memref<32768xi32, #tpu.memory_space<hbm>>, %arg3: memref<32832xi32, #tpu.memory_space<hbm>>, %arg4: memref<8192xi32, #tpu.memory_space<vmem>>, %arg5: memref<16xi32, #tpu.memory_space<vmem>>) attributes {dimension_semantics = [#tpu.dimension_semantics<core_parallel>, #tpu.dimension_semantics<subcore_parallel>], iteration_bounds = array<i64: 2, 16>, scalar_prefetch = 0 : i64, scratch_operands = 2 : i64, tpu.core_type = #tpu.core_type<sc_vector_subcore>, window_params = [{transform_indices = #map}, {transform_indices = #map}]} {
    %mul3A = arith.constant 2 : i32
    %mul3A_0 = arith.muli %arg1, %mul3A : i32
    %add3A = arith.addi %mul3A_0, %arg0 : i32
    %eq3A = arith.constant 0 : i32
    %eq3A_1 = arith.cmpi eq, %add3A, %eq3A : i32
    %convert_element_type3A = arith.extui %eq3A_1 : i1 to i32
    %cond3A = arith.constant 0 : i32
    %cond3A_2 = arith.cmpi ne, %convert_element_type3A, %cond3A : i32
    scf.if %cond3A_2 {
      %broadcast_in_dim3A = arith.constant 1 : i32
      %broadcast_in_dim3A_18 = vector.broadcast %broadcast_in_dim3A : i32 to vector<16xi32>
      %swap3A = arith.constant 0 : index
      %swap3A_19 = tpu.vector_load %arg5[%swap3A] {strides = array<i32>} : memref<16xi32, #tpu.memory_space<vmem>>, vector<16xi32>,
      %swap3A_20 = vector.shape_cast %swap3A_19 : vector<16xi32> to vector<16xi32>
      %swap3A_21 = vector.shape_cast %broadcast_in_dim3A_18 : vector<16xi32> to vector<16xi32>
      tpu.vector_store %arg5[%swap3A], %swap3A_21 {strides = array<i32>} : memref<16xi32, #tpu.memory_space<vmem>>, vector<16xi32>,
      "tpu.region"() ({
        %run_scoped3A = tpu.sem_alloc : memref<!tpu.dma_semaphore, #tpu.memory_space<semaphore_mem>>
        %dma_start3A = arith.constant 0 : i32
        %dma_start3A_22 = tpu.memref_slice %arg2[%dma_start3A] : memref<32768xi32, #tpu.memory_space<hbm>> -> memref<8192xi32, #tpu.memory_space<hbm>>
        %dma_start3A_23 = arith.constant 0 : i32
        %dma_start3A_24 = tpu.memref_slice %arg2[%dma_start3A_23] : memref<32768xi32, #tpu.memory_space<hbm>> -> memref<8192xi32, #tpu.memory_space<hbm>>
        tpu.enqueue_dma source(%dma_start3A_24 : memref<8192xi32, #tpu.memory_space<hbm>>) target(%arg4 : memref<8192xi32, #tpu.memory_space<vmem>>) target_semaphore(%run_scoped3A : memref<!tpu.dma_semaphore, #tpu.memory_space<semaphore_mem>>)
        %dma_wait3A = arith.constant 0 : i32
        %dma_wait3A_25 = tpu.memref_slice %arg2[%dma_wait3A] : memref<32768xi32, #tpu.memory_space<hbm>> -> memref<8192xi32, #tpu.memory_space<hbm>>
        %dma_wait3A_26 = arith.constant 0 : i32
        %dma_wait3A_27 = tpu.memref_slice %arg2[%dma_wait3A_26] : memref<32768xi32, #tpu.memory_space<hbm>> -> memref<8192xi32, #tpu.memory_space<hbm>>
        tpu.wait_dma2 semaphore(%run_scoped3A : memref<!tpu.dma_semaphore, #tpu.memory_space<semaphore_mem>>) src(%dma_wait3A_27 : memref<8192xi32, #tpu.memory_space<hbm>>) dst(%arg4 : memref<8192xi32, #tpu.memory_space<vmem>>)
        tpu.yield
      }) : () -> ()
      "tpu.region"() ({
        %run_scoped3A = tpu.sem_alloc : memref<!tpu.dma_semaphore, #tpu.memory_space<semaphore_mem>>
        %dma_start3A = arith.constant 0 : i32
        %dma_start3A_22 = tpu.memref_slice %arg3[%dma_start3A] : memref<32832xi32, #tpu.memory_space<hbm>> -> memref<16xi32, #tpu.memory_space<hbm>>
        %dma_start3A_23 = arith.constant 0 : i32
        %dma_start3A_24 = tpu.memref_slice %arg3[%dma_start3A_23] : memref<32832xi32, #tpu.memory_space<hbm>> -> memref<16xi32, #tpu.memory_space<hbm>>
        tpu.enqueue_dma source(%arg5 : memref<16xi32, #tpu.memory_space<vmem>>) target(%dma_start3A_24 : memref<16xi32, #tpu.memory_space<hbm>>) target_semaphore(%run_scoped3A : memref<!tpu.dma_semaphore, #tpu.memory_space<semaphore_mem>>)
        %dma_wait3A = arith.constant 0 : i32
        %dma_wait3A_25 = tpu.memref_slice %arg3[%dma_wait3A] : memref<32832xi32, #tpu.memory_space<hbm>> -> memref<16xi32, #tpu.memory_space<hbm>>
        %dma_wait3A_26 = arith.constant 0 : i32
        %dma_wait3A_27 = tpu.memref_slice %arg3[%dma_wait3A_26] : memref<32832xi32, #tpu.memory_space<hbm>> -> memref<16xi32, #tpu.memory_space<hbm>>
        tpu.wait_dma2 semaphore(%run_scoped3A : memref<!tpu.dma_semaphore, #tpu.memory_space<semaphore_mem>>) src(%arg5 : memref<16xi32, #tpu.memory_space<vmem>>) dst(%dma_wait3A_27 : memref<16xi32, #tpu.memory_space<hbm>>)
        tpu.yield
      }) : () -> ()
      "tpu.region"() ({
        %run_scoped3A = tpu.sem_alloc : memref<!tpu.dma_semaphore, #tpu.memory_space<semaphore_mem>>
        %dma_start3A = arith.constant 16 : i32
        %dma_start3A_22 = tpu.memref_slice %arg3[%dma_start3A] : memref<32832xi32, #tpu.memory_space<hbm>> -> memref<8192xi32, #tpu.memory_space<hbm>>
        %dma_start3A_23 = arith.constant 16 : i32
        %dma_start3A_24 = tpu.memref_slice %arg3[%dma_start3A_23] : memref<32832xi32, #tpu.memory_space<hbm>> -> memref<8192xi32, #tpu.memory_space<hbm>>
        tpu.enqueue_dma source(%arg4 : memref<8192xi32, #tpu.memory_space<vmem>>) target(%dma_start3A_24 : memref<8192xi32, #tpu.memory_space<hbm>>) target_semaphore(%run_scoped3A : memref<!tpu.dma_semaphore, #tpu.memory_space<semaphore_mem>>)
        %dma_wait3A = arith.constant 16 : i32
        %dma_wait3A_25 = tpu.memref_slice %arg3[%dma_wait3A] : memref<32832xi32, #tpu.memory_space<hbm>> -> memref<8192xi32, #tpu.memory_space<hbm>>
        %dma_wait3A_26 = arith.constant 16 : i32
        %dma_wait3A_27 = tpu.memref_slice %arg3[%dma_wait3A_26] : memref<32832xi32, #tpu.memory_space<hbm>> -> memref<8192xi32, #tpu.memory_space<hbm>>
        tpu.wait_dma2 semaphore(%run_scoped3A : memref<!tpu.dma_semaphore, #tpu.memory_space<semaphore_mem>>) src(%arg4 : memref<8192xi32, #tpu.memory_space<vmem>>) dst(%dma_wait3A_27 : memref<8192xi32, #tpu.memory_space<hbm>>)
        tpu.yield
      }) : () -> ()
    } else {
    }
    %eq3A_3 = arith.constant 1 : i32
    %eq3A_4 = arith.cmpi eq, %add3A, %eq3A_3 : i32
    %convert_element_type3A_5 = arith.extui %eq3A_4 : i1 to i32
    %cond3A_6 = arith.constant 0 : i32
    %cond3A_7 = arith.cmpi ne, %convert_element_type3A_5, %cond3A_6 : i32
    scf.if %cond3A_7 {
      %broadcast_in_dim3A = arith.constant 1 : i32
      %broadcast_in_dim3A_18 = vector.broadcast %broadcast_in_dim3A : i32 to vector<16xi32>
      %swap3A = arith.constant 0 : index
      %swap3A_19 = tpu.vector_load %arg5[%swap3A] {strides = array<i32>} : memref<16xi32, #tpu.memory_space<vmem>>, vector<16xi32>,
      %swap3A_20 = vector.shape_cast %swap3A_19 : vector<16xi32> to vector<16xi32>
      %swap3A_21 = vector.shape_cast %broadcast_in_dim3A_18 : vector<16xi32> to vector<16xi32>
      tpu.vector_store %arg5[%swap3A], %swap3A_21 {strides = array<i32>} : memref<16xi32, #tpu.memory_space<vmem>>, vector<16xi32>,
      "tpu.region"() ({
        %run_scoped3A = tpu.sem_alloc : memref<!tpu.dma_semaphore, #tpu.memory_space<semaphore_mem>>
        %dma_start3A = arith.constant 8192 : i32
        %dma_start3A_22 = tpu.memref_slice %arg2[%dma_start3A] : memref<32768xi32, #tpu.memory_space<hbm>> -> memref<8192xi32, #tpu.memory_space<hbm>>
        %dma_start3A_23 = arith.constant 8192 : i32
        %dma_start3A_24 = tpu.memref_slice %arg2[%dma_start3A_23] : memref<32768xi32, #tpu.memory_space<hbm>> -> memref<8192xi32, #tpu.memory_space<hbm>>
        tpu.enqueue_dma source(%dma_start3A_24 : memref<8192xi32, #tpu.memory_space<hbm>>) target(%arg4 : memref<8192xi32, #tpu.memory_space<vmem>>) target_semaphore(%run_scoped3A : memref<!tpu.dma_semaphore, #tpu.memory_space<semaphore_mem>>)
        %dma_wait3A = arith.constant 8192 : i32
        %dma_wait3A_25 = tpu.memref_slice %arg2[%dma_wait3A] : memref<32768xi32, #tpu.memory_space<hbm>> -> memref<8192xi32, #tpu.memory_space<hbm>>
        %dma_wait3A_26 = arith.constant 8192 : i32
        %dma_wait3A_27 = tpu.memref_slice %arg2[%dma_wait3A_26] : memref<32768xi32, #tpu.memory_space<hbm>> -> memref<8192xi32, #tpu.memory_space<hbm>>
        tpu.wait_dma2 semaphore(%run_scoped3A : memref<!tpu.dma_semaphore, #tpu.memory_space<semaphore_mem>>) src(%dma_wait3A_27 : memref<8192xi32, #tpu.memory_space<hbm>>) dst(%arg4 : memref<8192xi32, #tpu.memory_space<vmem>>)
        tpu.yield
      }) : () -> ()
      "tpu.region"() ({
        %run_scoped3A = tpu.sem_alloc : memref<!tpu.dma_semaphore, #tpu.memory_space<semaphore_mem>>
        %dma_start3A = arith.constant 8208 : i32
        %dma_start3A_22 = tpu.memref_slice %arg3[%dma_start3A] : memref<32832xi32, #tpu.memory_space<hbm>> -> memref<16xi32, #tpu.memory_space<hbm>>
        %dma_start3A_23 = arith.constant 8208 : i32
        %dma_start3A_24 = tpu.memref_slice %arg3[%dma_start3A_23] : memref<32832xi32, #tpu.memory_space<hbm>> -> memref<16xi32, #tpu.memory_space<hbm>>
        tpu.enqueue_dma source(%arg5 : memref<16xi32, #tpu.memory_space<vmem>>) target(%dma_start3A_24 : memref<16xi32, #tpu.memory_space<hbm>>) target_semaphore(%run_scoped3A : memref<!tpu.dma_semaphore, #tpu.memory_space<semaphore_mem>>)
        %dma_wait3A = arith.constant 8208 : i32
        %dma_wait3A_25 = tpu.memref_slice %arg3[%dma_wait3A] : memref<32832xi32, #tpu.memory_space<hbm>> -> memref<16xi32, #tpu.memory_space<hbm>>
        %dma_wait3A_26 = arith.constant 8208 : i32
        %dma_wait3A_27 = tpu.memref_slice %arg3[%dma_wait3A_26] : memref<32832xi32, #tpu.memory_space<hbm>> -> memref<16xi32, #tpu.memory_space<hbm>>
        tpu.wait_dma2 semaphore(%run_scoped3A : memref<!tpu.dma_semaphore, #tpu.memory_space<semaphore_mem>>) src(%arg5 : memref<16xi32, #tpu.memory_space<vmem>>) dst(%dma_wait3A_27 : memref<16xi32, #tpu.memory_space<hbm>>)
        tpu.yield
      }) : () -> ()
      "tpu.region"() ({
        %run_scoped3A = tpu.sem_alloc : memref<!tpu.dma_semaphore, #tpu.memory_space<semaphore_mem>>
        %dma_start3A = arith.constant 8224 : i32
        %dma_start3A_22 = tpu.memref_slice %arg3[%dma_start3A] : memref<32832xi32, #tpu.memory_space<hbm>> -> memref<8192xi32, #tpu.memory_space<hbm>>
        %dma_start3A_23 = arith.constant 8224 : i32
        %dma_start3A_24 = tpu.memref_slice %arg3[%dma_start3A_23] : memref<32832xi32, #tpu.memory_space<hbm>> -> memref<8192xi32, #tpu.memory_space<hbm>>
        tpu.enqueue_dma source(%arg4 : memref<8192xi32, #tpu.memory_space<vmem>>) target(%dma_start3A_24 : memref<8192xi32, #tpu.memory_space<hbm>>) target_semaphore(%run_scoped3A : memref<!tpu.dma_semaphore, #tpu.memory_space<semaphore_mem>>)
        %dma_wait3A = arith.constant 8224 : i32
        %dma_wait3A_25 = tpu.memref_slice %arg3[%dma_wait3A] : memref<32832xi32, #tpu.memory_space<hbm>> -> memref<8192xi32, #tpu.memory_space<hbm>>
        %dma_wait3A_26 = arith.constant 8224 : i32
        %dma_wait3A_27 = tpu.memref_slice %arg3[%dma_wait3A_26] : memref<32832xi32, #tpu.memory_space<hbm>> -> memref<8192xi32, #tpu.memory_space<hbm>>
        tpu.wait_dma2 semaphore(%run_scoped3A : memref<!tpu.dma_semaphore, #tpu.memory_space<semaphore_mem>>) src(%arg4 : memref<8192xi32, #tpu.memory_space<vmem>>) dst(%dma_wait3A_27 : memref<8192xi32, #tpu.memory_space<hbm>>)
        tpu.yield
      }) : () -> ()
    } else {
    }
    %eq3A_8 = arith.constant 2 : i32
    %eq3A_9 = arith.cmpi eq, %add3A, %eq3A_8 : i32
    %convert_element_type3A_10 = arith.extui %eq3A_9 : i1 to i32
    %cond3A_11 = arith.constant 0 : i32
    %cond3A_12 = arith.cmpi ne, %convert_element_type3A_10, %cond3A_11 : i32
    scf.if %cond3A_12 {
      %broadcast_in_dim3A = arith.constant 1 : i32
      %broadcast_in_dim3A_18 = vector.broadcast %broadcast_in_dim3A : i32 to vector<16xi32>
      %swap3A = arith.constant 0 : index
      %swap3A_19 = tpu.vector_load %arg5[%swap3A] {strides = array<i32>} : memref<16xi32, #tpu.memory_space<vmem>>, vector<16xi32>,
      %swap3A_20 = vector.shape_cast %swap3A_19 : vector<16xi32> to vector<16xi32>
      %swap3A_21 = vector.shape_cast %broadcast_in_dim3A_18 : vector<16xi32> to vector<16xi32>
      tpu.vector_store %arg5[%swap3A], %swap3A_21 {strides = array<i32>} : memref<16xi32, #tpu.memory_space<vmem>>, vector<16xi32>,
      "tpu.region"() ({
        %run_scoped3A = tpu.sem_alloc : memref<!tpu.dma_semaphore, #tpu.memory_space<semaphore_mem>>
        %dma_start3A = arith.constant 16384 : i32
        %dma_start3A_22 = tpu.memref_slice %arg2[%dma_start3A] : memref<32768xi32, #tpu.memory_space<hbm>> -> memref<8192xi32, #tpu.memory_space<hbm>>
        %dma_start3A_23 = arith.constant 16384 : i32
        %dma_start3A_24 = tpu.memref_slice %arg2[%dma_start3A_23] : memref<32768xi32, #tpu.memory_space<hbm>> -> memref<8192xi32, #tpu.memory_space<hbm>>
        tpu.enqueue_dma source(%dma_start3A_24 : memref<8192xi32, #tpu.memory_space<hbm>>) target(%arg4 : memref<8192xi32, #tpu.memory_space<vmem>>) target_semaphore(%run_scoped3A : memref<!tpu.dma_semaphore, #tpu.memory_space<semaphore_mem>>)
        %dma_wait3A = arith.constant 16384 : i32
        %dma_wait3A_25 = tpu.memref_slice %arg2[%dma_wait3A] : memref<32768xi32, #tpu.memory_space<hbm>> -> memref<8192xi32, #tpu.memory_space<hbm>>
        %dma_wait3A_26 = arith.constant 16384 : i32
        %dma_wait3A_27 = tpu.memref_slice %arg2[%dma_wait3A_26] : memref<32768xi32, #tpu.memory_space<hbm>> -> memref<8192xi32, #tpu.memory_space<hbm>>
        tpu.wait_dma2 semaphore(%run_scoped3A : memref<!tpu.dma_semaphore, #tpu.memory_space<semaphore_mem>>) src(%dma_wait3A_27 : memref<8192xi32, #tpu.memory_space<hbm>>) dst(%arg4 : memref<8192xi32, #tpu.memory_space<vmem>>)
        tpu.yield
      }) : () -> ()
      "tpu.region"() ({
        %run_scoped3A = tpu.sem_alloc : memref<!tpu.dma_semaphore, #tpu.memory_space<semaphore_mem>>
        %dma_start3A = arith.constant 16416 : i32
        %dma_start3A_22 = tpu.memref_slice %arg3[%dma_start3A] : memref<32832xi32, #tpu.memory_space<hbm>> -> memref<16xi32, #tpu.memory_space<hbm>>
        %dma_start3A_23 = arith.constant 16416 : i32
        %dma_start3A_24 = tpu.memref_slice %arg3[%dma_start3A_23] : memref<32832xi32, #tpu.memory_space<hbm>> -> memref<16xi32, #tpu.memory_space<hbm>>
        tpu.enqueue_dma source(%arg5 : memref<16xi32, #tpu.memory_space<vmem>>) target(%dma_start3A_24 : memref<16xi32, #tpu.memory_space<hbm>>) target_semaphore(%run_scoped3A : memref<!tpu.dma_semaphore, #tpu.memory_space<semaphore_mem>>)
        %dma_wait3A = arith.constant 16416 : i32
        %dma_wait3A_25 = tpu.memref_slice %arg3[%dma_wait3A] : memref<32832xi32, #tpu.memory_space<hbm>> -> memref<16xi32, #tpu.memory_space<hbm>>
        %dma_wait3A_26 = arith.constant 16416 : i32
        %dma_wait3A_27 = tpu.memref_slice %arg3[%dma_wait3A_26] : memref<32832xi32, #tpu.memory_space<hbm>> -> memref<16xi32, #tpu.memory_space<hbm>>
        tpu.wait_dma2 semaphore(%run_scoped3A : memref<!tpu.dma_semaphore, #tpu.memory_space<semaphore_mem>>) src(%arg5 : memref<16xi32, #tpu.memory_space<vmem>>) dst(%dma_wait3A_27 : memref<16xi32, #tpu.memory_space<hbm>>)
        tpu.yield
      }) : () -> ()
      "tpu.region"() ({
        %run_scoped3A = tpu.sem_alloc : memref<!tpu.dma_semaphore, #tpu.memory_space<semaphore_mem>>
        %dma_start3A = arith.constant 16432 : i32
        %dma_start3A_22 = tpu.memref_slice %arg3[%dma_start3A] : memref<32832xi32, #tpu.memory_space<hbm>> -> memref<8192xi32, #tpu.memory_space<hbm>>
        %dma_start3A_23 = arith.constant 16432 : i32
        %dma_start3A_24 = tpu.memref_slice %arg3[%dma_start3A_23] : memref<32832xi32, #tpu.memory_space<hbm>> -> memref<8192xi32, #tpu.memory_space<hbm>>
        tpu.enqueue_dma source(%arg4 : memref<8192xi32, #tpu.memory_space<vmem>>) target(%dma_start3A_24 : memref<8192xi32, #tpu.memory_space<hbm>>) target_semaphore(%run_scoped3A : memref<!tpu.dma_semaphore, #tpu.memory_space<semaphore_mem>>)
        %dma_wait3A = arith.constant 16432 : i32
        %dma_wait3A_25 = tpu.memref_slice %arg3[%dma_wait3A] : memref<32832xi32, #tpu.memory_space<hbm>> -> memref<8192xi32, #tpu.memory_space<hbm>>
        %dma_wait3A_26 = arith.constant 16432 : i32
        %dma_wait3A_27 = tpu.memref_slice %arg3[%dma_wait3A_26] : memref<32832xi32, #tpu.memory_space<hbm>> -> memref<8192xi32, #tpu.memory_space<hbm>>
        tpu.wait_dma2 semaphore(%run_scoped3A : memref<!tpu.dma_semaphore, #tpu.memory_space<semaphore_mem>>) src(%arg4 : memref<8192xi32, #tpu.memory_space<vmem>>) dst(%dma_wait3A_27 : memref<8192xi32, #tpu.memory_space<hbm>>)
        tpu.yield
      }) : () -> ()
    } else {
    }
    %eq3A_13 = arith.constant 3 : i32
    %eq3A_14 = arith.cmpi eq, %add3A, %eq3A_13 : i32
    %convert_element_type3A_15 = arith.extui %eq3A_14 : i1 to i32
    %cond3A_16 = arith.constant 0 : i32
    %cond3A_17 = arith.cmpi ne, %convert_element_type3A_15, %cond3A_16 : i32
    scf.if %cond3A_17 {
      %broadcast_in_dim3A = arith.constant 1 : i32
      %broadcast_in_dim3A_18 = vector.broadcast %broadcast_in_dim3A : i32 to vector<16xi32>
      %swap3A = arith.constant 0 : index
      %swap3A_19 = tpu.vector_load %arg5[%swap3A] {strides = array<i32>} : memref<16xi32, #tpu.memory_space<vmem>>, vector<16xi32>,
      %swap3A_20 = vector.shape_cast %swap3A_19 : vector<16xi32> to vector<16xi32>
      %swap3A_21 = vector.shape_cast %broadcast_in_dim3A_18 : vector<16xi32> to vector<16xi32>
      tpu.vector_store %arg5[%swap3A], %swap3A_21 {strides = array<i32>} : memref<16xi32, #tpu.memory_space<vmem>>, vector<16xi32>,
      "tpu.region"() ({
        %run_scoped3A = tpu.sem_alloc : memref<!tpu.dma_semaphore, #tpu.memory_space<semaphore_mem>>
        %dma_start3A = arith.constant 24576 : i32
        %dma_start3A_22 = tpu.memref_slice %arg2[%dma_start3A] : memref<32768xi32, #tpu.memory_space<hbm>> -> memref<8192xi32, #tpu.memory_space<hbm>>
        %dma_start3A_23 = arith.constant 24576 : i32
        %dma_start3A_24 = tpu.memref_slice %arg2[%dma_start3A_23] : memref<32768xi32, #tpu.memory_space<hbm>> -> memref<8192xi32, #tpu.memory_space<hbm>>
        tpu.enqueue_dma source(%dma_start3A_24 : memref<8192xi32, #tpu.memory_space<hbm>>) target(%arg4 : memref<8192xi32, #tpu.memory_space<vmem>>) target_semaphore(%run_scoped3A : memref<!tpu.dma_semaphore, #tpu.memory_space<semaphore_mem>>)
        %dma_wait3A = arith.constant 24576 : i32
        %dma_wait3A_25 = tpu.memref_slice %arg2[%dma_wait3A] : memref<32768xi32, #tpu.memory_space<hbm>> -> memref<8192xi32, #tpu.memory_space<hbm>>
        %dma_wait3A_26 = arith.constant 24576 : i32
        %dma_wait3A_27 = tpu.memref_slice %arg2[%dma_wait3A_26] : memref<32768xi32, #tpu.memory_space<hbm>> -> memref<8192xi32, #tpu.memory_space<hbm>>
        tpu.wait_dma2 semaphore(%run_scoped3A : memref<!tpu.dma_semaphore, #tpu.memory_space<semaphore_mem>>) src(%dma_wait3A_27 : memref<8192xi32, #tpu.memory_space<hbm>>) dst(%arg4 : memref<8192xi32, #tpu.memory_space<vmem>>)
        tpu.yield
      }) : () -> ()
      "tpu.region"() ({
        %run_scoped3A = tpu.sem_alloc : memref<!tpu.dma_semaphore, #tpu.memory_space<semaphore_mem>>
        %dma_start3A = arith.constant 24624 : i32
        %dma_start3A_22 = tpu.memref_slice %arg3[%dma_start3A] : memref<32832xi32, #tpu.memory_space<hbm>> -> memref<16xi32, #tpu.memory_space<hbm>>
        %dma_start3A_23 = arith.constant 24624 : i32
        %dma_start3A_24 = tpu.memref_slice %arg3[%dma_start3A_23] : memref<32832xi32, #tpu.memory_space<hbm>> -> memref<16xi32, #tpu.memory_space<hbm>>
        tpu.enqueue_dma source(%arg5 : memref<16xi32, #tpu.memory_space<vmem>>) target(%dma_start3A_24 : memref<16xi32, #tpu.memory_space<hbm>>) target_semaphore(%run_scoped3A : memref<!tpu.dma_semaphore, #tpu.memory_space<semaphore_mem>>)
        %dma_wait3A = arith.constant 24624 : i32
        %dma_wait3A_25 = tpu.memref_slice %arg3[%dma_wait3A] : memref<32832xi32, #tpu.memory_space<hbm>> -> memref<16xi32, #tpu.memory_space<hbm>>
        %dma_wait3A_26 = arith.constant 24624 : i32
        %dma_wait3A_27 = tpu.memref_slice %arg3[%dma_wait3A_26] : memref<32832xi32, #tpu.memory_space<hbm>> -> memref<16xi32, #tpu.memory_space<hbm>>
        tpu.wait_dma2 semaphore(%run_scoped3A : memref<!tpu.dma_semaphore, #tpu.memory_space<semaphore_mem>>) src(%arg5 : memref<16xi32, #tpu.memory_space<vmem>>) dst(%dma_wait3A_27 : memref<16xi32, #tpu.memory_space<hbm>>)
        tpu.yield
      }) : () -> ()
      "tpu.region"() ({
        %run_scoped3A = tpu.sem_alloc : memref<!tpu.dma_semaphore, #tpu.memory_space<semaphore_mem>>
        %dma_start3A = arith.constant 24640 : i32
        %dma_start3A_22 = tpu.memref_slice %arg3[%dma_start3A] : memref<32832xi32, #tpu.memory_space<hbm>> -> memref<8192xi32, #tpu.memory_space<hbm>>
        %dma_start3A_23 = arith.constant 24640 : i32
        %dma_start3A_24 = tpu.memref_slice %arg3[%dma_start3A_23] : memref<32832xi32, #tpu.memory_space<hbm>> -> memref<8192xi32, #tpu.memory_space<hbm>>
        tpu.enqueue_dma source(%arg4 : memref<8192xi32, #tpu.memory_space<vmem>>) target(%dma_start3A_24 : memref<8192xi32, #tpu.memory_space<hbm>>) target_semaphore(%run_scoped3A : memref<!tpu.dma_semaphore, #tpu.memory_space<semaphore_mem>>)
        %dma_wait3A = arith.constant 24640 : i32
        %dma_wait3A_25 = tpu.memref_slice %arg3[%dma_wait3A] : memref<32832xi32, #tpu.memory_space<hbm>> -> memref<8192xi32, #tpu.memory_space<hbm>>
        %dma_wait3A_26 = arith.constant 24640 : i32
        %dma_wait3A_27 = tpu.memref_slice %arg3[%dma_wait3A_26] : memref<32832xi32, #tpu.memory_space<hbm>> -> memref<8192xi32, #tpu.memory_space<hbm>>
        tpu.wait_dma2 semaphore(%run_scoped3A : memref<!tpu.dma_semaphore, #tpu.memory_space<semaphore_mem>>) src(%arg4 : memref<8192xi32, #tpu.memory_space<vmem>>) dst(%dma_wait3A_27 : memref<8192xi32, #tpu.memory_space<hbm>>)
        tpu.yield
      }) : () -> ()
    } else {
    }
    return
  }
}

module attributes {stable_mosaic.version = 14 : i64} {
  func.func @_stream_kernel(%arg0: memref<1xi32, #tpu.memory_space<smem>>, %arg1: memref<24x16x1024xf32, #tpu.memory_space<any>>, %arg2: memref<4x8192x1024xf32, #tpu.memory_space<any>>, %arg3: memref<4x8208x1024xf32, #tpu.memory_space<any>>, %arg4: memref<6x1024x1024xf32, #tpu.memory_space<vmem>>, %arg5: memref<6x!tpu.dma_semaphore, #tpu.memory_space<semaphore_mem>>, %arg6: memref<6x!tpu.dma_semaphore, #tpu.memory_space<semaphore_mem>>, %arg7: memref<!tpu.dma_semaphore, #tpu.memory_space<semaphore_mem>>) attributes {dimension_semantics = [], scalar_prefetch = 0 : i64, scratch_operands = 4 : i64, tpu.core_type = #tpu.core_type<tc>} {
    %dma_start3A = arith.constant 0 : i32
    %dma_start3A_0 = tpu.memref_slice %arg5[%dma_start3A] : memref<6x!tpu.dma_semaphore, #tpu.memory_space<semaphore_mem>> -> memref<1x!tpu.dma_semaphore, #tpu.memory_space<semaphore_mem>>
    %dma_start3A_1 = tpu.memref_squeeze %dma_start3A_0 : memref<1x!tpu.dma_semaphore, #tpu.memory_space<semaphore_mem>> -> memref<!tpu.dma_semaphore, #tpu.memory_space<semaphore_mem>>
    %dma_start3A_2 = arith.constant 0 : i32
    %dma_start3A_3 = arith.constant 0 : i32
    %dma_start3A_4 = arith.constant 0 : i32
    %dma_start3A_5 = tpu.memref_slice %arg4[%dma_start3A_2, %dma_start3A_3, %dma_start3A_4] : memref<6x1024x1024xf32, #tpu.memory_space<vmem>> -> memref<1x128x1024xf32, #tpu.memory_space<vmem>>
    %dma_start3A_6 = arith.constant 0 : i32
    %dma_start3A_7 = arith.constant 0 : i32
    %dma_start3A_8 = arith.constant 0 : i32
    %dma_start3A_9 = tpu.memref_slice %arg2[%dma_start3A_6, %dma_start3A_7, %dma_start3A_8] : memref<4x8192x1024xf32, #tpu.memory_space<any>> -> memref<1x128x1024xf32, #tpu.memory_space<any>>
    tpu.enqueue_dma source(%dma_start3A_9 : memref<1x128x1024xf32, #tpu.memory_space<any>>) target(%dma_start3A_5 : memref<1x128x1024xf32, #tpu.memory_space<vmem>>) target_semaphore(%dma_start3A_1 : memref<!tpu.dma_semaphore, #tpu.memory_space<semaphore_mem>>)
    %dma_start3A_10 = arith.constant 1 : i32
    %dma_start3A_11 = tpu.memref_slice %arg5[%dma_start3A_10] : memref<6x!tpu.dma_semaphore, #tpu.memory_space<semaphore_mem>> -> memref<1x!tpu.dma_semaphore, #tpu.memory_space<semaphore_mem>>
    %dma_start3A_12 = tpu.memref_squeeze %dma_start3A_11 : memref<1x!tpu.dma_semaphore, #tpu.memory_space<semaphore_mem>> -> memref<!tpu.dma_semaphore, #tpu.memory_space<semaphore_mem>>
    %dma_start3A_13 = arith.constant 1 : i32
    %dma_start3A_14 = arith.constant 0 : i32
    %dma_start3A_15 = arith.constant 0 : i32
    %dma_start3A_16 = tpu.memref_slice %arg4[%dma_start3A_13, %dma_start3A_14, %dma_start3A_15] : memref<6x1024x1024xf32, #tpu.memory_space<vmem>> -> memref<1x128x1024xf32, #tpu.memory_space<vmem>>
    %dma_start3A_17 = arith.constant 0 : i32
    %dma_start3A_18 = arith.constant 128 : i32
    %dma_start3A_19 = arith.constant 0 : i32
    %dma_start3A_20 = tpu.memref_slice %arg2[%dma_start3A_17, %dma_start3A_18, %dma_start3A_19] : memref<4x8192x1024xf32, #tpu.memory_space<any>> -> memref<1x128x1024xf32, #tpu.memory_space<any>>
    tpu.enqueue_dma source(%dma_start3A_20 : memref<1x128x1024xf32, #tpu.memory_space<any>>) target(%dma_start3A_16 : memref<1x128x1024xf32, #tpu.memory_space<vmem>>) target_semaphore(%dma_start3A_12 : memref<!tpu.dma_semaphore, #tpu.memory_space<semaphore_mem>>)
    %dma_start3A_21 = arith.constant 2 : i32
    %dma_start3A_22 = tpu.memref_slice %arg5[%dma_start3A_21] : memref<6x!tpu.dma_semaphore, #tpu.memory_space<semaphore_mem>> -> memref<1x!tpu.dma_semaphore, #tpu.memory_space<semaphore_mem>>
    %dma_start3A_23 = tpu.memref_squeeze %dma_start3A_22 : memref<1x!tpu.dma_semaphore, #tpu.memory_space<semaphore_mem>> -> memref<!tpu.dma_semaphore, #tpu.memory_space<semaphore_mem>>
    %dma_start3A_24 = arith.constant 2 : i32
    %dma_start3A_25 = arith.constant 0 : i32
    %dma_start3A_26 = arith.constant 0 : i32
    %dma_start3A_27 = tpu.memref_slice %arg4[%dma_start3A_24, %dma_start3A_25, %dma_start3A_26] : memref<6x1024x1024xf32, #tpu.memory_space<vmem>> -> memref<1x256x1024xf32, #tpu.memory_space<vmem>>
    %dma_start3A_28 = arith.constant 0 : i32
    %dma_start3A_29 = arith.constant 256 : i32
    %dma_start3A_30 = arith.constant 0 : i32
    %dma_start3A_31 = tpu.memref_slice %arg2[%dma_start3A_28, %dma_start3A_29, %dma_start3A_30] : memref<4x8192x1024xf32, #tpu.memory_space<any>> -> memref<1x256x1024xf32, #tpu.memory_space<any>>
    tpu.enqueue_dma source(%dma_start3A_31 : memref<1x256x1024xf32, #tpu.memory_space<any>>) target(%dma_start3A_27 : memref<1x256x1024xf32, #tpu.memory_space<vmem>>) target_semaphore(%dma_start3A_23 : memref<!tpu.dma_semaphore, #tpu.memory_space<semaphore_mem>>)
    %dma_start3A_32 = arith.constant 3 : i32
    %dma_start3A_33 = tpu.memref_slice %arg5[%dma_start3A_32] : memref<6x!tpu.dma_semaphore, #tpu.memory_space<semaphore_mem>> -> memref<1x!tpu.dma_semaphore, #tpu.memory_space<semaphore_mem>>
    %dma_start3A_34 = tpu.memref_squeeze %dma_start3A_33 : memref<1x!tpu.dma_semaphore, #tpu.memory_space<semaphore_mem>> -> memref<!tpu.dma_semaphore, #tpu.memory_space<semaphore_mem>>
    %dma_start3A_35 = arith.constant 3 : i32
    %dma_start3A_36 = arith.constant 0 : i32
    %dma_start3A_37 = arith.constant 0 : i32
    %dma_start3A_38 = tpu.memref_slice %arg4[%dma_start3A_35, %dma_start3A_36, %dma_start3A_37] : memref<6x1024x1024xf32, #tpu.memory_space<vmem>> -> memref<1x512x1024xf32, #tpu.memory_space<vmem>>
    %dma_start3A_39 = arith.constant 0 : i32
    %dma_start3A_40 = arith.constant 512 : i32
    %dma_start3A_41 = arith.constant 0 : i32
    %dma_start3A_42 = tpu.memref_slice %arg2[%dma_start3A_39, %dma_start3A_40, %dma_start3A_41] : memref<4x8192x1024xf32, #tpu.memory_space<any>> -> memref<1x512x1024xf32, #tpu.memory_space<any>>
    tpu.enqueue_dma source(%dma_start3A_42 : memref<1x512x1024xf32, #tpu.memory_space<any>>) target(%dma_start3A_38 : memref<1x512x1024xf32, #tpu.memory_space<vmem>>) target_semaphore(%dma_start3A_34 : memref<!tpu.dma_semaphore, #tpu.memory_space<semaphore_mem>>)
    %get3A = arith.constant 0 : index
    %get3A_43 = memref.load %arg0[%get3A] : memref<1xi32, #tpu.memory_space<smem>>
    %dma_start3A_44 = arith.constant 0 : i32
    %dma_start3A_45 = arith.constant 0 : i32
    %dma_start3A_46 = arith.constant 0 : i32
    %dma_start3A_47 = tpu.memref_slice %arg3[%dma_start3A_44, %dma_start3A_45, %dma_start3A_46] : memref<4x8208x1024xf32, #tpu.memory_space<any>> -> memref<1x16x1024xf32, #tpu.memory_space<any>>
    %dma_start3A_48 = arith.constant 0 : i32
    %dma_start3A_49 = arith.constant 0 : i32
    %dma_start3A_50 = tpu.memref_slice %arg1[%get3A_43, %dma_start3A_48, %dma_start3A_49] : memref<24x16x1024xf32, #tpu.memory_space<any>> -> memref<1x16x1024xf32, #tpu.memory_space<any>>
    tpu.enqueue_dma source(%dma_start3A_50 : memref<1x16x1024xf32, #tpu.memory_space<any>>) target(%dma_start3A_47 : memref<1x16x1024xf32, #tpu.memory_space<any>>) target_semaphore(%arg7 : memref<!tpu.dma_semaphore, #tpu.memory_space<semaphore_mem>>)
    %get3A_51 = arith.constant 0 : index
    %get3A_52 = memref.load %arg0[%get3A_51] : memref<1xi32, #tpu.memory_space<smem>>
    %dma_start3A_53 = arith.constant 1 : i32
    %dma_start3A_54 = arith.constant 0 : i32
    %dma_start3A_55 = arith.constant 0 : i32
    %dma_start3A_56 = tpu.memref_slice %arg3[%dma_start3A_53, %dma_start3A_54, %dma_start3A_55] : memref<4x8208x1024xf32, #tpu.memory_space<any>> -> memref<1x16x1024xf32, #tpu.memory_space<any>>
    %dma_start3A_57 = arith.constant 0 : i32
    %dma_start3A_58 = arith.constant 0 : i32
    %dma_start3A_59 = tpu.memref_slice %arg1[%get3A_52, %dma_start3A_57, %dma_start3A_58] : memref<24x16x1024xf32, #tpu.memory_space<any>> -> memref<1x16x1024xf32, #tpu.memory_space<any>>
    tpu.enqueue_dma source(%dma_start3A_59 : memref<1x16x1024xf32, #tpu.memory_space<any>>) target(%dma_start3A_56 : memref<1x16x1024xf32, #tpu.memory_space<any>>) target_semaphore(%arg7 : memref<!tpu.dma_semaphore, #tpu.memory_space<semaphore_mem>>)
    %get3A_60 = arith.constant 0 : index
    %get3A_61 = memref.load %arg0[%get3A_60] : memref<1xi32, #tpu.memory_space<smem>>
    %dma_start3A_62 = arith.constant 2 : i32
    %dma_start3A_63 = arith.constant 0 : i32
    %dma_start3A_64 = arith.constant 0 : i32
    %dma_start3A_65 = tpu.memref_slice %arg3[%dma_start3A_62, %dma_start3A_63, %dma_start3A_64] : memref<4x8208x1024xf32, #tpu.memory_space<any>> -> memref<1x16x1024xf32, #tpu.memory_space<any>>
    %dma_start3A_66 = arith.constant 0 : i32
    %dma_start3A_67 = arith.constant 0 : i32
    %dma_start3A_68 = tpu.memref_slice %arg1[%get3A_61, %dma_start3A_66, %dma_start3A_67] : memref<24x16x1024xf32, #tpu.memory_space<any>> -> memref<1x16x1024xf32, #tpu.memory_space<any>>
    tpu.enqueue_dma source(%dma_start3A_68 : memref<1x16x1024xf32, #tpu.memory_space<any>>) target(%dma_start3A_65 : memref<1x16x1024xf32, #tpu.memory_space<any>>) target_semaphore(%arg7 : memref<!tpu.dma_semaphore, #tpu.memory_space<semaphore_mem>>)
    %get3A_69 = arith.constant 0 : index
    %get3A_70 = memref.load %arg0[%get3A_69] : memref<1xi32, #tpu.memory_space<smem>>
    %dma_start3A_71 = arith.constant 3 : i32
    %dma_start3A_72 = arith.constant 0 : i32
    %dma_start3A_73 = arith.constant 0 : i32
    %dma_start3A_74 = tpu.memref_slice %arg3[%dma_start3A_71, %dma_start3A_72, %dma_start3A_73] : memref<4x8208x1024xf32, #tpu.memory_space<any>> -> memref<1x16x1024xf32, #tpu.memory_space<any>>
    %dma_start3A_75 = arith.constant 0 : i32
    %dma_start3A_76 = arith.constant 0 : i32
    %dma_start3A_77 = tpu.memref_slice %arg1[%get3A_70, %dma_start3A_75, %dma_start3A_76] : memref<24x16x1024xf32, #tpu.memory_space<any>> -> memref<1x16x1024xf32, #tpu.memory_space<any>>
    tpu.enqueue_dma source(%dma_start3A_77 : memref<1x16x1024xf32, #tpu.memory_space<any>>) target(%dma_start3A_74 : memref<1x16x1024xf32, #tpu.memory_space<any>>) target_semaphore(%arg7 : memref<!tpu.dma_semaphore, #tpu.memory_space<semaphore_mem>>)
    %dma_start3A_78 = arith.constant 4 : i32
    %dma_start3A_79 = tpu.memref_slice %arg5[%dma_start3A_78] : memref<6x!tpu.dma_semaphore, #tpu.memory_space<semaphore_mem>> -> memref<1x!tpu.dma_semaphore, #tpu.memory_space<semaphore_mem>>
    %dma_start3A_80 = tpu.memref_squeeze %dma_start3A_79 : memref<1x!tpu.dma_semaphore, #tpu.memory_space<semaphore_mem>> -> memref<!tpu.dma_semaphore, #tpu.memory_space<semaphore_mem>>
    %dma_start3A_81 = arith.constant 4 : i32
    %dma_start3A_82 = arith.constant 0 : i32
    %dma_start3A_83 = arith.constant 0 : i32
    %dma_start3A_84 = tpu.memref_slice %arg4[%dma_start3A_81, %dma_start3A_82, %dma_start3A_83] : memref<6x1024x1024xf32, #tpu.memory_space<vmem>> -> memref<1x1024x1024xf32, #tpu.memory_space<vmem>>
    %dma_start3A_85 = arith.constant 0 : i32
    %dma_start3A_86 = arith.constant 1024 : i32
    %dma_start3A_87 = arith.constant 0 : i32
    %dma_start3A_88 = tpu.memref_slice %arg2[%dma_start3A_85, %dma_start3A_86, %dma_start3A_87] : memref<4x8192x1024xf32, #tpu.memory_space<any>> -> memref<1x1024x1024xf32, #tpu.memory_space<any>>
    tpu.enqueue_dma source(%dma_start3A_88 : memref<1x1024x1024xf32, #tpu.memory_space<any>>) target(%dma_start3A_84 : memref<1x1024x1024xf32, #tpu.memory_space<vmem>>) target_semaphore(%dma_start3A_80 : memref<!tpu.dma_semaphore, #tpu.memory_space<semaphore_mem>>)
    %dma_wait3A = arith.constant 0 : i32
    %dma_wait3A_89 = tpu.memref_slice %arg5[%dma_wait3A] : memref<6x!tpu.dma_semaphore, #tpu.memory_space<semaphore_mem>> -> memref<1x!tpu.dma_semaphore, #tpu.memory_space<semaphore_mem>>
    %dma_wait3A_90 = tpu.memref_squeeze %dma_wait3A_89 : memref<1x!tpu.dma_semaphore, #tpu.memory_space<semaphore_mem>> -> memref<!tpu.dma_semaphore, #tpu.memory_space<semaphore_mem>>
    %dma_wait3A_91 = arith.constant 0 : i32
    %dma_wait3A_92 = arith.constant 0 : i32
    %dma_wait3A_93 = arith.constant 0 : i32
    %dma_wait3A_94 = tpu.memref_slice %arg4[%dma_wait3A_91, %dma_wait3A_92, %dma_wait3A_93] : memref<6x1024x1024xf32, #tpu.memory_space<vmem>> -> memref<1x128x1024xf32, #tpu.memory_space<vmem>>
    %dma_wait3A_95 = arith.constant 0 : i32
    %dma_wait3A_96 = arith.constant 0 : i32
    %dma_wait3A_97 = arith.constant 0 : i32
    %dma_wait3A_98 = tpu.memref_slice %arg2[%dma_wait3A_95, %dma_wait3A_96, %dma_wait3A_97] : memref<4x8192x1024xf32, #tpu.memory_space<any>> -> memref<1x128x1024xf32, #tpu.memory_space<any>>
    tpu.wait_dma2 semaphore(%dma_wait3A_90 : memref<!tpu.dma_semaphore, #tpu.memory_space<semaphore_mem>>) src(%dma_wait3A_98 : memref<1x128x1024xf32, #tpu.memory_space<any>>) dst(%dma_wait3A_94 : memref<1x128x1024xf32, #tpu.memory_space<vmem>>)
    %dma_start3A_99 = arith.constant 0 : i32
    %dma_start3A_100 = tpu.memref_slice %arg6[%dma_start3A_99] : memref<6x!tpu.dma_semaphore, #tpu.memory_space<semaphore_mem>> -> memref<1x!tpu.dma_semaphore, #tpu.memory_space<semaphore_mem>>
    %dma_start3A_101 = tpu.memref_squeeze %dma_start3A_100 : memref<1x!tpu.dma_semaphore, #tpu.memory_space<semaphore_mem>> -> memref<!tpu.dma_semaphore, #tpu.memory_space<semaphore_mem>>
    %dma_start3A_102 = arith.constant 0 : i32
    %dma_start3A_103 = arith.constant 16 : i32
    %dma_start3A_104 = arith.constant 0 : i32
    %dma_start3A_105 = tpu.memref_slice %arg3[%dma_start3A_102, %dma_start3A_103, %dma_start3A_104] : memref<4x8208x1024xf32, #tpu.memory_space<any>> -> memref<1x128x1024xf32, #tpu.memory_space<any>>
    %dma_start3A_106 = arith.constant 0 : i32
    %dma_start3A_107 = arith.constant 0 : i32
    %dma_start3A_108 = arith.constant 0 : i32
    %dma_start3A_109 = tpu.memref_slice %arg4[%dma_start3A_106, %dma_start3A_107, %dma_start3A_108] : memref<6x1024x1024xf32, #tpu.memory_space<vmem>> -> memref<1x128x1024xf32, #tpu.memory_space<vmem>>
    tpu.enqueue_dma source(%dma_start3A_109 : memref<1x128x1024xf32, #tpu.memory_space<vmem>>) target(%dma_start3A_105 : memref<1x128x1024xf32, #tpu.memory_space<any>>) target_semaphore(%dma_start3A_101 : memref<!tpu.dma_semaphore, #tpu.memory_space<semaphore_mem>>)
    %dma_start3A_110 = arith.constant 5 : i32
    %dma_start3A_111 = tpu.memref_slice %arg5[%dma_start3A_110] : memref<6x!tpu.dma_semaphore, #tpu.memory_space<semaphore_mem>> -> memref<1x!tpu.dma_semaphore, #tpu.memory_space<semaphore_mem>>
    %dma_start3A_112 = tpu.memref_squeeze %dma_start3A_111 : memref<1x!tpu.dma_semaphore, #tpu.memory_space<semaphore_mem>> -> memref<!tpu.dma_semaphore, #tpu.memory_space<semaphore_mem>>
    %dma_start3A_113 = arith.constant 5 : i32
    %dma_start3A_114 = arith.constant 0 : i32
    %dma_start3A_115 = arith.constant 0 : i32
    %dma_start3A_116 = tpu.memref_slice %arg4[%dma_start3A_113, %dma_start3A_114, %dma_start3A_115] : memref<6x1024x1024xf32, #tpu.memory_space<vmem>> -> memref<1x1024x1024xf32, #tpu.memory_space<vmem>>
    %dma_start3A_117 = arith.constant 0 : i32
    %dma_start3A_118 = arith.constant 2048 : i32
    %dma_start3A_119 = arith.constant 0 : i32
    %dma_start3A_120 = tpu.memref_slice %arg2[%dma_start3A_117, %dma_start3A_118, %dma_start3A_119] : memref<4x8192x1024xf32, #tpu.memory_space<any>> -> memref<1x1024x1024xf32, #tpu.memory_space<any>>
    tpu.enqueue_dma source(%dma_start3A_120 : memref<1x1024x1024xf32, #tpu.memory_space<any>>) target(%dma_start3A_116 : memref<1x1024x1024xf32, #tpu.memory_space<vmem>>) target_semaphore(%dma_start3A_112 : memref<!tpu.dma_semaphore, #tpu.memory_space<semaphore_mem>>)
    %dma_wait3A_121 = arith.constant 1 : i32
    %dma_wait3A_122 = tpu.memref_slice %arg5[%dma_wait3A_121] : memref<6x!tpu.dma_semaphore, #tpu.memory_space<semaphore_mem>> -> memref<1x!tpu.dma_semaphore, #tpu.memory_space<semaphore_mem>>
    %dma_wait3A_123 = tpu.memref_squeeze %dma_wait3A_122 : memref<1x!tpu.dma_semaphore, #tpu.memory_space<semaphore_mem>> -> memref<!tpu.dma_semaphore, #tpu.memory_space<semaphore_mem>>
    %dma_wait3A_124 = arith.constant 1 : i32
    %dma_wait3A_125 = arith.constant 0 : i32
    %dma_wait3A_126 = arith.constant 0 : i32
    %dma_wait3A_127 = tpu.memref_slice %arg4[%dma_wait3A_124, %dma_wait3A_125, %dma_wait3A_126] : memref<6x1024x1024xf32, #tpu.memory_space<vmem>> -> memref<1x128x1024xf32, #tpu.memory_space<vmem>>
    %dma_wait3A_128 = arith.constant 0 : i32
    %dma_wait3A_129 = arith.constant 128 : i32
    %dma_wait3A_130 = arith.constant 0 : i32
    %dma_wait3A_131 = tpu.memref_slice %arg2[%dma_wait3A_128, %dma_wait3A_129, %dma_wait3A_130] : memref<4x8192x1024xf32, #tpu.memory_space<any>> -> memref<1x128x1024xf32, #tpu.memory_space<any>>
    tpu.wait_dma2 semaphore(%dma_wait3A_123 : memref<!tpu.dma_semaphore, #tpu.memory_space<semaphore_mem>>) src(%dma_wait3A_131 : memref<1x128x1024xf32, #tpu.memory_space<any>>) dst(%dma_wait3A_127 : memref<1x128x1024xf32, #tpu.memory_space<vmem>>)
    %dma_start3A_132 = arith.constant 1 : i32
    %dma_start3A_133 = tpu.memref_slice %arg6[%dma_start3A_132] : memref<6x!tpu.dma_semaphore, #tpu.memory_space<semaphore_mem>> -> memref<1x!tpu.dma_semaphore, #tpu.memory_space<semaphore_mem>>
    %dma_start3A_134 = tpu.memref_squeeze %dma_start3A_133 : memref<1x!tpu.dma_semaphore, #tpu.memory_space<semaphore_mem>> -> memref<!tpu.dma_semaphore, #tpu.memory_space<semaphore_mem>>
    %dma_start3A_135 = arith.constant 0 : i32
    %dma_start3A_136 = arith.constant 144 : i32
    %dma_start3A_137 = arith.constant 0 : i32
    %dma_start3A_138 = tpu.memref_slice %arg3[%dma_start3A_135, %dma_start3A_136, %dma_start3A_137] : memref<4x8208x1024xf32, #tpu.memory_space<any>> -> memref<1x128x1024xf32, #tpu.memory_space<any>>
    %dma_start3A_139 = arith.constant 1 : i32
    %dma_start3A_140 = arith.constant 0 : i32
    %dma_start3A_141 = arith.constant 0 : i32
    %dma_start3A_142 = tpu.memref_slice %arg4[%dma_start3A_139, %dma_start3A_140, %dma_start3A_141] : memref<6x1024x1024xf32, #tpu.memory_space<vmem>> -> memref<1x128x1024xf32, #tpu.memory_space<vmem>>
    tpu.enqueue_dma source(%dma_start3A_142 : memref<1x128x1024xf32, #tpu.memory_space<vmem>>) target(%dma_start3A_138 : memref<1x128x1024xf32, #tpu.memory_space<any>>) target_semaphore(%dma_start3A_134 : memref<!tpu.dma_semaphore, #tpu.memory_space<semaphore_mem>>)
    %dma_wait3A_143 = arith.constant 0 : i32
    %dma_wait3A_144 = tpu.memref_slice %arg6[%dma_wait3A_143] : memref<6x!tpu.dma_semaphore, #tpu.memory_space<semaphore_mem>> -> memref<1x!tpu.dma_semaphore, #tpu.memory_space<semaphore_mem>>
    %dma_wait3A_145 = tpu.memref_squeeze %dma_wait3A_144 : memref<1x!tpu.dma_semaphore, #tpu.memory_space<semaphore_mem>> -> memref<!tpu.dma_semaphore, #tpu.memory_space<semaphore_mem>>
    %dma_wait3A_146 = arith.constant 0 : i32
    %dma_wait3A_147 = arith.constant 16 : i32
    %dma_wait3A_148 = arith.constant 0 : i32
    %dma_wait3A_149 = tpu.memref_slice %arg3[%dma_wait3A_146, %dma_wait3A_147, %dma_wait3A_148] : memref<4x8208x1024xf32, #tpu.memory_space<any>> -> memref<1x128x1024xf32, #tpu.memory_space<any>>
    %dma_wait3A_150 = arith.constant 0 : i32
    %dma_wait3A_151 = arith.constant 0 : i32
    %dma_wait3A_152 = arith.constant 0 : i32
    %dma_wait3A_153 = tpu.memref_slice %arg4[%dma_wait3A_150, %dma_wait3A_151, %dma_wait3A_152] : memref<6x1024x1024xf32, #tpu.memory_space<vmem>> -> memref<1x128x1024xf32, #tpu.memory_space<vmem>>
    tpu.wait_dma2 semaphore(%dma_wait3A_145 : memref<!tpu.dma_semaphore, #tpu.memory_space<semaphore_mem>>) src(%dma_wait3A_153 : memref<1x128x1024xf32, #tpu.memory_space<vmem>>) dst(%dma_wait3A_149 : memref<1x128x1024xf32, #tpu.memory_space<any>>)
    %dma_start3A_154 = arith.constant 0 : i32
    %dma_start3A_155 = tpu.memref_slice %arg5[%dma_start3A_154] : memref<6x!tpu.dma_semaphore, #tpu.memory_space<semaphore_mem>> -> memref<1x!tpu.dma_semaphore, #tpu.memory_space<semaphore_mem>>
    %dma_start3A_156 = tpu.memref_squeeze %dma_start3A_155 : memref<1x!tpu.dma_semaphore, #tpu.memory_space<semaphore_mem>> -> memref<!tpu.dma_semaphore, #tpu.memory_space<semaphore_mem>>
    %dma_start3A_157 = arith.constant 0 : i32
    %dma_start3A_158 = arith.constant 0 : i32
    %dma_start3A_159 = arith.constant 0 : i32
    %dma_start3A_160 = tpu.memref_slice %arg4[%dma_start3A_157, %dma_start3A_158, %dma_start3A_159] : memref<6x1024x1024xf32, #tpu.memory_space<vmem>> -> memref<1x1024x1024xf32, #tpu.memory_space<vmem>>
    %dma_start3A_161 = arith.constant 0 : i32
    %dma_start3A_162 = arith.constant 3072 : i32
    %dma_start3A_163 = arith.constant 0 : i32
    %dma_start3A_164 = tpu.memref_slice %arg2[%dma_start3A_161, %dma_start3A_162, %dma_start3A_163] : memref<4x8192x1024xf32, #tpu.memory_space<any>> -> memref<1x1024x1024xf32, #tpu.memory_space<any>>
    tpu.enqueue_dma source(%dma_start3A_164 : memref<1x1024x1024xf32, #tpu.memory_space<any>>) target(%dma_start3A_160 : memref<1x1024x1024xf32, #tpu.memory_space<vmem>>) target_semaphore(%dma_start3A_156 : memref<!tpu.dma_semaphore, #tpu.memory_space<semaphore_mem>>)
    %dma_wait3A_165 = arith.constant 2 : i32
    %dma_wait3A_166 = tpu.memref_slice %arg5[%dma_wait3A_165] : memref<6x!tpu.dma_semaphore, #tpu.memory_space<semaphore_mem>> -> memref<1x!tpu.dma_semaphore, #tpu.memory_space<semaphore_mem>>
    %dma_wait3A_167 = tpu.memref_squeeze %dma_wait3A_166 : memref<1x!tpu.dma_semaphore, #tpu.memory_space<semaphore_mem>> -> memref<!tpu.dma_semaphore, #tpu.memory_space<semaphore_mem>>
    %dma_wait3A_168 = arith.constant 2 : i32
    %dma_wait3A_169 = arith.constant 0 : i32
    %dma_wait3A_170 = arith.constant 0 : i32
    %dma_wait3A_171 = tpu.memref_slice %arg4[%dma_wait3A_168, %dma_wait3A_169, %dma_wait3A_170] : memref<6x1024x1024xf32, #tpu.memory_space<vmem>> -> memref<1x256x1024xf32, #tpu.memory_space<vmem>>
    %dma_wait3A_172 = arith.constant 0 : i32
    %dma_wait3A_173 = arith.constant 256 : i32
    %dma_wait3A_174 = arith.constant 0 : i32
    %dma_wait3A_175 = tpu.memref_slice %arg2[%dma_wait3A_172, %dma_wait3A_173, %dma_wait3A_174] : memref<4x8192x1024xf32, #tpu.memory_space<any>> -> memref<1x256x1024xf32, #tpu.memory_space<any>>
    tpu.wait_dma2 semaphore(%dma_wait3A_167 : memref<!tpu.dma_semaphore, #tpu.memory_space<semaphore_mem>>) src(%dma_wait3A_175 : memref<1x256x1024xf32, #tpu.memory_space<any>>) dst(%dma_wait3A_171 : memref<1x256x1024xf32, #tpu.memory_space<vmem>>)
    %dma_start3A_176 = arith.constant 2 : i32
    %dma_start3A_177 = tpu.memref_slice %arg6[%dma_start3A_176] : memref<6x!tpu.dma_semaphore, #tpu.memory_space<semaphore_mem>> -> memref<1x!tpu.dma_semaphore, #tpu.memory_space<semaphore_mem>>
    %dma_start3A_178 = tpu.memref_squeeze %dma_start3A_177 : memref<1x!tpu.dma_semaphore, #tpu.memory_space<semaphore_mem>> -> memref<!tpu.dma_semaphore, #tpu.memory_space<semaphore_mem>>
    %dma_start3A_179 = arith.constant 0 : i32
    %dma_start3A_180 = arith.constant 272 : i32
    %dma_start3A_181 = arith.constant 0 : i32
    %dma_start3A_182 = tpu.memref_slice %arg3[%dma_start3A_179, %dma_start3A_180, %dma_start3A_181] : memref<4x8208x1024xf32, #tpu.memory_space<any>> -> memref<1x256x1024xf32, #tpu.memory_space<any>>
    %dma_start3A_183 = arith.constant 2 : i32
    %dma_start3A_184 = arith.constant 0 : i32
    %dma_start3A_185 = arith.constant 0 : i32
    %dma_start3A_186 = tpu.memref_slice %arg4[%dma_start3A_183, %dma_start3A_184, %dma_start3A_185] : memref<6x1024x1024xf32, #tpu.memory_space<vmem>> -> memref<1x256x1024xf32, #tpu.memory_space<vmem>>
    tpu.enqueue_dma source(%dma_start3A_186 : memref<1x256x1024xf32, #tpu.memory_space<vmem>>) target(%dma_start3A_182 : memref<1x256x1024xf32, #tpu.memory_space<any>>) target_semaphore(%dma_start3A_178 : memref<!tpu.dma_semaphore, #tpu.memory_space<semaphore_mem>>)
    %dma_wait3A_187 = arith.constant 1 : i32
    %dma_wait3A_188 = tpu.memref_slice %arg6[%dma_wait3A_187] : memref<6x!tpu.dma_semaphore, #tpu.memory_space<semaphore_mem>> -> memref<1x!tpu.dma_semaphore, #tpu.memory_space<semaphore_mem>>
    %dma_wait3A_189 = tpu.memref_squeeze %dma_wait3A_188 : memref<1x!tpu.dma_semaphore, #tpu.memory_space<semaphore_mem>> -> memref<!tpu.dma_semaphore, #tpu.memory_space<semaphore_mem>>
    %dma_wait3A_190 = arith.constant 0 : i32
    %dma_wait3A_191 = arith.constant 144 : i32
    %dma_wait3A_192 = arith.constant 0 : i32
    %dma_wait3A_193 = tpu.memref_slice %arg3[%dma_wait3A_190, %dma_wait3A_191, %dma_wait3A_192] : memref<4x8208x1024xf32, #tpu.memory_space<any>> -> memref<1x128x1024xf32, #tpu.memory_space<any>>
    %dma_wait3A_194 = arith.constant 1 : i32
    %dma_wait3A_195 = arith.constant 0 : i32
    %dma_wait3A_196 = arith.constant 0 : i32
    %dma_wait3A_197 = tpu.memref_slice %arg4[%dma_wait3A_194, %dma_wait3A_195, %dma_wait3A_196] : memref<6x1024x1024xf32, #tpu.memory_space<vmem>> -> memref<1x128x1024xf32, #tpu.memory_space<vmem>>
    tpu.wait_dma2 semaphore(%dma_wait3A_189 : memref<!tpu.dma_semaphore, #tpu.memory_space<semaphore_mem>>) src(%dma_wait3A_197 : memref<1x128x1024xf32, #tpu.memory_space<vmem>>) dst(%dma_wait3A_193 : memref<1x128x1024xf32, #tpu.memory_space<any>>)
    %dma_start3A_198 = arith.constant 1 : i32
    %dma_start3A_199 = tpu.memref_slice %arg5[%dma_start3A_198] : memref<6x!tpu.dma_semaphore, #tpu.memory_space<semaphore_mem>> -> memref<1x!tpu.dma_semaphore, #tpu.memory_space<semaphore_mem>>
    %dma_start3A_200 = tpu.memref_squeeze %dma_start3A_199 : memref<1x!tpu.dma_semaphore, #tpu.memory_space<semaphore_mem>> -> memref<!tpu.dma_semaphore, #tpu.memory_space<semaphore_mem>>
    %dma_start3A_201 = arith.constant 1 : i32
    %dma_start3A_202 = arith.constant 0 : i32
    %dma_start3A_203 = arith.constant 0 : i32
    %dma_start3A_204 = tpu.memref_slice %arg4[%dma_start3A_201, %dma_start3A_202, %dma_start3A_203] : memref<6x1024x1024xf32, #tpu.memory_space<vmem>> -> memref<1x1024x1024xf32, #tpu.memory_space<vmem>>
    %dma_start3A_205 = arith.constant 0 : i32
    %dma_start3A_206 = arith.constant 4096 : i32
    %dma_start3A_207 = arith.constant 0 : i32
    %dma_start3A_208 = tpu.memref_slice %arg2[%dma_start3A_205, %dma_start3A_206, %dma_start3A_207] : memref<4x8192x1024xf32, #tpu.memory_space<any>> -> memref<1x1024x1024xf32, #tpu.memory_space<any>>
    tpu.enqueue_dma source(%dma_start3A_208 : memref<1x1024x1024xf32, #tpu.memory_space<any>>) target(%dma_start3A_204 : memref<1x1024x1024xf32, #tpu.memory_space<vmem>>) target_semaphore(%dma_start3A_200 : memref<!tpu.dma_semaphore, #tpu.memory_space<semaphore_mem>>)
    %dma_wait3A_209 = arith.constant 3 : i32
    %dma_wait3A_210 = tpu.memref_slice %arg5[%dma_wait3A_209] : memref<6x!tpu.dma_semaphore, #tpu.memory_space<semaphore_mem>> -> memref<1x!tpu.dma_semaphore, #tpu.memory_space<semaphore_mem>>
    %dma_wait3A_211 = tpu.memref_squeeze %dma_wait3A_210 : memref<1x!tpu.dma_semaphore, #tpu.memory_space<semaphore_mem>> -> memref<!tpu.dma_semaphore, #tpu.memory_space<semaphore_mem>>
    %dma_wait3A_212 = arith.constant 3 : i32
    %dma_wait3A_213 = arith.constant 0 : i32
    %dma_wait3A_214 = arith.constant 0 : i32
    %dma_wait3A_215 = tpu.memref_slice %arg4[%dma_wait3A_212, %dma_wait3A_213, %dma_wait3A_214] : memref<6x1024x1024xf32, #tpu.memory_space<vmem>> -> memref<1x512x1024xf32, #tpu.memory_space<vmem>>
    %dma_wait3A_216 = arith.constant 0 : i32
    %dma_wait3A_217 = arith.constant 512 : i32
    %dma_wait3A_218 = arith.constant 0 : i32
    %dma_wait3A_219 = tpu.memref_slice %arg2[%dma_wait3A_216, %dma_wait3A_217, %dma_wait3A_218] : memref<4x8192x1024xf32, #tpu.memory_space<any>> -> memref<1x512x1024xf32, #tpu.memory_space<any>>
    tpu.wait_dma2 semaphore(%dma_wait3A_211 : memref<!tpu.dma_semaphore, #tpu.memory_space<semaphore_mem>>) src(%dma_wait3A_219 : memref<1x512x1024xf32, #tpu.memory_space<any>>) dst(%dma_wait3A_215 : memref<1x512x1024xf32, #tpu.memory_space<vmem>>)
    %dma_start3A_220 = arith.constant 3 : i32
    %dma_start3A_221 = tpu.memref_slice %arg6[%dma_start3A_220] : memref<6x!tpu.dma_semaphore, #tpu.memory_space<semaphore_mem>> -> memref<1x!tpu.dma_semaphore, #tpu.memory_space<semaphore_mem>>
    %dma_start3A_222 = tpu.memref_squeeze %dma_start3A_221 : memref<1x!tpu.dma_semaphore, #tpu.memory_space<semaphore_mem>> -> memref<!tpu.dma_semaphore, #tpu.memory_space<semaphore_mem>>
    %dma_start3A_223 = arith.constant 0 : i32
    %dma_start3A_224 = arith.constant 528 : i32
    %dma_start3A_225 = arith.constant 0 : i32
    %dma_start3A_226 = tpu.memref_slice %arg3[%dma_start3A_223, %dma_start3A_224, %dma_start3A_225] : memref<4x8208x1024xf32, #tpu.memory_space<any>> -> memref<1x512x1024xf32, #tpu.memory_space<any>>
    %dma_start3A_227 = arith.constant 3 : i32
    %dma_start3A_228 = arith.constant 0 : i32
    %dma_start3A_229 = arith.constant 0 : i32
    %dma_start3A_230 = tpu.memref_slice %arg4[%dma_start3A_227, %dma_start3A_228, %dma_start3A_229] : memref<6x1024x1024xf32, #tpu.memory_space<vmem>> -> memref<1x512x1024xf32, #tpu.memory_space<vmem>>
    tpu.enqueue_dma source(%dma_start3A_230 : memref<1x512x1024xf32, #tpu.memory_space<vmem>>) target(%dma_start3A_226 : memref<1x512x1024xf32, #tpu.memory_space<any>>) target_semaphore(%dma_start3A_222 : memref<!tpu.dma_semaphore, #tpu.memory_space<semaphore_mem>>)
    %dma_wait3A_231 = arith.constant 2 : i32
    %dma_wait3A_232 = tpu.memref_slice %arg6[%dma_wait3A_231] : memref<6x!tpu.dma_semaphore, #tpu.memory_space<semaphore_mem>> -> memref<1x!tpu.dma_semaphore, #tpu.memory_space<semaphore_mem>>
    %dma_wait3A_233 = tpu.memref_squeeze %dma_wait3A_232 : memref<1x!tpu.dma_semaphore, #tpu.memory_space<semaphore_mem>> -> memref<!tpu.dma_semaphore, #tpu.memory_space<semaphore_mem>>
    %dma_wait3A_234 = arith.constant 0 : i32
    %dma_wait3A_235 = arith.constant 272 : i32
    %dma_wait3A_236 = arith.constant 0 : i32
    %dma_wait3A_237 = tpu.memref_slice %arg3[%dma_wait3A_234, %dma_wait3A_235, %dma_wait3A_236] : memref<4x8208x1024xf32, #tpu.memory_space<any>> -> memref<1x256x1024xf32, #tpu.memory_space<any>>
    %dma_wait3A_238 = arith.constant 2 : i32
    %dma_wait3A_239 = arith.constant 0 : i32
    %dma_wait3A_240 = arith.constant 0 : i32
    %dma_wait3A_241 = tpu.memref_slice %arg4[%dma_wait3A_238, %dma_wait3A_239, %dma_wait3A_240] : memref<6x1024x1024xf32, #tpu.memory_space<vmem>> -> memref<1x256x1024xf32, #tpu.memory_space<vmem>>
    tpu.wait_dma2 semaphore(%dma_wait3A_233 : memref<!tpu.dma_semaphore, #tpu.memory_space<semaphore_mem>>) src(%dma_wait3A_241 : memref<1x256x1024xf32, #tpu.memory_space<vmem>>) dst(%dma_wait3A_237 : memref<1x256x1024xf32, #tpu.memory_space<any>>)
    %dma_start3A_242 = arith.constant 2 : i32
    %dma_start3A_243 = tpu.memref_slice %arg5[%dma_start3A_242] : memref<6x!tpu.dma_semaphore, #tpu.memory_space<semaphore_mem>> -> memref<1x!tpu.dma_semaphore, #tpu.memory_space<semaphore_mem>>
    %dma_start3A_244 = tpu.memref_squeeze %dma_start3A_243 : memref<1x!tpu.dma_semaphore, #tpu.memory_space<semaphore_mem>> -> memref<!tpu.dma_semaphore, #tpu.memory_space<semaphore_mem>>
    %dma_start3A_245 = arith.constant 2 : i32
    %dma_start3A_246 = arith.constant 0 : i32
    %dma_start3A_247 = arith.constant 0 : i32
    %dma_start3A_248 = tpu.memref_slice %arg4[%dma_start3A_245, %dma_start3A_246, %dma_start3A_247] : memref<6x1024x1024xf32, #tpu.memory_space<vmem>> -> memref<1x1024x1024xf32, #tpu.memory_space<vmem>>
    %dma_start3A_249 = arith.constant 0 : i32
    %dma_start3A_250 = arith.constant 5120 : i32
    %dma_start3A_251 = arith.constant 0 : i32
    %dma_start3A_252 = tpu.memref_slice %arg2[%dma_start3A_249, %dma_start3A_250, %dma_start3A_251] : memref<4x8192x1024xf32, #tpu.memory_space<any>> -> memref<1x1024x1024xf32, #tpu.memory_space<any>>
    tpu.enqueue_dma source(%dma_start3A_252 : memref<1x1024x1024xf32, #tpu.memory_space<any>>) target(%dma_start3A_248 : memref<1x1024x1024xf32, #tpu.memory_space<vmem>>) target_semaphore(%dma_start3A_244 : memref<!tpu.dma_semaphore, #tpu.memory_space<semaphore_mem>>)
    %dma_wait3A_253 = arith.constant 4 : i32
    %dma_wait3A_254 = tpu.memref_slice %arg5[%dma_wait3A_253] : memref<6x!tpu.dma_semaphore, #tpu.memory_space<semaphore_mem>> -> memref<1x!tpu.dma_semaphore, #tpu.memory_space<semaphore_mem>>
    %dma_wait3A_255 = tpu.memref_squeeze %dma_wait3A_254 : memref<1x!tpu.dma_semaphore, #tpu.memory_space<semaphore_mem>> -> memref<!tpu.dma_semaphore, #tpu.memory_space<semaphore_mem>>
    %dma_wait3A_256 = arith.constant 4 : i32
    %dma_wait3A_257 = arith.constant 0 : i32
    %dma_wait3A_258 = arith.constant 0 : i32
    %dma_wait3A_259 = tpu.memref_slice %arg4[%dma_wait3A_256, %dma_wait3A_257, %dma_wait3A_258] : memref<6x1024x1024xf32, #tpu.memory_space<vmem>> -> memref<1x1024x1024xf32, #tpu.memory_space<vmem>>
    %dma_wait3A_260 = arith.constant 0 : i32
    %dma_wait3A_261 = arith.constant 1024 : i32
    %dma_wait3A_262 = arith.constant 0 : i32
    %dma_wait3A_263 = tpu.memref_slice %arg2[%dma_wait3A_260, %dma_wait3A_261, %dma_wait3A_262] : memref<4x8192x1024xf32, #tpu.memory_space<any>> -> memref<1x1024x1024xf32, #tpu.memory_space<any>>
    tpu.wait_dma2 semaphore(%dma_wait3A_255 : memref<!tpu.dma_semaphore, #tpu.memory_space<semaphore_mem>>) src(%dma_wait3A_263 : memref<1x1024x1024xf32, #tpu.memory_space<any>>) dst(%dma_wait3A_259 : memref<1x1024x1024xf32, #tpu.memory_space<vmem>>)
    %dma_start3A_264 = arith.constant 4 : i32
    %dma_start3A_265 = tpu.memref_slice %arg6[%dma_start3A_264] : memref<6x!tpu.dma_semaphore, #tpu.memory_space<semaphore_mem>> -> memref<1x!tpu.dma_semaphore, #tpu.memory_space<semaphore_mem>>
    %dma_start3A_266 = tpu.memref_squeeze %dma_start3A_265 : memref<1x!tpu.dma_semaphore, #tpu.memory_space<semaphore_mem>> -> memref<!tpu.dma_semaphore, #tpu.memory_space<semaphore_mem>>
    %dma_start3A_267 = arith.constant 0 : i32
    %dma_start3A_268 = arith.constant 1040 : i32
    %dma_start3A_269 = arith.constant 0 : i32
    %dma_start3A_270 = tpu.memref_slice %arg3[%dma_start3A_267, %dma_start3A_268, %dma_start3A_269] : memref<4x8208x1024xf32, #tpu.memory_space<any>> -> memref<1x1024x1024xf32, #tpu.memory_space<any>>
    %dma_start3A_271 = arith.constant 4 : i32
    %dma_start3A_272 = arith.constant 0 : i32
    %dma_start3A_273 = arith.constant 0 : i32
    %dma_start3A_274 = tpu.memref_slice %arg4[%dma_start3A_271, %dma_start3A_272, %dma_start3A_273] : memref<6x1024x1024xf32, #tpu.memory_space<vmem>> -> memref<1x1024x1024xf32, #tpu.memory_space<vmem>>
    tpu.enqueue_dma source(%dma_start3A_274 : memref<1x1024x1024xf32, #tpu.memory_space<vmem>>) target(%dma_start3A_270 : memref<1x1024x1024xf32, #tpu.memory_space<any>>) target_semaphore(%dma_start3A_266 : memref<!tpu.dma_semaphore, #tpu.memory_space<semaphore_mem>>)
    %dma_wait3A_275 = arith.constant 3 : i32
    %dma_wait3A_276 = tpu.memref_slice %arg6[%dma_wait3A_275] : memref<6x!tpu.dma_semaphore, #tpu.memory_space<semaphore_mem>> -> memref<1x!tpu.dma_semaphore, #tpu.memory_space<semaphore_mem>>
    %dma_wait3A_277 = tpu.memref_squeeze %dma_wait3A_276 : memref<1x!tpu.dma_semaphore, #tpu.memory_space<semaphore_mem>> -> memref<!tpu.dma_semaphore, #tpu.memory_space<semaphore_mem>>
    %dma_wait3A_278 = arith.constant 0 : i32
    %dma_wait3A_279 = arith.constant 528 : i32
    %dma_wait3A_280 = arith.constant 0 : i32
    %dma_wait3A_281 = tpu.memref_slice %arg3[%dma_wait3A_278, %dma_wait3A_279, %dma_wait3A_280] : memref<4x8208x1024xf32, #tpu.memory_space<any>> -> memref<1x512x1024xf32, #tpu.memory_space<any>>
    %dma_wait3A_282 = arith.constant 3 : i32
    %dma_wait3A_283 = arith.constant 0 : i32
    %dma_wait3A_284 = arith.constant 0 : i32
    %dma_wait3A_285 = tpu.memref_slice %arg4[%dma_wait3A_282, %dma_wait3A_283, %dma_wait3A_284] : memref<6x1024x1024xf32, #tpu.memory_space<vmem>> -> memref<1x512x1024xf32, #tpu.memory_space<vmem>>
    tpu.wait_dma2 semaphore(%dma_wait3A_277 : memref<!tpu.dma_semaphore, #tpu.memory_space<semaphore_mem>>) src(%dma_wait3A_285 : memref<1x512x1024xf32, #tpu.memory_space<vmem>>) dst(%dma_wait3A_281 : memref<1x512x1024xf32, #tpu.memory_space<any>>)
    %dma_start3A_286 = arith.constant 3 : i32
    %dma_start3A_287 = tpu.memref_slice %arg5[%dma_start3A_286] : memref<6x!tpu.dma_semaphore, #tpu.memory_space<semaphore_mem>> -> memref<1x!tpu.dma_semaphore, #tpu.memory_space<semaphore_mem>>
    %dma_start3A_288 = tpu.memref_squeeze %dma_start3A_287 : memref<1x!tpu.dma_semaphore, #tpu.memory_space<semaphore_mem>> -> memref<!tpu.dma_semaphore, #tpu.memory_space<semaphore_mem>>
    %dma_start3A_289 = arith.constant 3 : i32
    %dma_start3A_290 = arith.constant 0 : i32
    %dma_start3A_291 = arith.constant 0 : i32
    %dma_start3A_292 = tpu.memref_slice %arg4[%dma_start3A_289, %dma_start3A_290, %dma_start3A_291] : memref<6x1024x1024xf32, #tpu.memory_space<vmem>> -> memref<1x1024x1024xf32, #tpu.memory_space<vmem>>
    %dma_start3A_293 = arith.constant 0 : i32
    %dma_start3A_294 = arith.constant 6144 : i32
    %dma_start3A_295 = arith.constant 0 : i32
    %dma_start3A_296 = tpu.memref_slice %arg2[%dma_start3A_293, %dma_start3A_294, %dma_start3A_295] : memref<4x8192x1024xf32, #tpu.memory_space<any>> -> memref<1x1024x1024xf32, #tpu.memory_space<any>>
    tpu.enqueue_dma source(%dma_start3A_296 : memref<1x1024x1024xf32, #tpu.memory_space<any>>) target(%dma_start3A_292 : memref<1x1024x1024xf32, #tpu.memory_space<vmem>>) target_semaphore(%dma_start3A_288 : memref<!tpu.dma_semaphore, #tpu.memory_space<semaphore_mem>>)
    %dma_wait3A_297 = arith.constant 5 : i32
    %dma_wait3A_298 = tpu.memref_slice %arg5[%dma_wait3A_297] : memref<6x!tpu.dma_semaphore, #tpu.memory_space<semaphore_mem>> -> memref<1x!tpu.dma_semaphore, #tpu.memory_space<semaphore_mem>>
    %dma_wait3A_299 = tpu.memref_squeeze %dma_wait3A_298 : memref<1x!tpu.dma_semaphore, #tpu.memory_space<semaphore_mem>> -> memref<!tpu.dma_semaphore, #tpu.memory_space<semaphore_mem>>
    %dma_wait3A_300 = arith.constant 5 : i32
    %dma_wait3A_301 = arith.constant 0 : i32
    %dma_wait3A_302 = arith.constant 0 : i32
    %dma_wait3A_303 = tpu.memref_slice %arg4[%dma_wait3A_300, %dma_wait3A_301, %dma_wait3A_302] : memref<6x1024x1024xf32, #tpu.memory_space<vmem>> -> memref<1x1024x1024xf32, #tpu.memory_space<vmem>>
    %dma_wait3A_304 = arith.constant 0 : i32
    %dma_wait3A_305 = arith.constant 2048 : i32
    %dma_wait3A_306 = arith.constant 0 : i32
    %dma_wait3A_307 = tpu.memref_slice %arg2[%dma_wait3A_304, %dma_wait3A_305, %dma_wait3A_306] : memref<4x8192x1024xf32, #tpu.memory_space<any>> -> memref<1x1024x1024xf32, #tpu.memory_space<any>>
    tpu.wait_dma2 semaphore(%dma_wait3A_299 : memref<!tpu.dma_semaphore, #tpu.memory_space<semaphore_mem>>) src(%dma_wait3A_307 : memref<1x1024x1024xf32, #tpu.memory_space<any>>) dst(%dma_wait3A_303 : memref<1x1024x1024xf32, #tpu.memory_space<vmem>>)
    %dma_start3A_308 = arith.constant 5 : i32
    %dma_start3A_309 = tpu.memref_slice %arg6[%dma_start3A_308] : memref<6x!tpu.dma_semaphore, #tpu.memory_space<semaphore_mem>> -> memref<1x!tpu.dma_semaphore, #tpu.memory_space<semaphore_mem>>
    %dma_start3A_310 = tpu.memref_squeeze %dma_start3A_309 : memref<1x!tpu.dma_semaphore, #tpu.memory_space<semaphore_mem>> -> memref<!tpu.dma_semaphore, #tpu.memory_space<semaphore_mem>>
    %dma_start3A_311 = arith.constant 0 : i32
    %dma_start3A_312 = arith.constant 2064 : i32
    %dma_start3A_313 = arith.constant 0 : i32
    %dma_start3A_314 = tpu.memref_slice %arg3[%dma_start3A_311, %dma_start3A_312, %dma_start3A_313] : memref<4x8208x1024xf32, #tpu.memory_space<any>> -> memref<1x1024x1024xf32, #tpu.memory_space<any>>
    %dma_start3A_315 = arith.constant 5 : i32
    %dma_start3A_316 = arith.constant 0 : i32
    %dma_start3A_317 = arith.constant 0 : i32
    %dma_start3A_318 = tpu.memref_slice %arg4[%dma_start3A_315, %dma_start3A_316, %dma_start3A_317] : memref<6x1024x1024xf32, #tpu.memory_space<vmem>> -> memref<1x1024x1024xf32, #tpu.memory_space<vmem>>
    tpu.enqueue_dma source(%dma_start3A_318 : memref<1x1024x1024xf32, #tpu.memory_space<vmem>>) target(%dma_start3A_314 : memref<1x1024x1024xf32, #tpu.memory_space<any>>) target_semaphore(%dma_start3A_310 : memref<!tpu.dma_semaphore, #tpu.memory_space<semaphore_mem>>)
    %dma_wait3A_319 = arith.constant 4 : i32
    %dma_wait3A_320 = tpu.memref_slice %arg6[%dma_wait3A_319] : memref<6x!tpu.dma_semaphore, #tpu.memory_space<semaphore_mem>> -> memref<1x!tpu.dma_semaphore, #tpu.memory_space<semaphore_mem>>
    %dma_wait3A_321 = tpu.memref_squeeze %dma_wait3A_320 : memref<1x!tpu.dma_semaphore, #tpu.memory_space<semaphore_mem>> -> memref<!tpu.dma_semaphore, #tpu.memory_space<semaphore_mem>>
    %dma_wait3A_322 = arith.constant 0 : i32
    %dma_wait3A_323 = arith.constant 1040 : i32
    %dma_wait3A_324 = arith.constant 0 : i32
    %dma_wait3A_325 = tpu.memref_slice %arg3[%dma_wait3A_322, %dma_wait3A_323, %dma_wait3A_324] : memref<4x8208x1024xf32, #tpu.memory_space<any>> -> memref<1x1024x1024xf32, #tpu.memory_space<any>>
    %dma_wait3A_326 = arith.constant 4 : i32
    %dma_wait3A_327 = arith.constant 0 : i32
    %dma_wait3A_328 = arith.constant 0 : i32
    %dma_wait3A_329 = tpu.memref_slice %arg4[%dma_wait3A_326, %dma_wait3A_327, %dma_wait3A_328] : memref<6x1024x1024xf32, #tpu.memory_space<vmem>> -> memref<1x1024x1024xf32, #tpu.memory_space<vmem>>
    tpu.wait_dma2 semaphore(%dma_wait3A_321 : memref<!tpu.dma_semaphore, #tpu.memory_space<semaphore_mem>>) src(%dma_wait3A_329 : memref<1x1024x1024xf32, #tpu.memory_space<vmem>>) dst(%dma_wait3A_325 : memref<1x1024x1024xf32, #tpu.memory_space<any>>)
    %dma_start3A_330 = arith.constant 4 : i32
    %dma_start3A_331 = tpu.memref_slice %arg5[%dma_start3A_330] : memref<6x!tpu.dma_semaphore, #tpu.memory_space<semaphore_mem>> -> memref<1x!tpu.dma_semaphore, #tpu.memory_space<semaphore_mem>>
    %dma_start3A_332 = tpu.memref_squeeze %dma_start3A_331 : memref<1x!tpu.dma_semaphore, #tpu.memory_space<semaphore_mem>> -> memref<!tpu.dma_semaphore, #tpu.memory_space<semaphore_mem>>
    %dma_start3A_333 = arith.constant 4 : i32
    %dma_start3A_334 = arith.constant 0 : i32
    %dma_start3A_335 = arith.constant 0 : i32
    %dma_start3A_336 = tpu.memref_slice %arg4[%dma_start3A_333, %dma_start3A_334, %dma_start3A_335] : memref<6x1024x1024xf32, #tpu.memory_space<vmem>> -> memref<1x1024x1024xf32, #tpu.memory_space<vmem>>
    %dma_start3A_337 = arith.constant 0 : i32
    %dma_start3A_338 = arith.constant 7168 : i32
    %dma_start3A_339 = arith.constant 0 : i32
    %dma_start3A_340 = tpu.memref_slice %arg2[%dma_start3A_337, %dma_start3A_338, %dma_start3A_339] : memref<4x8192x1024xf32, #tpu.memory_space<any>> -> memref<1x1024x1024xf32, #tpu.memory_space<any>>
    tpu.enqueue_dma source(%dma_start3A_340 : memref<1x1024x1024xf32, #tpu.memory_space<any>>) target(%dma_start3A_336 : memref<1x1024x1024xf32, #tpu.memory_space<vmem>>) target_semaphore(%dma_start3A_332 : memref<!tpu.dma_semaphore, #tpu.memory_space<semaphore_mem>>)
    %dma_wait3A_341 = arith.constant 0 : i32
    %dma_wait3A_342 = tpu.memref_slice %arg5[%dma_wait3A_341] : memref<6x!tpu.dma_semaphore, #tpu.memory_space<semaphore_mem>> -> memref<1x!tpu.dma_semaphore, #tpu.memory_space<semaphore_mem>>
    %dma_wait3A_343 = tpu.memref_squeeze %dma_wait3A_342 : memref<1x!tpu.dma_semaphore, #tpu.memory_space<semaphore_mem>> -> memref<!tpu.dma_semaphore, #tpu.memory_space<semaphore_mem>>
    %dma_wait3A_344 = arith.constant 0 : i32
    %dma_wait3A_345 = arith.constant 0 : i32
    %dma_wait3A_346 = arith.constant 0 : i32
    %dma_wait3A_347 = tpu.memref_slice %arg4[%dma_wait3A_344, %dma_wait3A_345, %dma_wait3A_346] : memref<6x1024x1024xf32, #tpu.memory_space<vmem>> -> memref<1x1024x1024xf32, #tpu.memory_space<vmem>>
    %dma_wait3A_348 = arith.constant 0 : i32
    %dma_wait3A_349 = arith.constant 3072 : i32
    %dma_wait3A_350 = arith.constant 0 : i32
    %dma_wait3A_351 = tpu.memref_slice %arg2[%dma_wait3A_348, %dma_wait3A_349, %dma_wait3A_350] : memref<4x8192x1024xf32, #tpu.memory_space<any>> -> memref<1x1024x1024xf32, #tpu.memory_space<any>>
    tpu.wait_dma2 semaphore(%dma_wait3A_343 : memref<!tpu.dma_semaphore, #tpu.memory_space<semaphore_mem>>) src(%dma_wait3A_351 : memref<1x1024x1024xf32, #tpu.memory_space<any>>) dst(%dma_wait3A_347 : memref<1x1024x1024xf32, #tpu.memory_space<vmem>>)
    %dma_start3A_352 = arith.constant 0 : i32
    %dma_start3A_353 = tpu.memref_slice %arg6[%dma_start3A_352] : memref<6x!tpu.dma_semaphore, #tpu.memory_space<semaphore_mem>> -> memref<1x!tpu.dma_semaphore, #tpu.memory_space<semaphore_mem>>
    %dma_start3A_354 = tpu.memref_squeeze %dma_start3A_353 : memref<1x!tpu.dma_semaphore, #tpu.memory_space<semaphore_mem>> -> memref<!tpu.dma_semaphore, #tpu.memory_space<semaphore_mem>>
    %dma_start3A_355 = arith.constant 0 : i32
    %dma_start3A_356 = arith.constant 3088 : i32
    %dma_start3A_357 = arith.constant 0 : i32
    %dma_start3A_358 = tpu.memref_slice %arg3[%dma_start3A_355, %dma_start3A_356, %dma_start3A_357] : memref<4x8208x1024xf32, #tpu.memory_space<any>> -> memref<1x1024x1024xf32, #tpu.memory_space<any>>
    %dma_start3A_359 = arith.constant 0 : i32
    %dma_start3A_360 = arith.constant 0 : i32
    %dma_start3A_361 = arith.constant 0 : i32
    %dma_start3A_362 = tpu.memref_slice %arg4[%dma_start3A_359, %dma_start3A_360, %dma_start3A_361] : memref<6x1024x1024xf32, #tpu.memory_space<vmem>> -> memref<1x1024x1024xf32, #tpu.memory_space<vmem>>
    tpu.enqueue_dma source(%dma_start3A_362 : memref<1x1024x1024xf32, #tpu.memory_space<vmem>>) target(%dma_start3A_358 : memref<1x1024x1024xf32, #tpu.memory_space<any>>) target_semaphore(%dma_start3A_354 : memref<!tpu.dma_semaphore, #tpu.memory_space<semaphore_mem>>)
    %dma_wait3A_363 = arith.constant 5 : i32
    %dma_wait3A_364 = tpu.memref_slice %arg6[%dma_wait3A_363] : memref<6x!tpu.dma_semaphore, #tpu.memory_space<semaphore_mem>> -> memref<1x!tpu.dma_semaphore, #tpu.memory_space<semaphore_mem>>
    %dma_wait3A_365 = tpu.memref_squeeze %dma_wait3A_364 : memref<1x!tpu.dma_semaphore, #tpu.memory_space<semaphore_mem>> -> memref<!tpu.dma_semaphore, #tpu.memory_space<semaphore_mem>>
    %dma_wait3A_366 = arith.constant 0 : i32
    %dma_wait3A_367 = arith.constant 2064 : i32
    %dma_wait3A_368 = arith.constant 0 : i32
    %dma_wait3A_369 = tpu.memref_slice %arg3[%dma_wait3A_366, %dma_wait3A_367, %dma_wait3A_368] : memref<4x8208x1024xf32, #tpu.memory_space<any>> -> memref<1x1024x1024xf32, #tpu.memory_space<any>>
    %dma_wait3A_370 = arith.constant 5 : i32
    %dma_wait3A_371 = arith.constant 0 : i32
    %dma_wait3A_372 = arith.constant 0 : i32
    %dma_wait3A_373 = tpu.memref_slice %arg4[%dma_wait3A_370, %dma_wait3A_371, %dma_wait3A_372] : memref<6x1024x1024xf32, #tpu.memory_space<vmem>> -> memref<1x1024x1024xf32, #tpu.memory_space<vmem>>
    tpu.wait_dma2 semaphore(%dma_wait3A_365 : memref<!tpu.dma_semaphore, #tpu.memory_space<semaphore_mem>>) src(%dma_wait3A_373 : memref<1x1024x1024xf32, #tpu.memory_space<vmem>>) dst(%dma_wait3A_369 : memref<1x1024x1024xf32, #tpu.memory_space<any>>)
    %dma_start3A_374 = arith.constant 5 : i32
    %dma_start3A_375 = tpu.memref_slice %arg5[%dma_start3A_374] : memref<6x!tpu.dma_semaphore, #tpu.memory_space<semaphore_mem>> -> memref<1x!tpu.dma_semaphore, #tpu.memory_space<semaphore_mem>>
    %dma_start3A_376 = tpu.memref_squeeze %dma_start3A_375 : memref<1x!tpu.dma_semaphore, #tpu.memory_space<semaphore_mem>> -> memref<!tpu.dma_semaphore, #tpu.memory_space<semaphore_mem>>
    %dma_start3A_377 = arith.constant 5 : i32
    %dma_start3A_378 = arith.constant 0 : i32
    %dma_start3A_379 = arith.constant 0 : i32
    %dma_start3A_380 = tpu.memref_slice %arg4[%dma_start3A_377, %dma_start3A_378, %dma_start3A_379] : memref<6x1024x1024xf32, #tpu.memory_space<vmem>> -> memref<1x1024x1024xf32, #tpu.memory_space<vmem>>
    %dma_start3A_381 = arith.constant 1 : i32
    %dma_start3A_382 = arith.constant 0 : i32
    %dma_start3A_383 = arith.constant 0 : i32
    %dma_start3A_384 = tpu.memref_slice %arg2[%dma_start3A_381, %dma_start3A_382, %dma_start3A_383] : memref<4x8192x1024xf32, #tpu.memory_space<any>> -> memref<1x1024x1024xf32, #tpu.memory_space<any>>
    tpu.enqueue_dma source(%dma_start3A_384 : memref<1x1024x1024xf32, #tpu.memory_space<any>>) target(%dma_start3A_380 : memref<1x1024x1024xf32, #tpu.memory_space<vmem>>) target_semaphore(%dma_start3A_376 : memref<!tpu.dma_semaphore, #tpu.memory_space<semaphore_mem>>)
    %dma_wait3A_385 = arith.constant 1 : i32
    %dma_wait3A_386 = tpu.memref_slice %arg5[%dma_wait3A_385] : memref<6x!tpu.dma_semaphore, #tpu.memory_space<semaphore_mem>> -> memref<1x!tpu.dma_semaphore, #tpu.memory_space<semaphore_mem>>
    %dma_wait3A_387 = tpu.memref_squeeze %dma_wait3A_386 : memref<1x!tpu.dma_semaphore, #tpu.memory_space<semaphore_mem>> -> memref<!tpu.dma_semaphore, #tpu.memory_space<semaphore_mem>>
    %dma_wait3A_388 = arith.constant 1 : i32
    %dma_wait3A_389 = arith.constant 0 : i32
    %dma_wait3A_390 = arith.constant 0 : i32
    %dma_wait3A_391 = tpu.memref_slice %arg4[%dma_wait3A_388, %dma_wait3A_389, %dma_wait3A_390] : memref<6x1024x1024xf32, #tpu.memory_space<vmem>> -> memref<1x1024x1024xf32, #tpu.memory_space<vmem>>
    %dma_wait3A_392 = arith.constant 0 : i32
    %dma_wait3A_393 = arith.constant 4096 : i32
    %dma_wait3A_394 = arith.constant 0 : i32
    %dma_wait3A_395 = tpu.memref_slice %arg2[%dma_wait3A_392, %dma_wait3A_393, %dma_wait3A_394] : memref<4x8192x1024xf32, #tpu.memory_space<any>> -> memref<1x1024x1024xf32, #tpu.memory_space<any>>
    tpu.wait_dma2 semaphore(%dma_wait3A_387 : memref<!tpu.dma_semaphore, #tpu.memory_space<semaphore_mem>>) src(%dma_wait3A_395 : memref<1x1024x1024xf32, #tpu.memory_space<any>>) dst(%dma_wait3A_391 : memref<1x1024x1024xf32, #tpu.memory_space<vmem>>)
    %dma_start3A_396 = arith.constant 1 : i32
    %dma_start3A_397 = tpu.memref_slice %arg6[%dma_start3A_396] : memref<6x!tpu.dma_semaphore, #tpu.memory_space<semaphore_mem>> -> memref<1x!tpu.dma_semaphore, #tpu.memory_space<semaphore_mem>>
    %dma_start3A_398 = tpu.memref_squeeze %dma_start3A_397 : memref<1x!tpu.dma_semaphore, #tpu.memory_space<semaphore_mem>> -> memref<!tpu.dma_semaphore, #tpu.memory_space<semaphore_mem>>
    %dma_start3A_399 = arith.constant 0 : i32
    %dma_start3A_400 = arith.constant 4112 : i32
    %dma_start3A_401 = arith.constant 0 : i32
    %dma_start3A_402 = tpu.memref_slice %arg3[%dma_start3A_399, %dma_start3A_400, %dma_start3A_401] : memref<4x8208x1024xf32, #tpu.memory_space<any>> -> memref<1x1024x1024xf32, #tpu.memory_space<any>>
    %dma_start3A_403 = arith.constant 1 : i32
    %dma_start3A_404 = arith.constant 0 : i32
    %dma_start3A_405 = arith.constant 0 : i32
    %dma_start3A_406 = tpu.memref_slice %arg4[%dma_start3A_403, %dma_start3A_404, %dma_start3A_405] : memref<6x1024x1024xf32, #tpu.memory_space<vmem>> -> memref<1x1024x1024xf32, #tpu.memory_space<vmem>>
    tpu.enqueue_dma source(%dma_start3A_406 : memref<1x1024x1024xf32, #tpu.memory_space<vmem>>) target(%dma_start3A_402 : memref<1x1024x1024xf32, #tpu.memory_space<any>>) target_semaphore(%dma_start3A_398 : memref<!tpu.dma_semaphore, #tpu.memory_space<semaphore_mem>>)
    %dma_wait3A_407 = arith.constant 0 : i32
    %dma_wait3A_408 = tpu.memref_slice %arg6[%dma_wait3A_407] : memref<6x!tpu.dma_semaphore, #tpu.memory_space<semaphore_mem>> -> memref<1x!tpu.dma_semaphore, #tpu.memory_space<semaphore_mem>>
    %dma_wait3A_409 = tpu.memref_squeeze %dma_wait3A_408 : memref<1x!tpu.dma_semaphore, #tpu.memory_space<semaphore_mem>> -> memref<!tpu.dma_semaphore, #tpu.memory_space<semaphore_mem>>
    %dma_wait3A_410 = arith.constant 0 : i32
    %dma_wait3A_411 = arith.constant 3088 : i32
    %dma_wait3A_412 = arith.constant 0 : i32
    %dma_wait3A_413 = tpu.memref_slice %arg3[%dma_wait3A_410, %dma_wait3A_411, %dma_wait3A_412] : memref<4x8208x1024xf32, #tpu.memory_space<any>> -> memref<1x1024x1024xf32, #tpu.memory_space<any>>
    %dma_wait3A_414 = arith.constant 0 : i32
    %dma_wait3A_415 = arith.constant 0 : i32
    %dma_wait3A_416 = arith.constant 0 : i32
    %dma_wait3A_417 = tpu.memref_slice %arg4[%dma_wait3A_414, %dma_wait3A_415, %dma_wait3A_416] : memref<6x1024x1024xf32, #tpu.memory_space<vmem>> -> memref<1x1024x1024xf32, #tpu.memory_space<vmem>>
    tpu.wait_dma2 semaphore(%dma_wait3A_409 : memref<!tpu.dma_semaphore, #tpu.memory_space<semaphore_mem>>) src(%dma_wait3A_417 : memref<1x1024x1024xf32, #tpu.memory_space<vmem>>) dst(%dma_wait3A_413 : memref<1x1024x1024xf32, #tpu.memory_space<any>>)
    %dma_start3A_418 = arith.constant 0 : i32
    %dma_start3A_419 = tpu.memref_slice %arg5[%dma_start3A_418] : memref<6x!tpu.dma_semaphore, #tpu.memory_space<semaphore_mem>> -> memref<1x!tpu.dma_semaphore, #tpu.memory_space<semaphore_mem>>
    %dma_start3A_420 = tpu.memref_squeeze %dma_start3A_419 : memref<1x!tpu.dma_semaphore, #tpu.memory_space<semaphore_mem>> -> memref<!tpu.dma_semaphore, #tpu.memory_space<semaphore_mem>>
    %dma_start3A_421 = arith.constant 0 : i32
    %dma_start3A_422 = arith.constant 0 : i32
    %dma_start3A_423 = arith.constant 0 : i32
    %dma_start3A_424 = tpu.memref_slice %arg4[%dma_start3A_421, %dma_start3A_422, %dma_start3A_423] : memref<6x1024x1024xf32, #tpu.memory_space<vmem>> -> memref<1x1024x1024xf32, #tpu.memory_space<vmem>>
    %dma_start3A_425 = arith.constant 1 : i32
    %dma_start3A_426 = arith.constant 1024 : i32
    %dma_start3A_427 = arith.constant 0 : i32
    %dma_start3A_428 = tpu.memref_slice %arg2[%dma_start3A_425, %dma_start3A_426, %dma_start3A_427] : memref<4x8192x1024xf32, #tpu.memory_space<any>> -> memref<1x1024x1024xf32, #tpu.memory_space<any>>
    tpu.enqueue_dma source(%dma_start3A_428 : memref<1x1024x1024xf32, #tpu.memory_space<any>>) target(%dma_start3A_424 : memref<1x1024x1024xf32, #tpu.memory_space<vmem>>) target_semaphore(%dma_start3A_420 : memref<!tpu.dma_semaphore, #tpu.memory_space<semaphore_mem>>)
    %dma_wait3A_429 = arith.constant 2 : i32
    %dma_wait3A_430 = tpu.memref_slice %arg5[%dma_wait3A_429] : memref<6x!tpu.dma_semaphore, #tpu.memory_space<semaphore_mem>> -> memref<1x!tpu.dma_semaphore, #tpu.memory_space<semaphore_mem>>
    %dma_wait3A_431 = tpu.memref_squeeze %dma_wait3A_430 : memref<1x!tpu.dma_semaphore, #tpu.memory_space<semaphore_mem>> -> memref<!tpu.dma_semaphore, #tpu.memory_space<semaphore_mem>>
    %dma_wait3A_432 = arith.constant 2 : i32
    %dma_wait3A_433 = arith.constant 0 : i32
    %dma_wait3A_434 = arith.constant 0 : i32
    %dma_wait3A_435 = tpu.memref_slice %arg4[%dma_wait3A_432, %dma_wait3A_433, %dma_wait3A_434] : memref<6x1024x1024xf32, #tpu.memory_space<vmem>> -> memref<1x1024x1024xf32, #tpu.memory_space<vmem>>
    %dma_wait3A_436 = arith.constant 0 : i32
    %dma_wait3A_437 = arith.constant 5120 : i32
    %dma_wait3A_438 = arith.constant 0 : i32
    %dma_wait3A_439 = tpu.memref_slice %arg2[%dma_wait3A_436, %dma_wait3A_437, %dma_wait3A_438] : memref<4x8192x1024xf32, #tpu.memory_space<any>> -> memref<1x1024x1024xf32, #tpu.memory_space<any>>
    tpu.wait_dma2 semaphore(%dma_wait3A_431 : memref<!tpu.dma_semaphore, #tpu.memory_space<semaphore_mem>>) src(%dma_wait3A_439 : memref<1x1024x1024xf32, #tpu.memory_space<any>>) dst(%dma_wait3A_435 : memref<1x1024x1024xf32, #tpu.memory_space<vmem>>)
    %dma_start3A_440 = arith.constant 2 : i32
    %dma_start3A_441 = tpu.memref_slice %arg6[%dma_start3A_440] : memref<6x!tpu.dma_semaphore, #tpu.memory_space<semaphore_mem>> -> memref<1x!tpu.dma_semaphore, #tpu.memory_space<semaphore_mem>>
    %dma_start3A_442 = tpu.memref_squeeze %dma_start3A_441 : memref<1x!tpu.dma_semaphore, #tpu.memory_space<semaphore_mem>> -> memref<!tpu.dma_semaphore, #tpu.memory_space<semaphore_mem>>
    %dma_start3A_443 = arith.constant 0 : i32
    %dma_start3A_444 = arith.constant 5136 : i32
    %dma_start3A_445 = arith.constant 0 : i32
    %dma_start3A_446 = tpu.memref_slice %arg3[%dma_start3A_443, %dma_start3A_444, %dma_start3A_445] : memref<4x8208x1024xf32, #tpu.memory_space<any>> -> memref<1x1024x1024xf32, #tpu.memory_space<any>>
    %dma_start3A_447 = arith.constant 2 : i32
    %dma_start3A_448 = arith.constant 0 : i32
    %dma_start3A_449 = arith.constant 0 : i32
    %dma_start3A_450 = tpu.memref_slice %arg4[%dma_start3A_447, %dma_start3A_448, %dma_start3A_449] : memref<6x1024x1024xf32, #tpu.memory_space<vmem>> -> memref<1x1024x1024xf32, #tpu.memory_space<vmem>>
    tpu.enqueue_dma source(%dma_start3A_450 : memref<1x1024x1024xf32, #tpu.memory_space<vmem>>) target(%dma_start3A_446 : memref<1x1024x1024xf32, #tpu.memory_space<any>>) target_semaphore(%dma_start3A_442 : memref<!tpu.dma_semaphore, #tpu.memory_space<semaphore_mem>>)
    %dma_wait3A_451 = arith.constant 1 : i32
    %dma_wait3A_452 = tpu.memref_slice %arg6[%dma_wait3A_451] : memref<6x!tpu.dma_semaphore, #tpu.memory_space<semaphore_mem>> -> memref<1x!tpu.dma_semaphore, #tpu.memory_space<semaphore_mem>>
    %dma_wait3A_453 = tpu.memref_squeeze %dma_wait3A_452 : memref<1x!tpu.dma_semaphore, #tpu.memory_space<semaphore_mem>> -> memref<!tpu.dma_semaphore, #tpu.memory_space<semaphore_mem>>
    %dma_wait3A_454 = arith.constant 0 : i32
    %dma_wait3A_455 = arith.constant 4112 : i32
    %dma_wait3A_456 = arith.constant 0 : i32
    %dma_wait3A_457 = tpu.memref_slice %arg3[%dma_wait3A_454, %dma_wait3A_455, %dma_wait3A_456] : memref<4x8208x1024xf32, #tpu.memory_space<any>> -> memref<1x1024x1024xf32, #tpu.memory_space<any>>
    %dma_wait3A_458 = arith.constant 1 : i32
    %dma_wait3A_459 = arith.constant 0 : i32
    %dma_wait3A_460 = arith.constant 0 : i32
    %dma_wait3A_461 = tpu.memref_slice %arg4[%dma_wait3A_458, %dma_wait3A_459, %dma_wait3A_460] : memref<6x1024x1024xf32, #tpu.memory_space<vmem>> -> memref<1x1024x1024xf32, #tpu.memory_space<vmem>>
    tpu.wait_dma2 semaphore(%dma_wait3A_453 : memref<!tpu.dma_semaphore, #tpu.memory_space<semaphore_mem>>) src(%dma_wait3A_461 : memref<1x1024x1024xf32, #tpu.memory_space<vmem>>) dst(%dma_wait3A_457 : memref<1x1024x1024xf32, #tpu.memory_space<any>>)
    %dma_start3A_462 = arith.constant 1 : i32
    %dma_start3A_463 = tpu.memref_slice %arg5[%dma_start3A_462] : memref<6x!tpu.dma_semaphore, #tpu.memory_space<semaphore_mem>> -> memref<1x!tpu.dma_semaphore, #tpu.memory_space<semaphore_mem>>
    %dma_start3A_464 = tpu.memref_squeeze %dma_start3A_463 : memref<1x!tpu.dma_semaphore, #tpu.memory_space<semaphore_mem>> -> memref<!tpu.dma_semaphore, #tpu.memory_space<semaphore_mem>>
    %dma_start3A_465 = arith.constant 1 : i32
    %dma_start3A_466 = arith.constant 0 : i32
    %dma_start3A_467 = arith.constant 0 : i32
    %dma_start3A_468 = tpu.memref_slice %arg4[%dma_start3A_465, %dma_start3A_466, %dma_start3A_467] : memref<6x1024x1024xf32, #tpu.memory_space<vmem>> -> memref<1x1024x1024xf32, #tpu.memory_space<vmem>>
    %dma_start3A_469 = arith.constant 1 : i32
    %dma_start3A_470 = arith.constant 2048 : i32
    %dma_start3A_471 = arith.constant 0 : i32
    %dma_start3A_472 = tpu.memref_slice %arg2[%dma_start3A_469, %dma_start3A_470, %dma_start3A_471] : memref<4x8192x1024xf32, #tpu.memory_space<any>> -> memref<1x1024x1024xf32, #tpu.memory_space<any>>
    tpu.enqueue_dma source(%dma_start3A_472 : memref<1x1024x1024xf32, #tpu.memory_space<any>>) target(%dma_start3A_468 : memref<1x1024x1024xf32, #tpu.memory_space<vmem>>) target_semaphore(%dma_start3A_464 : memref<!tpu.dma_semaphore, #tpu.memory_space<semaphore_mem>>)
    %dma_wait3A_473 = arith.constant 3 : i32
    %dma_wait3A_474 = tpu.memref_slice %arg5[%dma_wait3A_473] : memref<6x!tpu.dma_semaphore, #tpu.memory_space<semaphore_mem>> -> memref<1x!tpu.dma_semaphore, #tpu.memory_space<semaphore_mem>>
    %dma_wait3A_475 = tpu.memref_squeeze %dma_wait3A_474 : memref<1x!tpu.dma_semaphore, #tpu.memory_space<semaphore_mem>> -> memref<!tpu.dma_semaphore, #tpu.memory_space<semaphore_mem>>
    %dma_wait3A_476 = arith.constant 3 : i32
    %dma_wait3A_477 = arith.constant 0 : i32
    %dma_wait3A_478 = arith.constant 0 : i32
    %dma_wait3A_479 = tpu.memref_slice %arg4[%dma_wait3A_476, %dma_wait3A_477, %dma_wait3A_478] : memref<6x1024x1024xf32, #tpu.memory_space<vmem>> -> memref<1x1024x1024xf32, #tpu.memory_space<vmem>>
    %dma_wait3A_480 = arith.constant 0 : i32
    %dma_wait3A_481 = arith.constant 6144 : i32
    %dma_wait3A_482 = arith.constant 0 : i32
    %dma_wait3A_483 = tpu.memref_slice %arg2[%dma_wait3A_480, %dma_wait3A_481, %dma_wait3A_482] : memref<4x8192x1024xf32, #tpu.memory_space<any>> -> memref<1x1024x1024xf32, #tpu.memory_space<any>>
    tpu.wait_dma2 semaphore(%dma_wait3A_475 : memref<!tpu.dma_semaphore, #tpu.memory_space<semaphore_mem>>) src(%dma_wait3A_483 : memref<1x1024x1024xf32, #tpu.memory_space<any>>) dst(%dma_wait3A_479 : memref<1x1024x1024xf32, #tpu.memory_space<vmem>>)
    %dma_start3A_484 = arith.constant 3 : i32
    %dma_start3A_485 = tpu.memref_slice %arg6[%dma_start3A_484] : memref<6x!tpu.dma_semaphore, #tpu.memory_space<semaphore_mem>> -> memref<1x!tpu.dma_semaphore, #tpu.memory_space<semaphore_mem>>
    %dma_start3A_486 = tpu.memref_squeeze %dma_start3A_485 : memref<1x!tpu.dma_semaphore, #tpu.memory_space<semaphore_mem>> -> memref<!tpu.dma_semaphore, #tpu.memory_space<semaphore_mem>>
    %dma_start3A_487 = arith.constant 0 : i32
    %dma_start3A_488 = arith.constant 6160 : i32
    %dma_start3A_489 = arith.constant 0 : i32
    %dma_start3A_490 = tpu.memref_slice %arg3[%dma_start3A_487, %dma_start3A_488, %dma_start3A_489] : memref<4x8208x1024xf32, #tpu.memory_space<any>> -> memref<1x1024x1024xf32, #tpu.memory_space<any>>
    %dma_start3A_491 = arith.constant 3 : i32
    %dma_start3A_492 = arith.constant 0 : i32
    %dma_start3A_493 = arith.constant 0 : i32
    %dma_start3A_494 = tpu.memref_slice %arg4[%dma_start3A_491, %dma_start3A_492, %dma_start3A_493] : memref<6x1024x1024xf32, #tpu.memory_space<vmem>> -> memref<1x1024x1024xf32, #tpu.memory_space<vmem>>
    tpu.enqueue_dma source(%dma_start3A_494 : memref<1x1024x1024xf32, #tpu.memory_space<vmem>>) target(%dma_start3A_490 : memref<1x1024x1024xf32, #tpu.memory_space<any>>) target_semaphore(%dma_start3A_486 : memref<!tpu.dma_semaphore, #tpu.memory_space<semaphore_mem>>)
    %dma_wait3A_495 = arith.constant 2 : i32
    %dma_wait3A_496 = tpu.memref_slice %arg6[%dma_wait3A_495] : memref<6x!tpu.dma_semaphore, #tpu.memory_space<semaphore_mem>> -> memref<1x!tpu.dma_semaphore, #tpu.memory_space<semaphore_mem>>
    %dma_wait3A_497 = tpu.memref_squeeze %dma_wait3A_496 : memref<1x!tpu.dma_semaphore, #tpu.memory_space<semaphore_mem>> -> memref<!tpu.dma_semaphore, #tpu.memory_space<semaphore_mem>>
    %dma_wait3A_498 = arith.constant 0 : i32
    %dma_wait3A_499 = arith.constant 5136 : i32
    %dma_wait3A_500 = arith.constant 0 : i32
    %dma_wait3A_501 = tpu.memref_slice %arg3[%dma_wait3A_498, %dma_wait3A_499, %dma_wait3A_500] : memref<4x8208x1024xf32, #tpu.memory_space<any>> -> memref<1x1024x1024xf32, #tpu.memory_space<any>>
    %dma_wait3A_502 = arith.constant 2 : i32
    %dma_wait3A_503 = arith.constant 0 : i32
    %dma_wait3A_504 = arith.constant 0 : i32
    %dma_wait3A_505 = tpu.memref_slice %arg4[%dma_wait3A_502, %dma_wait3A_503, %dma_wait3A_504] : memref<6x1024x1024xf32, #tpu.memory_space<vmem>> -> memref<1x1024x1024xf32, #tpu.memory_space<vmem>>
    tpu.wait_dma2 semaphore(%dma_wait3A_497 : memref<!tpu.dma_semaphore, #tpu.memory_space<semaphore_mem>>) src(%dma_wait3A_505 : memref<1x1024x1024xf32, #tpu.memory_space<vmem>>) dst(%dma_wait3A_501 : memref<1x1024x1024xf32, #tpu.memory_space<any>>)
    %dma_start3A_506 = arith.constant 2 : i32
    %dma_start3A_507 = tpu.memref_slice %arg5[%dma_start3A_506] : memref<6x!tpu.dma_semaphore, #tpu.memory_space<semaphore_mem>> -> memref<1x!tpu.dma_semaphore, #tpu.memory_space<semaphore_mem>>
    %dma_start3A_508 = tpu.memref_squeeze %dma_start3A_507 : memref<1x!tpu.dma_semaphore, #tpu.memory_space<semaphore_mem>> -> memref<!tpu.dma_semaphore, #tpu.memory_space<semaphore_mem>>
    %dma_start3A_509 = arith.constant 2 : i32
    %dma_start3A_510 = arith.constant 0 : i32
    %dma_start3A_511 = arith.constant 0 : i32
    %dma_start3A_512 = tpu.memref_slice %arg4[%dma_start3A_509, %dma_start3A_510, %dma_start3A_511] : memref<6x1024x1024xf32, #tpu.memory_space<vmem>> -> memref<1x1024x1024xf32, #tpu.memory_space<vmem>>
    %dma_start3A_513 = arith.constant 1 : i32
    %dma_start3A_514 = arith.constant 3072 : i32
    %dma_start3A_515 = arith.constant 0 : i32
    %dma_start3A_516 = tpu.memref_slice %arg2[%dma_start3A_513, %dma_start3A_514, %dma_start3A_515] : memref<4x8192x1024xf32, #tpu.memory_space<any>> -> memref<1x1024x1024xf32, #tpu.memory_space<any>>
    tpu.enqueue_dma source(%dma_start3A_516 : memref<1x1024x1024xf32, #tpu.memory_space<any>>) target(%dma_start3A_512 : memref<1x1024x1024xf32, #tpu.memory_space<vmem>>) target_semaphore(%dma_start3A_508 : memref<!tpu.dma_semaphore, #tpu.memory_space<semaphore_mem>>)
    %dma_wait3A_517 = arith.constant 4 : i32
    %dma_wait3A_518 = tpu.memref_slice %arg5[%dma_wait3A_517] : memref<6x!tpu.dma_semaphore, #tpu.memory_space<semaphore_mem>> -> memref<1x!tpu.dma_semaphore, #tpu.memory_space<semaphore_mem>>
    %dma_wait3A_519 = tpu.memref_squeeze %dma_wait3A_518 : memref<1x!tpu.dma_semaphore, #tpu.memory_space<semaphore_mem>> -> memref<!tpu.dma_semaphore, #tpu.memory_space<semaphore_mem>>
    %dma_wait3A_520 = arith.constant 4 : i32
    %dma_wait3A_521 = arith.constant 0 : i32
    %dma_wait3A_522 = arith.constant 0 : i32
    %dma_wait3A_523 = tpu.memref_slice %arg4[%dma_wait3A_520, %dma_wait3A_521, %dma_wait3A_522] : memref<6x1024x1024xf32, #tpu.memory_space<vmem>> -> memref<1x1024x1024xf32, #tpu.memory_space<vmem>>
    %dma_wait3A_524 = arith.constant 0 : i32
    %dma_wait3A_525 = arith.constant 7168 : i32
    %dma_wait3A_526 = arith.constant 0 : i32
    %dma_wait3A_527 = tpu.memref_slice %arg2[%dma_wait3A_524, %dma_wait3A_525, %dma_wait3A_526] : memref<4x8192x1024xf32, #tpu.memory_space<any>> -> memref<1x1024x1024xf32, #tpu.memory_space<any>>
    tpu.wait_dma2 semaphore(%dma_wait3A_519 : memref<!tpu.dma_semaphore, #tpu.memory_space<semaphore_mem>>) src(%dma_wait3A_527 : memref<1x1024x1024xf32, #tpu.memory_space<any>>) dst(%dma_wait3A_523 : memref<1x1024x1024xf32, #tpu.memory_space<vmem>>)
    %dma_start3A_528 = arith.constant 4 : i32
    %dma_start3A_529 = tpu.memref_slice %arg6[%dma_start3A_528] : memref<6x!tpu.dma_semaphore, #tpu.memory_space<semaphore_mem>> -> memref<1x!tpu.dma_semaphore, #tpu.memory_space<semaphore_mem>>
    %dma_start3A_530 = tpu.memref_squeeze %dma_start3A_529 : memref<1x!tpu.dma_semaphore, #tpu.memory_space<semaphore_mem>> -> memref<!tpu.dma_semaphore, #tpu.memory_space<semaphore_mem>>
    %dma_start3A_531 = arith.constant 0 : i32
    %dma_start3A_532 = arith.constant 7184 : i32
    %dma_start3A_533 = arith.constant 0 : i32
    %dma_start3A_534 = tpu.memref_slice %arg3[%dma_start3A_531, %dma_start3A_532, %dma_start3A_533] : memref<4x8208x1024xf32, #tpu.memory_space<any>> -> memref<1x1024x1024xf32, #tpu.memory_space<any>>
    %dma_start3A_535 = arith.constant 4 : i32
    %dma_start3A_536 = arith.constant 0 : i32
    %dma_start3A_537 = arith.constant 0 : i32
    %dma_start3A_538 = tpu.memref_slice %arg4[%dma_start3A_535, %dma_start3A_536, %dma_start3A_537] : memref<6x1024x1024xf32, #tpu.memory_space<vmem>> -> memref<1x1024x1024xf32, #tpu.memory_space<vmem>>
    tpu.enqueue_dma source(%dma_start3A_538 : memref<1x1024x1024xf32, #tpu.memory_space<vmem>>) target(%dma_start3A_534 : memref<1x1024x1024xf32, #tpu.memory_space<any>>) target_semaphore(%dma_start3A_530 : memref<!tpu.dma_semaphore, #tpu.memory_space<semaphore_mem>>)
    %dma_wait3A_539 = arith.constant 3 : i32
    %dma_wait3A_540 = tpu.memref_slice %arg6[%dma_wait3A_539] : memref<6x!tpu.dma_semaphore, #tpu.memory_space<semaphore_mem>> -> memref<1x!tpu.dma_semaphore, #tpu.memory_space<semaphore_mem>>
    %dma_wait3A_541 = tpu.memref_squeeze %dma_wait3A_540 : memref<1x!tpu.dma_semaphore, #tpu.memory_space<semaphore_mem>> -> memref<!tpu.dma_semaphore, #tpu.memory_space<semaphore_mem>>
    %dma_wait3A_542 = arith.constant 0 : i32
    %dma_wait3A_543 = arith.constant 6160 : i32
    %dma_wait3A_544 = arith.constant 0 : i32
    %dma_wait3A_545 = tpu.memref_slice %arg3[%dma_wait3A_542, %dma_wait3A_543, %dma_wait3A_544] : memref<4x8208x1024xf32, #tpu.memory_space<any>> -> memref<1x1024x1024xf32, #tpu.memory_space<any>>
    %dma_wait3A_546 = arith.constant 3 : i32
    %dma_wait3A_547 = arith.constant 0 : i32
    %dma_wait3A_548 = arith.constant 0 : i32
    %dma_wait3A_549 = tpu.memref_slice %arg4[%dma_wait3A_546, %dma_wait3A_547, %dma_wait3A_548] : memref<6x1024x1024xf32, #tpu.memory_space<vmem>> -> memref<1x1024x1024xf32, #tpu.memory_space<vmem>>
    tpu.wait_dma2 semaphore(%dma_wait3A_541 : memref<!tpu.dma_semaphore, #tpu.memory_space<semaphore_mem>>) src(%dma_wait3A_549 : memref<1x1024x1024xf32, #tpu.memory_space<vmem>>) dst(%dma_wait3A_545 : memref<1x1024x1024xf32, #tpu.memory_space<any>>)
    %dma_start3A_550 = arith.constant 3 : i32
    %dma_start3A_551 = tpu.memref_slice %arg5[%dma_start3A_550] : memref<6x!tpu.dma_semaphore, #tpu.memory_space<semaphore_mem>> -> memref<1x!tpu.dma_semaphore, #tpu.memory_space<semaphore_mem>>
    %dma_start3A_552 = tpu.memref_squeeze %dma_start3A_551 : memref<1x!tpu.dma_semaphore, #tpu.memory_space<semaphore_mem>> -> memref<!tpu.dma_semaphore, #tpu.memory_space<semaphore_mem>>
    %dma_start3A_553 = arith.constant 3 : i32
    %dma_start3A_554 = arith.constant 0 : i32
    %dma_start3A_555 = arith.constant 0 : i32
    %dma_start3A_556 = tpu.memref_slice %arg4[%dma_start3A_553, %dma_start3A_554, %dma_start3A_555] : memref<6x1024x1024xf32, #tpu.memory_space<vmem>> -> memref<1x1024x1024xf32, #tpu.memory_space<vmem>>
    %dma_start3A_557 = arith.constant 1 : i32
    %dma_start3A_558 = arith.constant 4096 : i32
    %dma_start3A_559 = arith.constant 0 : i32
    %dma_start3A_560 = tpu.memref_slice %arg2[%dma_start3A_557, %dma_start3A_558, %dma_start3A_559] : memref<4x8192x1024xf32, #tpu.memory_space<any>> -> memref<1x1024x1024xf32, #tpu.memory_space<any>>
    tpu.enqueue_dma source(%dma_start3A_560 : memref<1x1024x1024xf32, #tpu.memory_space<any>>) target(%dma_start3A_556 : memref<1x1024x1024xf32, #tpu.memory_space<vmem>>) target_semaphore(%dma_start3A_552 : memref<!tpu.dma_semaphore, #tpu.memory_space<semaphore_mem>>)
    %dma_wait3A_561 = arith.constant 5 : i32
    %dma_wait3A_562 = tpu.memref_slice %arg5[%dma_wait3A_561] : memref<6x!tpu.dma_semaphore, #tpu.memory_space<semaphore_mem>> -> memref<1x!tpu.dma_semaphore, #tpu.memory_space<semaphore_mem>>
    %dma_wait3A_563 = tpu.memref_squeeze %dma_wait3A_562 : memref<1x!tpu.dma_semaphore, #tpu.memory_space<semaphore_mem>> -> memref<!tpu.dma_semaphore, #tpu.memory_space<semaphore_mem>>
    %dma_wait3A_564 = arith.constant 5 : i32
    %dma_wait3A_565 = arith.constant 0 : i32
    %dma_wait3A_566 = arith.constant 0 : i32
    %dma_wait3A_567 = tpu.memref_slice %arg4[%dma_wait3A_564, %dma_wait3A_565, %dma_wait3A_566] : memref<6x1024x1024xf32, #tpu.memory_space<vmem>> -> memref<1x1024x1024xf32, #tpu.memory_space<vmem>>
    %dma_wait3A_568 = arith.constant 1 : i32
    %dma_wait3A_569 = arith.constant 0 : i32
    %dma_wait3A_570 = arith.constant 0 : i32
    %dma_wait3A_571 = tpu.memref_slice %arg2[%dma_wait3A_568, %dma_wait3A_569, %dma_wait3A_570] : memref<4x8192x1024xf32, #tpu.memory_space<any>> -> memref<1x1024x1024xf32, #tpu.memory_space<any>>
    tpu.wait_dma2 semaphore(%dma_wait3A_563 : memref<!tpu.dma_semaphore, #tpu.memory_space<semaphore_mem>>) src(%dma_wait3A_571 : memref<1x1024x1024xf32, #tpu.memory_space<any>>) dst(%dma_wait3A_567 : memref<1x1024x1024xf32, #tpu.memory_space<vmem>>)
    %dma_start3A_572 = arith.constant 5 : i32
    %dma_start3A_573 = tpu.memref_slice %arg6[%dma_start3A_572] : memref<6x!tpu.dma_semaphore, #tpu.memory_space<semaphore_mem>> -> memref<1x!tpu.dma_semaphore, #tpu.memory_space<semaphore_mem>>
    %dma_start3A_574 = tpu.memref_squeeze %dma_start3A_573 : memref<1x!tpu.dma_semaphore, #tpu.memory_space<semaphore_mem>> -> memref<!tpu.dma_semaphore, #tpu.memory_space<semaphore_mem>>
    %dma_start3A_575 = arith.constant 1 : i32
    %dma_start3A_576 = arith.constant 16 : i32
    %dma_start3A_577 = arith.constant 0 : i32
    %dma_start3A_578 = tpu.memref_slice %arg3[%dma_start3A_575, %dma_start3A_576, %dma_start3A_577] : memref<4x8208x1024xf32, #tpu.memory_space<any>> -> memref<1x1024x1024xf32, #tpu.memory_space<any>>
    %dma_start3A_579 = arith.constant 5 : i32
    %dma_start3A_580 = arith.constant 0 : i32
    %dma_start3A_581 = arith.constant 0 : i32
    %dma_start3A_582 = tpu.memref_slice %arg4[%dma_start3A_579, %dma_start3A_580, %dma_start3A_581] : memref<6x1024x1024xf32, #tpu.memory_space<vmem>> -> memref<1x1024x1024xf32, #tpu.memory_space<vmem>>
    tpu.enqueue_dma source(%dma_start3A_582 : memref<1x1024x1024xf32, #tpu.memory_space<vmem>>) target(%dma_start3A_578 : memref<1x1024x1024xf32, #tpu.memory_space<any>>) target_semaphore(%dma_start3A_574 : memref<!tpu.dma_semaphore, #tpu.memory_space<semaphore_mem>>)
    %dma_wait3A_583 = arith.constant 4 : i32
    %dma_wait3A_584 = tpu.memref_slice %arg6[%dma_wait3A_583] : memref<6x!tpu.dma_semaphore, #tpu.memory_space<semaphore_mem>> -> memref<1x!tpu.dma_semaphore, #tpu.memory_space<semaphore_mem>>
    %dma_wait3A_585 = tpu.memref_squeeze %dma_wait3A_584 : memref<1x!tpu.dma_semaphore, #tpu.memory_space<semaphore_mem>> -> memref<!tpu.dma_semaphore, #tpu.memory_space<semaphore_mem>>
    %dma_wait3A_586 = arith.constant 0 : i32
    %dma_wait3A_587 = arith.constant 7184 : i32
    %dma_wait3A_588 = arith.constant 0 : i32
    %dma_wait3A_589 = tpu.memref_slice %arg3[%dma_wait3A_586, %dma_wait3A_587, %dma_wait3A_588] : memref<4x8208x1024xf32, #tpu.memory_space<any>> -> memref<1x1024x1024xf32, #tpu.memory_space<any>>
    %dma_wait3A_590 = arith.constant 4 : i32
    %dma_wait3A_591 = arith.constant 0 : i32
    %dma_wait3A_592 = arith.constant 0 : i32
    %dma_wait3A_593 = tpu.memref_slice %arg4[%dma_wait3A_590, %dma_wait3A_591, %dma_wait3A_592] : memref<6x1024x1024xf32, #tpu.memory_space<vmem>> -> memref<1x1024x1024xf32, #tpu.memory_space<vmem>>
    tpu.wait_dma2 semaphore(%dma_wait3A_585 : memref<!tpu.dma_semaphore, #tpu.memory_space<semaphore_mem>>) src(%dma_wait3A_593 : memref<1x1024x1024xf32, #tpu.memory_space<vmem>>) dst(%dma_wait3A_589 : memref<1x1024x1024xf32, #tpu.memory_space<any>>)
    %dma_start3A_594 = arith.constant 4 : i32
    %dma_start3A_595 = tpu.memref_slice %arg5[%dma_start3A_594] : memref<6x!tpu.dma_semaphore, #tpu.memory_space<semaphore_mem>> -> memref<1x!tpu.dma_semaphore, #tpu.memory_space<semaphore_mem>>
    %dma_start3A_596 = tpu.memref_squeeze %dma_start3A_595 : memref<1x!tpu.dma_semaphore, #tpu.memory_space<semaphore_mem>> -> memref<!tpu.dma_semaphore, #tpu.memory_space<semaphore_mem>>
    %dma_start3A_597 = arith.constant 4 : i32
    %dma_start3A_598 = arith.constant 0 : i32
    %dma_start3A_599 = arith.constant 0 : i32
    %dma_start3A_600 = tpu.memref_slice %arg4[%dma_start3A_597, %dma_start3A_598, %dma_start3A_599] : memref<6x1024x1024xf32, #tpu.memory_space<vmem>> -> memref<1x1024x1024xf32, #tpu.memory_space<vmem>>
    %dma_start3A_601 = arith.constant 1 : i32
    %dma_start3A_602 = arith.constant 5120 : i32
    %dma_start3A_603 = arith.constant 0 : i32
    %dma_start3A_604 = tpu.memref_slice %arg2[%dma_start3A_601, %dma_start3A_602, %dma_start3A_603] : memref<4x8192x1024xf32, #tpu.memory_space<any>> -> memref<1x1024x1024xf32, #tpu.memory_space<any>>
    tpu.enqueue_dma source(%dma_start3A_604 : memref<1x1024x1024xf32, #tpu.memory_space<any>>) target(%dma_start3A_600 : memref<1x1024x1024xf32, #tpu.memory_space<vmem>>) target_semaphore(%dma_start3A_596 : memref<!tpu.dma_semaphore, #tpu.memory_space<semaphore_mem>>)
    %dma_wait3A_605 = arith.constant 0 : i32
    %dma_wait3A_606 = tpu.memref_slice %arg5[%dma_wait3A_605] : memref<6x!tpu.dma_semaphore, #tpu.memory_space<semaphore_mem>> -> memref<1x!tpu.dma_semaphore, #tpu.memory_space<semaphore_mem>>
    %dma_wait3A_607 = tpu.memref_squeeze %dma_wait3A_606 : memref<1x!tpu.dma_semaphore, #tpu.memory_space<semaphore_mem>> -> memref<!tpu.dma_semaphore, #tpu.memory_space<semaphore_mem>>
    %dma_wait3A_608 = arith.constant 0 : i32
    %dma_wait3A_609 = arith.constant 0 : i32
    %dma_wait3A_610 = arith.constant 0 : i32
    %dma_wait3A_611 = tpu.memref_slice %arg4[%dma_wait3A_608, %dma_wait3A_609, %dma_wait3A_610] : memref<6x1024x1024xf32, #tpu.memory_space<vmem>> -> memref<1x1024x1024xf32, #tpu.memory_space<vmem>>
    %dma_wait3A_612 = arith.constant 1 : i32
    %dma_wait3A_613 = arith.constant 1024 : i32
    %dma_wait3A_614 = arith.constant 0 : i32
    %dma_wait3A_615 = tpu.memref_slice %arg2[%dma_wait3A_612, %dma_wait3A_613, %dma_wait3A_614] : memref<4x8192x1024xf32, #tpu.memory_space<any>> -> memref<1x1024x1024xf32, #tpu.memory_space<any>>
    tpu.wait_dma2 semaphore(%dma_wait3A_607 : memref<!tpu.dma_semaphore, #tpu.memory_space<semaphore_mem>>) src(%dma_wait3A_615 : memref<1x1024x1024xf32, #tpu.memory_space<any>>) dst(%dma_wait3A_611 : memref<1x1024x1024xf32, #tpu.memory_space<vmem>>)
    %dma_start3A_616 = arith.constant 0 : i32
    %dma_start3A_617 = tpu.memref_slice %arg6[%dma_start3A_616] : memref<6x!tpu.dma_semaphore, #tpu.memory_space<semaphore_mem>> -> memref<1x!tpu.dma_semaphore, #tpu.memory_space<semaphore_mem>>
    %dma_start3A_618 = tpu.memref_squeeze %dma_start3A_617 : memref<1x!tpu.dma_semaphore, #tpu.memory_space<semaphore_mem>> -> memref<!tpu.dma_semaphore, #tpu.memory_space<semaphore_mem>>
    %dma_start3A_619 = arith.constant 1 : i32
    %dma_start3A_620 = arith.constant 1040 : i32
    %dma_start3A_621 = arith.constant 0 : i32
    %dma_start3A_622 = tpu.memref_slice %arg3[%dma_start3A_619, %dma_start3A_620, %dma_start3A_621] : memref<4x8208x1024xf32, #tpu.memory_space<any>> -> memref<1x1024x1024xf32, #tpu.memory_space<any>>
    %dma_start3A_623 = arith.constant 0 : i32
    %dma_start3A_624 = arith.constant 0 : i32
    %dma_start3A_625 = arith.constant 0 : i32
    %dma_start3A_626 = tpu.memref_slice %arg4[%dma_start3A_623, %dma_start3A_624, %dma_start3A_625] : memref<6x1024x1024xf32, #tpu.memory_space<vmem>> -> memref<1x1024x1024xf32, #tpu.memory_space<vmem>>
    tpu.enqueue_dma source(%dma_start3A_626 : memref<1x1024x1024xf32, #tpu.memory_space<vmem>>) target(%dma_start3A_622 : memref<1x1024x1024xf32, #tpu.memory_space<any>>) target_semaphore(%dma_start3A_618 : memref<!tpu.dma_semaphore, #tpu.memory_space<semaphore_mem>>)
    %dma_wait3A_627 = arith.constant 5 : i32
    %dma_wait3A_628 = tpu.memref_slice %arg6[%dma_wait3A_627] : memref<6x!tpu.dma_semaphore, #tpu.memory_space<semaphore_mem>> -> memref<1x!tpu.dma_semaphore, #tpu.memory_space<semaphore_mem>>
    %dma_wait3A_629 = tpu.memref_squeeze %dma_wait3A_628 : memref<1x!tpu.dma_semaphore, #tpu.memory_space<semaphore_mem>> -> memref<!tpu.dma_semaphore, #tpu.memory_space<semaphore_mem>>
    %dma_wait3A_630 = arith.constant 1 : i32
    %dma_wait3A_631 = arith.constant 16 : i32
    %dma_wait3A_632 = arith.constant 0 : i32
    %dma_wait3A_633 = tpu.memref_slice %arg3[%dma_wait3A_630, %dma_wait3A_631, %dma_wait3A_632] : memref<4x8208x1024xf32, #tpu.memory_space<any>> -> memref<1x1024x1024xf32, #tpu.memory_space<any>>
    %dma_wait3A_634 = arith.constant 5 : i32
    %dma_wait3A_635 = arith.constant 0 : i32
    %dma_wait3A_636 = arith.constant 0 : i32
    %dma_wait3A_637 = tpu.memref_slice %arg4[%dma_wait3A_634, %dma_wait3A_635, %dma_wait3A_636] : memref<6x1024x1024xf32, #tpu.memory_space<vmem>> -> memref<1x1024x1024xf32, #tpu.memory_space<vmem>>
    tpu.wait_dma2 semaphore(%dma_wait3A_629 : memref<!tpu.dma_semaphore, #tpu.memory_space<semaphore_mem>>) src(%dma_wait3A_637 : memref<1x1024x1024xf32, #tpu.memory_space<vmem>>) dst(%dma_wait3A_633 : memref<1x1024x1024xf32, #tpu.memory_space<any>>)
    %dma_start3A_638 = arith.constant 5 : i32
    %dma_start3A_639 = tpu.memref_slice %arg5[%dma_start3A_638] : memref<6x!tpu.dma_semaphore, #tpu.memory_space<semaphore_mem>> -> memref<1x!tpu.dma_semaphore, #tpu.memory_space<semaphore_mem>>
    %dma_start3A_640 = tpu.memref_squeeze %dma_start3A_639 : memref<1x!tpu.dma_semaphore, #tpu.memory_space<semaphore_mem>> -> memref<!tpu.dma_semaphore, #tpu.memory_space<semaphore_mem>>
    %dma_start3A_641 = arith.constant 5 : i32
    %dma_start3A_642 = arith.constant 0 : i32
    %dma_start3A_643 = arith.constant 0 : i32
    %dma_start3A_644 = tpu.memref_slice %arg4[%dma_start3A_641, %dma_start3A_642, %dma_start3A_643] : memref<6x1024x1024xf32, #tpu.memory_space<vmem>> -> memref<1x1024x1024xf32, #tpu.memory_space<vmem>>
    %dma_start3A_645 = arith.constant 1 : i32
    %dma_start3A_646 = arith.constant 6144 : i32
    %dma_start3A_647 = arith.constant 0 : i32
    %dma_start3A_648 = tpu.memref_slice %arg2[%dma_start3A_645, %dma_start3A_646, %dma_start3A_647] : memref<4x8192x1024xf32, #tpu.memory_space<any>> -> memref<1x1024x1024xf32, #tpu.memory_space<any>>
    tpu.enqueue_dma source(%dma_start3A_648 : memref<1x1024x1024xf32, #tpu.memory_space<any>>) target(%dma_start3A_644 : memref<1x1024x1024xf32, #tpu.memory_space<vmem>>) target_semaphore(%dma_start3A_640 : memref<!tpu.dma_semaphore, #tpu.memory_space<semaphore_mem>>)
    %dma_wait3A_649 = arith.constant 1 : i32
    %dma_wait3A_650 = tpu.memref_slice %arg5[%dma_wait3A_649] : memref<6x!tpu.dma_semaphore, #tpu.memory_space<semaphore_mem>> -> memref<1x!tpu.dma_semaphore, #tpu.memory_space<semaphore_mem>>
    %dma_wait3A_651 = tpu.memref_squeeze %dma_wait3A_650 : memref<1x!tpu.dma_semaphore, #tpu.memory_space<semaphore_mem>> -> memref<!tpu.dma_semaphore, #tpu.memory_space<semaphore_mem>>
    %dma_wait3A_652 = arith.constant 1 : i32
    %dma_wait3A_653 = arith.constant 0 : i32
    %dma_wait3A_654 = arith.constant 0 : i32
    %dma_wait3A_655 = tpu.memref_slice %arg4[%dma_wait3A_652, %dma_wait3A_653, %dma_wait3A_654] : memref<6x1024x1024xf32, #tpu.memory_space<vmem>> -> memref<1x1024x1024xf32, #tpu.memory_space<vmem>>
    %dma_wait3A_656 = arith.constant 1 : i32
    %dma_wait3A_657 = arith.constant 2048 : i32
    %dma_wait3A_658 = arith.constant 0 : i32
    %dma_wait3A_659 = tpu.memref_slice %arg2[%dma_wait3A_656, %dma_wait3A_657, %dma_wait3A_658] : memref<4x8192x1024xf32, #tpu.memory_space<any>> -> memref<1x1024x1024xf32, #tpu.memory_space<any>>
    tpu.wait_dma2 semaphore(%dma_wait3A_651 : memref<!tpu.dma_semaphore, #tpu.memory_space<semaphore_mem>>) src(%dma_wait3A_659 : memref<1x1024x1024xf32, #tpu.memory_space<any>>) dst(%dma_wait3A_655 : memref<1x1024x1024xf32, #tpu.memory_space<vmem>>)
    %dma_start3A_660 = arith.constant 1 : i32
    %dma_start3A_661 = tpu.memref_slice %arg6[%dma_start3A_660] : memref<6x!tpu.dma_semaphore, #tpu.memory_space<semaphore_mem>> -> memref<1x!tpu.dma_semaphore, #tpu.memory_space<semaphore_mem>>
    %dma_start3A_662 = tpu.memref_squeeze %dma_start3A_661 : memref<1x!tpu.dma_semaphore, #tpu.memory_space<semaphore_mem>> -> memref<!tpu.dma_semaphore, #tpu.memory_space<semaphore_mem>>
    %dma_start3A_663 = arith.constant 1 : i32
    %dma_start3A_664 = arith.constant 2064 : i32
    %dma_start3A_665 = arith.constant 0 : i32
    %dma_start3A_666 = tpu.memref_slice %arg3[%dma_start3A_663, %dma_start3A_664, %dma_start3A_665] : memref<4x8208x1024xf32, #tpu.memory_space<any>> -> memref<1x1024x1024xf32, #tpu.memory_space<any>>
    %dma_start3A_667 = arith.constant 1 : i32
    %dma_start3A_668 = arith.constant 0 : i32
    %dma_start3A_669 = arith.constant 0 : i32
    %dma_start3A_670 = tpu.memref_slice %arg4[%dma_start3A_667, %dma_start3A_668, %dma_start3A_669] : memref<6x1024x1024xf32, #tpu.memory_space<vmem>> -> memref<1x1024x1024xf32, #tpu.memory_space<vmem>>
    tpu.enqueue_dma source(%dma_start3A_670 : memref<1x1024x1024xf32, #tpu.memory_space<vmem>>) target(%dma_start3A_666 : memref<1x1024x1024xf32, #tpu.memory_space<any>>) target_semaphore(%dma_start3A_662 : memref<!tpu.dma_semaphore, #tpu.memory_space<semaphore_mem>>)
    %dma_wait3A_671 = arith.constant 0 : i32
    %dma_wait3A_672 = tpu.memref_slice %arg6[%dma_wait3A_671] : memref<6x!tpu.dma_semaphore, #tpu.memory_space<semaphore_mem>> -> memref<1x!tpu.dma_semaphore, #tpu.memory_space<semaphore_mem>>
    %dma_wait3A_673 = tpu.memref_squeeze %dma_wait3A_672 : memref<1x!tpu.dma_semaphore, #tpu.memory_space<semaphore_mem>> -> memref<!tpu.dma_semaphore, #tpu.memory_space<semaphore_mem>>
    %dma_wait3A_674 = arith.constant 1 : i32
    %dma_wait3A_675 = arith.constant 1040 : i32
    %dma_wait3A_676 = arith.constant 0 : i32
    %dma_wait3A_677 = tpu.memref_slice %arg3[%dma_wait3A_674, %dma_wait3A_675, %dma_wait3A_676] : memref<4x8208x1024xf32, #tpu.memory_space<any>> -> memref<1x1024x1024xf32, #tpu.memory_space<any>>
    %dma_wait3A_678 = arith.constant 0 : i32
    %dma_wait3A_679 = arith.constant 0 : i32
    %dma_wait3A_680 = arith.constant 0 : i32
    %dma_wait3A_681 = tpu.memref_slice %arg4[%dma_wait3A_678, %dma_wait3A_679, %dma_wait3A_680] : memref<6x1024x1024xf32, #tpu.memory_space<vmem>> -> memref<1x1024x1024xf32, #tpu.memory_space<vmem>>
    tpu.wait_dma2 semaphore(%dma_wait3A_673 : memref<!tpu.dma_semaphore, #tpu.memory_space<semaphore_mem>>) src(%dma_wait3A_681 : memref<1x1024x1024xf32, #tpu.memory_space<vmem>>) dst(%dma_wait3A_677 : memref<1x1024x1024xf32, #tpu.memory_space<any>>)
    %dma_start3A_682 = arith.constant 0 : i32
    %dma_start3A_683 = tpu.memref_slice %arg5[%dma_start3A_682] : memref<6x!tpu.dma_semaphore, #tpu.memory_space<semaphore_mem>> -> memref<1x!tpu.dma_semaphore, #tpu.memory_space<semaphore_mem>>
    %dma_start3A_684 = tpu.memref_squeeze %dma_start3A_683 : memref<1x!tpu.dma_semaphore, #tpu.memory_space<semaphore_mem>> -> memref<!tpu.dma_semaphore, #tpu.memory_space<semaphore_mem>>
    %dma_start3A_685 = arith.constant 0 : i32
    %dma_start3A_686 = arith.constant 0 : i32
    %dma_start3A_687 = arith.constant 0 : i32
    %dma_start3A_688 = tpu.memref_slice %arg4[%dma_start3A_685, %dma_start3A_686, %dma_start3A_687] : memref<6x1024x1024xf32, #tpu.memory_space<vmem>> -> memref<1x1024x1024xf32, #tpu.memory_space<vmem>>
    %dma_start3A_689 = arith.constant 1 : i32
    %dma_start3A_690 = arith.constant 7168 : i32
    %dma_start3A_691 = arith.constant 0 : i32
    %dma_start3A_692 = tpu.memref_slice %arg2[%dma_start3A_689, %dma_start3A_690, %dma_start3A_691] : memref<4x8192x1024xf32, #tpu.memory_space<any>> -> memref<1x1024x1024xf32, #tpu.memory_space<any>>
    tpu.enqueue_dma source(%dma_start3A_692 : memref<1x1024x1024xf32, #tpu.memory_space<any>>) target(%dma_start3A_688 : memref<1x1024x1024xf32, #tpu.memory_space<vmem>>) target_semaphore(%dma_start3A_684 : memref<!tpu.dma_semaphore, #tpu.memory_space<semaphore_mem>>)
    %dma_wait3A_693 = arith.constant 2 : i32
    %dma_wait3A_694 = tpu.memref_slice %arg5[%dma_wait3A_693] : memref<6x!tpu.dma_semaphore, #tpu.memory_space<semaphore_mem>> -> memref<1x!tpu.dma_semaphore, #tpu.memory_space<semaphore_mem>>
    %dma_wait3A_695 = tpu.memref_squeeze %dma_wait3A_694 : memref<1x!tpu.dma_semaphore, #tpu.memory_space<semaphore_mem>> -> memref<!tpu.dma_semaphore, #tpu.memory_space<semaphore_mem>>
    %dma_wait3A_696 = arith.constant 2 : i32
    %dma_wait3A_697 = arith.constant 0 : i32
    %dma_wait3A_698 = arith.constant 0 : i32
    %dma_wait3A_699 = tpu.memref_slice %arg4[%dma_wait3A_696, %dma_wait3A_697, %dma_wait3A_698] : memref<6x1024x1024xf32, #tpu.memory_space<vmem>> -> memref<1x1024x1024xf32, #tpu.memory_space<vmem>>
    %dma_wait3A_700 = arith.constant 1 : i32
    %dma_wait3A_701 = arith.constant 3072 : i32
    %dma_wait3A_702 = arith.constant 0 : i32
    %dma_wait3A_703 = tpu.memref_slice %arg2[%dma_wait3A_700, %dma_wait3A_701, %dma_wait3A_702] : memref<4x8192x1024xf32, #tpu.memory_space<any>> -> memref<1x1024x1024xf32, #tpu.memory_space<any>>
    tpu.wait_dma2 semaphore(%dma_wait3A_695 : memref<!tpu.dma_semaphore, #tpu.memory_space<semaphore_mem>>) src(%dma_wait3A_703 : memref<1x1024x1024xf32, #tpu.memory_space<any>>) dst(%dma_wait3A_699 : memref<1x1024x1024xf32, #tpu.memory_space<vmem>>)
    %dma_start3A_704 = arith.constant 2 : i32
    %dma_start3A_705 = tpu.memref_slice %arg6[%dma_start3A_704] : memref<6x!tpu.dma_semaphore, #tpu.memory_space<semaphore_mem>> -> memref<1x!tpu.dma_semaphore, #tpu.memory_space<semaphore_mem>>
    %dma_start3A_706 = tpu.memref_squeeze %dma_start3A_705 : memref<1x!tpu.dma_semaphore, #tpu.memory_space<semaphore_mem>> -> memref<!tpu.dma_semaphore, #tpu.memory_space<semaphore_mem>>
    %dma_start3A_707 = arith.constant 1 : i32
    %dma_start3A_708 = arith.constant 3088 : i32
    %dma_start3A_709 = arith.constant 0 : i32
    %dma_start3A_710 = tpu.memref_slice %arg3[%dma_start3A_707, %dma_start3A_708, %dma_start3A_709] : memref<4x8208x1024xf32, #tpu.memory_space<any>> -> memref<1x1024x1024xf32, #tpu.memory_space<any>>
    %dma_start3A_711 = arith.constant 2 : i32
    %dma_start3A_712 = arith.constant 0 : i32
    %dma_start3A_713 = arith.constant 0 : i32
    %dma_start3A_714 = tpu.memref_slice %arg4[%dma_start3A_711, %dma_start3A_712, %dma_start3A_713] : memref<6x1024x1024xf32, #tpu.memory_space<vmem>> -> memref<1x1024x1024xf32, #tpu.memory_space<vmem>>
    tpu.enqueue_dma source(%dma_start3A_714 : memref<1x1024x1024xf32, #tpu.memory_space<vmem>>) target(%dma_start3A_710 : memref<1x1024x1024xf32, #tpu.memory_space<any>>) target_semaphore(%dma_start3A_706 : memref<!tpu.dma_semaphore, #tpu.memory_space<semaphore_mem>>)
    %dma_wait3A_715 = arith.constant 1 : i32
    %dma_wait3A_716 = tpu.memref_slice %arg6[%dma_wait3A_715] : memref<6x!tpu.dma_semaphore, #tpu.memory_space<semaphore_mem>> -> memref<1x!tpu.dma_semaphore, #tpu.memory_space<semaphore_mem>>
    %dma_wait3A_717 = tpu.memref_squeeze %dma_wait3A_716 : memref<1x!tpu.dma_semaphore, #tpu.memory_space<semaphore_mem>> -> memref<!tpu.dma_semaphore, #tpu.memory_space<semaphore_mem>>
    %dma_wait3A_718 = arith.constant 1 : i32
    %dma_wait3A_719 = arith.constant 2064 : i32
    %dma_wait3A_720 = arith.constant 0 : i32
    %dma_wait3A_721 = tpu.memref_slice %arg3[%dma_wait3A_718, %dma_wait3A_719, %dma_wait3A_720] : memref<4x8208x1024xf32, #tpu.memory_space<any>> -> memref<1x1024x1024xf32, #tpu.memory_space<any>>
    %dma_wait3A_722 = arith.constant 1 : i32
    %dma_wait3A_723 = arith.constant 0 : i32
    %dma_wait3A_724 = arith.constant 0 : i32
    %dma_wait3A_725 = tpu.memref_slice %arg4[%dma_wait3A_722, %dma_wait3A_723, %dma_wait3A_724] : memref<6x1024x1024xf32, #tpu.memory_space<vmem>> -> memref<1x1024x1024xf32, #tpu.memory_space<vmem>>
    tpu.wait_dma2 semaphore(%dma_wait3A_717 : memref<!tpu.dma_semaphore, #tpu.memory_space<semaphore_mem>>) src(%dma_wait3A_725 : memref<1x1024x1024xf32, #tpu.memory_space<vmem>>) dst(%dma_wait3A_721 : memref<1x1024x1024xf32, #tpu.memory_space<any>>)
    %dma_start3A_726 = arith.constant 1 : i32
    %dma_start3A_727 = tpu.memref_slice %arg5[%dma_start3A_726] : memref<6x!tpu.dma_semaphore, #tpu.memory_space<semaphore_mem>> -> memref<1x!tpu.dma_semaphore, #tpu.memory_space<semaphore_mem>>
    %dma_start3A_728 = tpu.memref_squeeze %dma_start3A_727 : memref<1x!tpu.dma_semaphore, #tpu.memory_space<semaphore_mem>> -> memref<!tpu.dma_semaphore, #tpu.memory_space<semaphore_mem>>
    %dma_start3A_729 = arith.constant 1 : i32
    %dma_start3A_730 = arith.constant 0 : i32
    %dma_start3A_731 = arith.constant 0 : i32
    %dma_start3A_732 = tpu.memref_slice %arg4[%dma_start3A_729, %dma_start3A_730, %dma_start3A_731] : memref<6x1024x1024xf32, #tpu.memory_space<vmem>> -> memref<1x1024x1024xf32, #tpu.memory_space<vmem>>
    %dma_start3A_733 = arith.constant 2 : i32
    %dma_start3A_734 = arith.constant 0 : i32
    %dma_start3A_735 = arith.constant 0 : i32
    %dma_start3A_736 = tpu.memref_slice %arg2[%dma_start3A_733, %dma_start3A_734, %dma_start3A_735] : memref<4x8192x1024xf32, #tpu.memory_space<any>> -> memref<1x1024x1024xf32, #tpu.memory_space<any>>
    tpu.enqueue_dma source(%dma_start3A_736 : memref<1x1024x1024xf32, #tpu.memory_space<any>>) target(%dma_start3A_732 : memref<1x1024x1024xf32, #tpu.memory_space<vmem>>) target_semaphore(%dma_start3A_728 : memref<!tpu.dma_semaphore, #tpu.memory_space<semaphore_mem>>)
    %dma_wait3A_737 = arith.constant 3 : i32
    %dma_wait3A_738 = tpu.memref_slice %arg5[%dma_wait3A_737] : memref<6x!tpu.dma_semaphore, #tpu.memory_space<semaphore_mem>> -> memref<1x!tpu.dma_semaphore, #tpu.memory_space<semaphore_mem>>
    %dma_wait3A_739 = tpu.memref_squeeze %dma_wait3A_738 : memref<1x!tpu.dma_semaphore, #tpu.memory_space<semaphore_mem>> -> memref<!tpu.dma_semaphore, #tpu.memory_space<semaphore_mem>>
    %dma_wait3A_740 = arith.constant 3 : i32
    %dma_wait3A_741 = arith.constant 0 : i32
    %dma_wait3A_742 = arith.constant 0 : i32
    %dma_wait3A_743 = tpu.memref_slice %arg4[%dma_wait3A_740, %dma_wait3A_741, %dma_wait3A_742] : memref<6x1024x1024xf32, #tpu.memory_space<vmem>> -> memref<1x1024x1024xf32, #tpu.memory_space<vmem>>
    %dma_wait3A_744 = arith.constant 1 : i32
    %dma_wait3A_745 = arith.constant 4096 : i32
    %dma_wait3A_746 = arith.constant 0 : i32
    %dma_wait3A_747 = tpu.memref_slice %arg2[%dma_wait3A_744, %dma_wait3A_745, %dma_wait3A_746] : memref<4x8192x1024xf32, #tpu.memory_space<any>> -> memref<1x1024x1024xf32, #tpu.memory_space<any>>
    tpu.wait_dma2 semaphore(%dma_wait3A_739 : memref<!tpu.dma_semaphore, #tpu.memory_space<semaphore_mem>>) src(%dma_wait3A_747 : memref<1x1024x1024xf32, #tpu.memory_space<any>>) dst(%dma_wait3A_743 : memref<1x1024x1024xf32, #tpu.memory_space<vmem>>)
    %dma_start3A_748 = arith.constant 3 : i32
    %dma_start3A_749 = tpu.memref_slice %arg6[%dma_start3A_748] : memref<6x!tpu.dma_semaphore, #tpu.memory_space<semaphore_mem>> -> memref<1x!tpu.dma_semaphore, #tpu.memory_space<semaphore_mem>>
    %dma_start3A_750 = tpu.memref_squeeze %dma_start3A_749 : memref<1x!tpu.dma_semaphore, #tpu.memory_space<semaphore_mem>> -> memref<!tpu.dma_semaphore, #tpu.memory_space<semaphore_mem>>
    %dma_start3A_751 = arith.constant 1 : i32
    %dma_start3A_752 = arith.constant 4112 : i32
    %dma_start3A_753 = arith.constant 0 : i32
    %dma_start3A_754 = tpu.memref_slice %arg3[%dma_start3A_751, %dma_start3A_752, %dma_start3A_753] : memref<4x8208x1024xf32, #tpu.memory_space<any>> -> memref<1x1024x1024xf32, #tpu.memory_space<any>>
    %dma_start3A_755 = arith.constant 3 : i32
    %dma_start3A_756 = arith.constant 0 : i32
    %dma_start3A_757 = arith.constant 0 : i32
    %dma_start3A_758 = tpu.memref_slice %arg4[%dma_start3A_755, %dma_start3A_756, %dma_start3A_757] : memref<6x1024x1024xf32, #tpu.memory_space<vmem>> -> memref<1x1024x1024xf32, #tpu.memory_space<vmem>>
    tpu.enqueue_dma source(%dma_start3A_758 : memref<1x1024x1024xf32, #tpu.memory_space<vmem>>) target(%dma_start3A_754 : memref<1x1024x1024xf32, #tpu.memory_space<any>>) target_semaphore(%dma_start3A_750 : memref<!tpu.dma_semaphore, #tpu.memory_space<semaphore_mem>>)
    %dma_wait3A_759 = arith.constant 2 : i32
    %dma_wait3A_760 = tpu.memref_slice %arg6[%dma_wait3A_759] : memref<6x!tpu.dma_semaphore, #tpu.memory_space<semaphore_mem>> -> memref<1x!tpu.dma_semaphore, #tpu.memory_space<semaphore_mem>>
    %dma_wait3A_761 = tpu.memref_squeeze %dma_wait3A_760 : memref<1x!tpu.dma_semaphore, #tpu.memory_space<semaphore_mem>> -> memref<!tpu.dma_semaphore, #tpu.memory_space<semaphore_mem>>
    %dma_wait3A_762 = arith.constant 1 : i32
    %dma_wait3A_763 = arith.constant 3088 : i32
    %dma_wait3A_764 = arith.constant 0 : i32
    %dma_wait3A_765 = tpu.memref_slice %arg3[%dma_wait3A_762, %dma_wait3A_763, %dma_wait3A_764] : memref<4x8208x1024xf32, #tpu.memory_space<any>> -> memref<1x1024x1024xf32, #tpu.memory_space<any>>
    %dma_wait3A_766 = arith.constant 2 : i32
    %dma_wait3A_767 = arith.constant 0 : i32
    %dma_wait3A_768 = arith.constant 0 : i32
    %dma_wait3A_769 = tpu.memref_slice %arg4[%dma_wait3A_766, %dma_wait3A_767, %dma_wait3A_768] : memref<6x1024x1024xf32, #tpu.memory_space<vmem>> -> memref<1x1024x1024xf32, #tpu.memory_space<vmem>>
    tpu.wait_dma2 semaphore(%dma_wait3A_761 : memref<!tpu.dma_semaphore, #tpu.memory_space<semaphore_mem>>) src(%dma_wait3A_769 : memref<1x1024x1024xf32, #tpu.memory_space<vmem>>) dst(%dma_wait3A_765 : memref<1x1024x1024xf32, #tpu.memory_space<any>>)
    %dma_start3A_770 = arith.constant 2 : i32
    %dma_start3A_771 = tpu.memref_slice %arg5[%dma_start3A_770] : memref<6x!tpu.dma_semaphore, #tpu.memory_space<semaphore_mem>> -> memref<1x!tpu.dma_semaphore, #tpu.memory_space<semaphore_mem>>
    %dma_start3A_772 = tpu.memref_squeeze %dma_start3A_771 : memref<1x!tpu.dma_semaphore, #tpu.memory_space<semaphore_mem>> -> memref<!tpu.dma_semaphore, #tpu.memory_space<semaphore_mem>>
    %dma_start3A_773 = arith.constant 2 : i32
    %dma_start3A_774 = arith.constant 0 : i32
    %dma_start3A_775 = arith.constant 0 : i32
    %dma_start3A_776 = tpu.memref_slice %arg4[%dma_start3A_773, %dma_start3A_774, %dma_start3A_775] : memref<6x1024x1024xf32, #tpu.memory_space<vmem>> -> memref<1x1024x1024xf32, #tpu.memory_space<vmem>>
    %dma_start3A_777 = arith.constant 2 : i32
    %dma_start3A_778 = arith.constant 1024 : i32
    %dma_start3A_779 = arith.constant 0 : i32
    %dma_start3A_780 = tpu.memref_slice %arg2[%dma_start3A_777, %dma_start3A_778, %dma_start3A_779] : memref<4x8192x1024xf32, #tpu.memory_space<any>> -> memref<1x1024x1024xf32, #tpu.memory_space<any>>
    tpu.enqueue_dma source(%dma_start3A_780 : memref<1x1024x1024xf32, #tpu.memory_space<any>>) target(%dma_start3A_776 : memref<1x1024x1024xf32, #tpu.memory_space<vmem>>) target_semaphore(%dma_start3A_772 : memref<!tpu.dma_semaphore, #tpu.memory_space<semaphore_mem>>)
    %dma_wait3A_781 = arith.constant 4 : i32
    %dma_wait3A_782 = tpu.memref_slice %arg5[%dma_wait3A_781] : memref<6x!tpu.dma_semaphore, #tpu.memory_space<semaphore_mem>> -> memref<1x!tpu.dma_semaphore, #tpu.memory_space<semaphore_mem>>
    %dma_wait3A_783 = tpu.memref_squeeze %dma_wait3A_782 : memref<1x!tpu.dma_semaphore, #tpu.memory_space<semaphore_mem>> -> memref<!tpu.dma_semaphore, #tpu.memory_space<semaphore_mem>>
    %dma_wait3A_784 = arith.constant 4 : i32
    %dma_wait3A_785 = arith.constant 0 : i32
    %dma_wait3A_786 = arith.constant 0 : i32
    %dma_wait3A_787 = tpu.memref_slice %arg4[%dma_wait3A_784, %dma_wait3A_785, %dma_wait3A_786] : memref<6x1024x1024xf32, #tpu.memory_space<vmem>> -> memref<1x1024x1024xf32, #tpu.memory_space<vmem>>
    %dma_wait3A_788 = arith.constant 1 : i32
    %dma_wait3A_789 = arith.constant 5120 : i32
    %dma_wait3A_790 = arith.constant 0 : i32
    %dma_wait3A_791 = tpu.memref_slice %arg2[%dma_wait3A_788, %dma_wait3A_789, %dma_wait3A_790] : memref<4x8192x1024xf32, #tpu.memory_space<any>> -> memref<1x1024x1024xf32, #tpu.memory_space<any>>
    tpu.wait_dma2 semaphore(%dma_wait3A_783 : memref<!tpu.dma_semaphore, #tpu.memory_space<semaphore_mem>>) src(%dma_wait3A_791 : memref<1x1024x1024xf32, #tpu.memory_space<any>>) dst(%dma_wait3A_787 : memref<1x1024x1024xf32, #tpu.memory_space<vmem>>)
    %dma_start3A_792 = arith.constant 4 : i32
    %dma_start3A_793 = tpu.memref_slice %arg6[%dma_start3A_792] : memref<6x!tpu.dma_semaphore, #tpu.memory_space<semaphore_mem>> -> memref<1x!tpu.dma_semaphore, #tpu.memory_space<semaphore_mem>>
    %dma_start3A_794 = tpu.memref_squeeze %dma_start3A_793 : memref<1x!tpu.dma_semaphore, #tpu.memory_space<semaphore_mem>> -> memref<!tpu.dma_semaphore, #tpu.memory_space<semaphore_mem>>
    %dma_start3A_795 = arith.constant 1 : i32
    %dma_start3A_796 = arith.constant 5136 : i32
    %dma_start3A_797 = arith.constant 0 : i32
    %dma_start3A_798 = tpu.memref_slice %arg3[%dma_start3A_795, %dma_start3A_796, %dma_start3A_797] : memref<4x8208x1024xf32, #tpu.memory_space<any>> -> memref<1x1024x1024xf32, #tpu.memory_space<any>>
    %dma_start3A_799 = arith.constant 4 : i32
    %dma_start3A_800 = arith.constant 0 : i32
    %dma_start3A_801 = arith.constant 0 : i32
    %dma_start3A_802 = tpu.memref_slice %arg4[%dma_start3A_799, %dma_start3A_800, %dma_start3A_801] : memref<6x1024x1024xf32, #tpu.memory_space<vmem>> -> memref<1x1024x1024xf32, #tpu.memory_space<vmem>>
    tpu.enqueue_dma source(%dma_start3A_802 : memref<1x1024x1024xf32, #tpu.memory_space<vmem>>) target(%dma_start3A_798 : memref<1x1024x1024xf32, #tpu.memory_space<any>>) target_semaphore(%dma_start3A_794 : memref<!tpu.dma_semaphore, #tpu.memory_space<semaphore_mem>>)
    %dma_wait3A_803 = arith.constant 3 : i32
    %dma_wait3A_804 = tpu.memref_slice %arg6[%dma_wait3A_803] : memref<6x!tpu.dma_semaphore, #tpu.memory_space<semaphore_mem>> -> memref<1x!tpu.dma_semaphore, #tpu.memory_space<semaphore_mem>>
    %dma_wait3A_805 = tpu.memref_squeeze %dma_wait3A_804 : memref<1x!tpu.dma_semaphore, #tpu.memory_space<semaphore_mem>> -> memref<!tpu.dma_semaphore, #tpu.memory_space<semaphore_mem>>
    %dma_wait3A_806 = arith.constant 1 : i32
    %dma_wait3A_807 = arith.constant 4112 : i32
    %dma_wait3A_808 = arith.constant 0 : i32
    %dma_wait3A_809 = tpu.memref_slice %arg3[%dma_wait3A_806, %dma_wait3A_807, %dma_wait3A_808] : memref<4x8208x1024xf32, #tpu.memory_space<any>> -> memref<1x1024x1024xf32, #tpu.memory_space<any>>
    %dma_wait3A_810 = arith.constant 3 : i32
    %dma_wait3A_811 = arith.constant 0 : i32
    %dma_wait3A_812 = arith.constant 0 : i32
    %dma_wait3A_813 = tpu.memref_slice %arg4[%dma_wait3A_810, %dma_wait3A_811, %dma_wait3A_812] : memref<6x1024x1024xf32, #tpu.memory_space<vmem>> -> memref<1x1024x1024xf32, #tpu.memory_space<vmem>>
    tpu.wait_dma2 semaphore(%dma_wait3A_805 : memref<!tpu.dma_semaphore, #tpu.memory_space<semaphore_mem>>) src(%dma_wait3A_813 : memref<1x1024x1024xf32, #tpu.memory_space<vmem>>) dst(%dma_wait3A_809 : memref<1x1024x1024xf32, #tpu.memory_space<any>>)
    %dma_start3A_814 = arith.constant 3 : i32
    %dma_start3A_815 = tpu.memref_slice %arg5[%dma_start3A_814] : memref<6x!tpu.dma_semaphore, #tpu.memory_space<semaphore_mem>> -> memref<1x!tpu.dma_semaphore, #tpu.memory_space<semaphore_mem>>
    %dma_start3A_816 = tpu.memref_squeeze %dma_start3A_815 : memref<1x!tpu.dma_semaphore, #tpu.memory_space<semaphore_mem>> -> memref<!tpu.dma_semaphore, #tpu.memory_space<semaphore_mem>>
    %dma_start3A_817 = arith.constant 3 : i32
    %dma_start3A_818 = arith.constant 0 : i32
    %dma_start3A_819 = arith.constant 0 : i32
    %dma_start3A_820 = tpu.memref_slice %arg4[%dma_start3A_817, %dma_start3A_818, %dma_start3A_819] : memref<6x1024x1024xf32, #tpu.memory_space<vmem>> -> memref<1x1024x1024xf32, #tpu.memory_space<vmem>>
    %dma_start3A_821 = arith.constant 2 : i32
    %dma_start3A_822 = arith.constant 2048 : i32
    %dma_start3A_823 = arith.constant 0 : i32
    %dma_start3A_824 = tpu.memref_slice %arg2[%dma_start3A_821, %dma_start3A_822, %dma_start3A_823] : memref<4x8192x1024xf32, #tpu.memory_space<any>> -> memref<1x1024x1024xf32, #tpu.memory_space<any>>
    tpu.enqueue_dma source(%dma_start3A_824 : memref<1x1024x1024xf32, #tpu.memory_space<any>>) target(%dma_start3A_820 : memref<1x1024x1024xf32, #tpu.memory_space<vmem>>) target_semaphore(%dma_start3A_816 : memref<!tpu.dma_semaphore, #tpu.memory_space<semaphore_mem>>)
    %dma_wait3A_825 = arith.constant 5 : i32
    %dma_wait3A_826 = tpu.memref_slice %arg5[%dma_wait3A_825] : memref<6x!tpu.dma_semaphore, #tpu.memory_space<semaphore_mem>> -> memref<1x!tpu.dma_semaphore, #tpu.memory_space<semaphore_mem>>
    %dma_wait3A_827 = tpu.memref_squeeze %dma_wait3A_826 : memref<1x!tpu.dma_semaphore, #tpu.memory_space<semaphore_mem>> -> memref<!tpu.dma_semaphore, #tpu.memory_space<semaphore_mem>>
    %dma_wait3A_828 = arith.constant 5 : i32
    %dma_wait3A_829 = arith.constant 0 : i32
    %dma_wait3A_830 = arith.constant 0 : i32
    %dma_wait3A_831 = tpu.memref_slice %arg4[%dma_wait3A_828, %dma_wait3A_829, %dma_wait3A_830] : memref<6x1024x1024xf32, #tpu.memory_space<vmem>> -> memref<1x1024x1024xf32, #tpu.memory_space<vmem>>
    %dma_wait3A_832 = arith.constant 1 : i32
    %dma_wait3A_833 = arith.constant 6144 : i32
    %dma_wait3A_834 = arith.constant 0 : i32
    %dma_wait3A_835 = tpu.memref_slice %arg2[%dma_wait3A_832, %dma_wait3A_833, %dma_wait3A_834] : memref<4x8192x1024xf32, #tpu.memory_space<any>> -> memref<1x1024x1024xf32, #tpu.memory_space<any>>
    tpu.wait_dma2 semaphore(%dma_wait3A_827 : memref<!tpu.dma_semaphore, #tpu.memory_space<semaphore_mem>>) src(%dma_wait3A_835 : memref<1x1024x1024xf32, #tpu.memory_space<any>>) dst(%dma_wait3A_831 : memref<1x1024x1024xf32, #tpu.memory_space<vmem>>)
    %dma_start3A_836 = arith.constant 5 : i32
    %dma_start3A_837 = tpu.memref_slice %arg6[%dma_start3A_836] : memref<6x!tpu.dma_semaphore, #tpu.memory_space<semaphore_mem>> -> memref<1x!tpu.dma_semaphore, #tpu.memory_space<semaphore_mem>>
    %dma_start3A_838 = tpu.memref_squeeze %dma_start3A_837 : memref<1x!tpu.dma_semaphore, #tpu.memory_space<semaphore_mem>> -> memref<!tpu.dma_semaphore, #tpu.memory_space<semaphore_mem>>
    %dma_start3A_839 = arith.constant 1 : i32
    %dma_start3A_840 = arith.constant 6160 : i32
    %dma_start3A_841 = arith.constant 0 : i32
    %dma_start3A_842 = tpu.memref_slice %arg3[%dma_start3A_839, %dma_start3A_840, %dma_start3A_841] : memref<4x8208x1024xf32, #tpu.memory_space<any>> -> memref<1x1024x1024xf32, #tpu.memory_space<any>>
    %dma_start3A_843 = arith.constant 5 : i32
    %dma_start3A_844 = arith.constant 0 : i32
    %dma_start3A_845 = arith.constant 0 : i32
    %dma_start3A_846 = tpu.memref_slice %arg4[%dma_start3A_843, %dma_start3A_844, %dma_start3A_845] : memref<6x1024x1024xf32, #tpu.memory_space<vmem>> -> memref<1x1024x1024xf32, #tpu.memory_space<vmem>>
    tpu.enqueue_dma source(%dma_start3A_846 : memref<1x1024x1024xf32, #tpu.memory_space<vmem>>) target(%dma_start3A_842 : memref<1x1024x1024xf32, #tpu.memory_space<any>>) target_semaphore(%dma_start3A_838 : memref<!tpu.dma_semaphore, #tpu.memory_space<semaphore_mem>>)
    %dma_wait3A_847 = arith.constant 4 : i32
    %dma_wait3A_848 = tpu.memref_slice %arg6[%dma_wait3A_847] : memref<6x!tpu.dma_semaphore, #tpu.memory_space<semaphore_mem>> -> memref<1x!tpu.dma_semaphore, #tpu.memory_space<semaphore_mem>>
    %dma_wait3A_849 = tpu.memref_squeeze %dma_wait3A_848 : memref<1x!tpu.dma_semaphore, #tpu.memory_space<semaphore_mem>> -> memref<!tpu.dma_semaphore, #tpu.memory_space<semaphore_mem>>
    %dma_wait3A_850 = arith.constant 1 : i32
    %dma_wait3A_851 = arith.constant 5136 : i32
    %dma_wait3A_852 = arith.constant 0 : i32
    %dma_wait3A_853 = tpu.memref_slice %arg3[%dma_wait3A_850, %dma_wait3A_851, %dma_wait3A_852] : memref<4x8208x1024xf32, #tpu.memory_space<any>> -> memref<1x1024x1024xf32, #tpu.memory_space<any>>
    %dma_wait3A_854 = arith.constant 4 : i32
    %dma_wait3A_855 = arith.constant 0 : i32
    %dma_wait3A_856 = arith.constant 0 : i32
    %dma_wait3A_857 = tpu.memref_slice %arg4[%dma_wait3A_854, %dma_wait3A_855, %dma_wait3A_856] : memref<6x1024x1024xf32, #tpu.memory_space<vmem>> -> memref<1x1024x1024xf32, #tpu.memory_space<vmem>>
    tpu.wait_dma2 semaphore(%dma_wait3A_849 : memref<!tpu.dma_semaphore, #tpu.memory_space<semaphore_mem>>) src(%dma_wait3A_857 : memref<1x1024x1024xf32, #tpu.memory_space<vmem>>) dst(%dma_wait3A_853 : memref<1x1024x1024xf32, #tpu.memory_space<any>>)
    %dma_start3A_858 = arith.constant 4 : i32
    %dma_start3A_859 = tpu.memref_slice %arg5[%dma_start3A_858] : memref<6x!tpu.dma_semaphore, #tpu.memory_space<semaphore_mem>> -> memref<1x!tpu.dma_semaphore, #tpu.memory_space<semaphore_mem>>
    %dma_start3A_860 = tpu.memref_squeeze %dma_start3A_859 : memref<1x!tpu.dma_semaphore, #tpu.memory_space<semaphore_mem>> -> memref<!tpu.dma_semaphore, #tpu.memory_space<semaphore_mem>>
    %dma_start3A_861 = arith.constant 4 : i32
    %dma_start3A_862 = arith.constant 0 : i32
    %dma_start3A_863 = arith.constant 0 : i32
    %dma_start3A_864 = tpu.memref_slice %arg4[%dma_start3A_861, %dma_start3A_862, %dma_start3A_863] : memref<6x1024x1024xf32, #tpu.memory_space<vmem>> -> memref<1x1024x1024xf32, #tpu.memory_space<vmem>>
    %dma_start3A_865 = arith.constant 2 : i32
    %dma_start3A_866 = arith.constant 3072 : i32
    %dma_start3A_867 = arith.constant 0 : i32
    %dma_start3A_868 = tpu.memref_slice %arg2[%dma_start3A_865, %dma_start3A_866, %dma_start3A_867] : memref<4x8192x1024xf32, #tpu.memory_space<any>> -> memref<1x1024x1024xf32, #tpu.memory_space<any>>
    tpu.enqueue_dma source(%dma_start3A_868 : memref<1x1024x1024xf32, #tpu.memory_space<any>>) target(%dma_start3A_864 : memref<1x1024x1024xf32, #tpu.memory_space<vmem>>) target_semaphore(%dma_start3A_860 : memref<!tpu.dma_semaphore, #tpu.memory_space<semaphore_mem>>)
    %dma_wait3A_869 = arith.constant 0 : i32
    %dma_wait3A_870 = tpu.memref_slice %arg5[%dma_wait3A_869] : memref<6x!tpu.dma_semaphore, #tpu.memory_space<semaphore_mem>> -> memref<1x!tpu.dma_semaphore, #tpu.memory_space<semaphore_mem>>
    %dma_wait3A_871 = tpu.memref_squeeze %dma_wait3A_870 : memref<1x!tpu.dma_semaphore, #tpu.memory_space<semaphore_mem>> -> memref<!tpu.dma_semaphore, #tpu.memory_space<semaphore_mem>>
    %dma_wait3A_872 = arith.constant 0 : i32
    %dma_wait3A_873 = arith.constant 0 : i32
    %dma_wait3A_874 = arith.constant 0 : i32
    %dma_wait3A_875 = tpu.memref_slice %arg4[%dma_wait3A_872, %dma_wait3A_873, %dma_wait3A_874] : memref<6x1024x1024xf32, #tpu.memory_space<vmem>> -> memref<1x1024x1024xf32, #tpu.memory_space<vmem>>
    %dma_wait3A_876 = arith.constant 1 : i32
    %dma_wait3A_877 = arith.constant 7168 : i32
    %dma_wait3A_878 = arith.constant 0 : i32
    %dma_wait3A_879 = tpu.memref_slice %arg2[%dma_wait3A_876, %dma_wait3A_877, %dma_wait3A_878] : memref<4x8192x1024xf32, #tpu.memory_space<any>> -> memref<1x1024x1024xf32, #tpu.memory_space<any>>
    tpu.wait_dma2 semaphore(%dma_wait3A_871 : memref<!tpu.dma_semaphore, #tpu.memory_space<semaphore_mem>>) src(%dma_wait3A_879 : memref<1x1024x1024xf32, #tpu.memory_space<any>>) dst(%dma_wait3A_875 : memref<1x1024x1024xf32, #tpu.memory_space<vmem>>)
    %dma_start3A_880 = arith.constant 0 : i32
    %dma_start3A_881 = tpu.memref_slice %arg6[%dma_start3A_880] : memref<6x!tpu.dma_semaphore, #tpu.memory_space<semaphore_mem>> -> memref<1x!tpu.dma_semaphore, #tpu.memory_space<semaphore_mem>>
    %dma_start3A_882 = tpu.memref_squeeze %dma_start3A_881 : memref<1x!tpu.dma_semaphore, #tpu.memory_space<semaphore_mem>> -> memref<!tpu.dma_semaphore, #tpu.memory_space<semaphore_mem>>
    %dma_start3A_883 = arith.constant 1 : i32
    %dma_start3A_884 = arith.constant 7184 : i32
    %dma_start3A_885 = arith.constant 0 : i32
    %dma_start3A_886 = tpu.memref_slice %arg3[%dma_start3A_883, %dma_start3A_884, %dma_start3A_885] : memref<4x8208x1024xf32, #tpu.memory_space<any>> -> memref<1x1024x1024xf32, #tpu.memory_space<any>>
    %dma_start3A_887 = arith.constant 0 : i32
    %dma_start3A_888 = arith.constant 0 : i32
    %dma_start3A_889 = arith.constant 0 : i32
    %dma_start3A_890 = tpu.memref_slice %arg4[%dma_start3A_887, %dma_start3A_888, %dma_start3A_889] : memref<6x1024x1024xf32, #tpu.memory_space<vmem>> -> memref<1x1024x1024xf32, #tpu.memory_space<vmem>>
    tpu.enqueue_dma source(%dma_start3A_890 : memref<1x1024x1024xf32, #tpu.memory_space<vmem>>) target(%dma_start3A_886 : memref<1x1024x1024xf32, #tpu.memory_space<any>>) target_semaphore(%dma_start3A_882 : memref<!tpu.dma_semaphore, #tpu.memory_space<semaphore_mem>>)
    %dma_wait3A_891 = arith.constant 5 : i32
    %dma_wait3A_892 = tpu.memref_slice %arg6[%dma_wait3A_891] : memref<6x!tpu.dma_semaphore, #tpu.memory_space<semaphore_mem>> -> memref<1x!tpu.dma_semaphore, #tpu.memory_space<semaphore_mem>>
    %dma_wait3A_893 = tpu.memref_squeeze %dma_wait3A_892 : memref<1x!tpu.dma_semaphore, #tpu.memory_space<semaphore_mem>> -> memref<!tpu.dma_semaphore, #tpu.memory_space<semaphore_mem>>
    %dma_wait3A_894 = arith.constant 1 : i32
    %dma_wait3A_895 = arith.constant 6160 : i32
    %dma_wait3A_896 = arith.constant 0 : i32
    %dma_wait3A_897 = tpu.memref_slice %arg3[%dma_wait3A_894, %dma_wait3A_895, %dma_wait3A_896] : memref<4x8208x1024xf32, #tpu.memory_space<any>> -> memref<1x1024x1024xf32, #tpu.memory_space<any>>
    %dma_wait3A_898 = arith.constant 5 : i32
    %dma_wait3A_899 = arith.constant 0 : i32
    %dma_wait3A_900 = arith.constant 0 : i32
    %dma_wait3A_901 = tpu.memref_slice %arg4[%dma_wait3A_898, %dma_wait3A_899, %dma_wait3A_900] : memref<6x1024x1024xf32, #tpu.memory_space<vmem>> -> memref<1x1024x1024xf32, #tpu.memory_space<vmem>>
    tpu.wait_dma2 semaphore(%dma_wait3A_893 : memref<!tpu.dma_semaphore, #tpu.memory_space<semaphore_mem>>) src(%dma_wait3A_901 : memref<1x1024x1024xf32, #tpu.memory_space<vmem>>) dst(%dma_wait3A_897 : memref<1x1024x1024xf32, #tpu.memory_space<any>>)
    %dma_start3A_902 = arith.constant 5 : i32
    %dma_start3A_903 = tpu.memref_slice %arg5[%dma_start3A_902] : memref<6x!tpu.dma_semaphore, #tpu.memory_space<semaphore_mem>> -> memref<1x!tpu.dma_semaphore, #tpu.memory_space<semaphore_mem>>
    %dma_start3A_904 = tpu.memref_squeeze %dma_start3A_903 : memref<1x!tpu.dma_semaphore, #tpu.memory_space<semaphore_mem>> -> memref<!tpu.dma_semaphore, #tpu.memory_space<semaphore_mem>>
    %dma_start3A_905 = arith.constant 5 : i32
    %dma_start3A_906 = arith.constant 0 : i32
    %dma_start3A_907 = arith.constant 0 : i32
    %dma_start3A_908 = tpu.memref_slice %arg4[%dma_start3A_905, %dma_start3A_906, %dma_start3A_907] : memref<6x1024x1024xf32, #tpu.memory_space<vmem>> -> memref<1x1024x1024xf32, #tpu.memory_space<vmem>>
    %dma_start3A_909 = arith.constant 2 : i32
    %dma_start3A_910 = arith.constant 4096 : i32
    %dma_start3A_911 = arith.constant 0 : i32
    %dma_start3A_912 = tpu.memref_slice %arg2[%dma_start3A_909, %dma_start3A_910, %dma_start3A_911] : memref<4x8192x1024xf32, #tpu.memory_space<any>> -> memref<1x1024x1024xf32, #tpu.memory_space<any>>
    tpu.enqueue_dma source(%dma_start3A_912 : memref<1x1024x1024xf32, #tpu.memory_space<any>>) target(%dma_start3A_908 : memref<1x1024x1024xf32, #tpu.memory_space<vmem>>) target_semaphore(%dma_start3A_904 : memref<!tpu.dma_semaphore, #tpu.memory_space<semaphore_mem>>)
    %dma_wait3A_913 = arith.constant 1 : i32
    %dma_wait3A_914 = tpu.memref_slice %arg5[%dma_wait3A_913] : memref<6x!tpu.dma_semaphore, #tpu.memory_space<semaphore_mem>> -> memref<1x!tpu.dma_semaphore, #tpu.memory_space<semaphore_mem>>
    %dma_wait3A_915 = tpu.memref_squeeze %dma_wait3A_914 : memref<1x!tpu.dma_semaphore, #tpu.memory_space<semaphore_mem>> -> memref<!tpu.dma_semaphore, #tpu.memory_space<semaphore_mem>>
    %dma_wait3A_916 = arith.constant 1 : i32
    %dma_wait3A_917 = arith.constant 0 : i32
    %dma_wait3A_918 = arith.constant 0 : i32
    %dma_wait3A_919 = tpu.memref_slice %arg4[%dma_wait3A_916, %dma_wait3A_917, %dma_wait3A_918] : memref<6x1024x1024xf32, #tpu.memory_space<vmem>> -> memref<1x1024x1024xf32, #tpu.memory_space<vmem>>
    %dma_wait3A_920 = arith.constant 2 : i32
    %dma_wait3A_921 = arith.constant 0 : i32
    %dma_wait3A_922 = arith.constant 0 : i32
    %dma_wait3A_923 = tpu.memref_slice %arg2[%dma_wait3A_920, %dma_wait3A_921, %dma_wait3A_922] : memref<4x8192x1024xf32, #tpu.memory_space<any>> -> memref<1x1024x1024xf32, #tpu.memory_space<any>>
    tpu.wait_dma2 semaphore(%dma_wait3A_915 : memref<!tpu.dma_semaphore, #tpu.memory_space<semaphore_mem>>) src(%dma_wait3A_923 : memref<1x1024x1024xf32, #tpu.memory_space<any>>) dst(%dma_wait3A_919 : memref<1x1024x1024xf32, #tpu.memory_space<vmem>>)
    %dma_start3A_924 = arith.constant 1 : i32
    %dma_start3A_925 = tpu.memref_slice %arg6[%dma_start3A_924] : memref<6x!tpu.dma_semaphore, #tpu.memory_space<semaphore_mem>> -> memref<1x!tpu.dma_semaphore, #tpu.memory_space<semaphore_mem>>
    %dma_start3A_926 = tpu.memref_squeeze %dma_start3A_925 : memref<1x!tpu.dma_semaphore, #tpu.memory_space<semaphore_mem>> -> memref<!tpu.dma_semaphore, #tpu.memory_space<semaphore_mem>>
    %dma_start3A_927 = arith.constant 2 : i32
    %dma_start3A_928 = arith.constant 16 : i32
    %dma_start3A_929 = arith.constant 0 : i32
    %dma_start3A_930 = tpu.memref_slice %arg3[%dma_start3A_927, %dma_start3A_928, %dma_start3A_929] : memref<4x8208x1024xf32, #tpu.memory_space<any>> -> memref<1x1024x1024xf32, #tpu.memory_space<any>>
    %dma_start3A_931 = arith.constant 1 : i32
    %dma_start3A_932 = arith.constant 0 : i32
    %dma_start3A_933 = arith.constant 0 : i32
    %dma_start3A_934 = tpu.memref_slice %arg4[%dma_start3A_931, %dma_start3A_932, %dma_start3A_933] : memref<6x1024x1024xf32, #tpu.memory_space<vmem>> -> memref<1x1024x1024xf32, #tpu.memory_space<vmem>>
    tpu.enqueue_dma source(%dma_start3A_934 : memref<1x1024x1024xf32, #tpu.memory_space<vmem>>) target(%dma_start3A_930 : memref<1x1024x1024xf32, #tpu.memory_space<any>>) target_semaphore(%dma_start3A_926 : memref<!tpu.dma_semaphore, #tpu.memory_space<semaphore_mem>>)
    %dma_wait3A_935 = arith.constant 0 : i32
    %dma_wait3A_936 = tpu.memref_slice %arg6[%dma_wait3A_935] : memref<6x!tpu.dma_semaphore, #tpu.memory_space<semaphore_mem>> -> memref<1x!tpu.dma_semaphore, #tpu.memory_space<semaphore_mem>>
    %dma_wait3A_937 = tpu.memref_squeeze %dma_wait3A_936 : memref<1x!tpu.dma_semaphore, #tpu.memory_space<semaphore_mem>> -> memref<!tpu.dma_semaphore, #tpu.memory_space<semaphore_mem>>
    %dma_wait3A_938 = arith.constant 1 : i32
    %dma_wait3A_939 = arith.constant 7184 : i32
    %dma_wait3A_940 = arith.constant 0 : i32
    %dma_wait3A_941 = tpu.memref_slice %arg3[%dma_wait3A_938, %dma_wait3A_939, %dma_wait3A_940] : memref<4x8208x1024xf32, #tpu.memory_space<any>> -> memref<1x1024x1024xf32, #tpu.memory_space<any>>
    %dma_wait3A_942 = arith.constant 0 : i32
    %dma_wait3A_943 = arith.constant 0 : i32
    %dma_wait3A_944 = arith.constant 0 : i32
    %dma_wait3A_945 = tpu.memref_slice %arg4[%dma_wait3A_942, %dma_wait3A_943, %dma_wait3A_944] : memref<6x1024x1024xf32, #tpu.memory_space<vmem>> -> memref<1x1024x1024xf32, #tpu.memory_space<vmem>>
    tpu.wait_dma2 semaphore(%dma_wait3A_937 : memref<!tpu.dma_semaphore, #tpu.memory_space<semaphore_mem>>) src(%dma_wait3A_945 : memref<1x1024x1024xf32, #tpu.memory_space<vmem>>) dst(%dma_wait3A_941 : memref<1x1024x1024xf32, #tpu.memory_space<any>>)
    %dma_start3A_946 = arith.constant 0 : i32
    %dma_start3A_947 = tpu.memref_slice %arg5[%dma_start3A_946] : memref<6x!tpu.dma_semaphore, #tpu.memory_space<semaphore_mem>> -> memref<1x!tpu.dma_semaphore, #tpu.memory_space<semaphore_mem>>
    %dma_start3A_948 = tpu.memref_squeeze %dma_start3A_947 : memref<1x!tpu.dma_semaphore, #tpu.memory_space<semaphore_mem>> -> memref<!tpu.dma_semaphore, #tpu.memory_space<semaphore_mem>>
    %dma_start3A_949 = arith.constant 0 : i32
    %dma_start3A_950 = arith.constant 0 : i32
    %dma_start3A_951 = arith.constant 0 : i32
    %dma_start3A_952 = tpu.memref_slice %arg4[%dma_start3A_949, %dma_start3A_950, %dma_start3A_951] : memref<6x1024x1024xf32, #tpu.memory_space<vmem>> -> memref<1x1024x1024xf32, #tpu.memory_space<vmem>>
    %dma_start3A_953 = arith.constant 2 : i32
    %dma_start3A_954 = arith.constant 5120 : i32
    %dma_start3A_955 = arith.constant 0 : i32
    %dma_start3A_956 = tpu.memref_slice %arg2[%dma_start3A_953, %dma_start3A_954, %dma_start3A_955] : memref<4x8192x1024xf32, #tpu.memory_space<any>> -> memref<1x1024x1024xf32, #tpu.memory_space<any>>
    tpu.enqueue_dma source(%dma_start3A_956 : memref<1x1024x1024xf32, #tpu.memory_space<any>>) target(%dma_start3A_952 : memref<1x1024x1024xf32, #tpu.memory_space<vmem>>) target_semaphore(%dma_start3A_948 : memref<!tpu.dma_semaphore, #tpu.memory_space<semaphore_mem>>)
    %dma_wait3A_957 = arith.constant 2 : i32
    %dma_wait3A_958 = tpu.memref_slice %arg5[%dma_wait3A_957] : memref<6x!tpu.dma_semaphore, #tpu.memory_space<semaphore_mem>> -> memref<1x!tpu.dma_semaphore, #tpu.memory_space<semaphore_mem>>
    %dma_wait3A_959 = tpu.memref_squeeze %dma_wait3A_958 : memref<1x!tpu.dma_semaphore, #tpu.memory_space<semaphore_mem>> -> memref<!tpu.dma_semaphore, #tpu.memory_space<semaphore_mem>>
    %dma_wait3A_960 = arith.constant 2 : i32
    %dma_wait3A_961 = arith.constant 0 : i32
    %dma_wait3A_962 = arith.constant 0 : i32
    %dma_wait3A_963 = tpu.memref_slice %arg4[%dma_wait3A_960, %dma_wait3A_961, %dma_wait3A_962] : memref<6x1024x1024xf32, #tpu.memory_space<vmem>> -> memref<1x1024x1024xf32, #tpu.memory_space<vmem>>
    %dma_wait3A_964 = arith.constant 2 : i32
    %dma_wait3A_965 = arith.constant 1024 : i32
    %dma_wait3A_966 = arith.constant 0 : i32
    %dma_wait3A_967 = tpu.memref_slice %arg2[%dma_wait3A_964, %dma_wait3A_965, %dma_wait3A_966] : memref<4x8192x1024xf32, #tpu.memory_space<any>> -> memref<1x1024x1024xf32, #tpu.memory_space<any>>
    tpu.wait_dma2 semaphore(%dma_wait3A_959 : memref<!tpu.dma_semaphore, #tpu.memory_space<semaphore_mem>>) src(%dma_wait3A_967 : memref<1x1024x1024xf32, #tpu.memory_space<any>>) dst(%dma_wait3A_963 : memref<1x1024x1024xf32, #tpu.memory_space<vmem>>)
    %dma_start3A_968 = arith.constant 2 : i32
    %dma_start3A_969 = tpu.memref_slice %arg6[%dma_start3A_968] : memref<6x!tpu.dma_semaphore, #tpu.memory_space<semaphore_mem>> -> memref<1x!tpu.dma_semaphore, #tpu.memory_space<semaphore_mem>>
    %dma_start3A_970 = tpu.memref_squeeze %dma_start3A_969 : memref<1x!tpu.dma_semaphore, #tpu.memory_space<semaphore_mem>> -> memref<!tpu.dma_semaphore, #tpu.memory_space<semaphore_mem>>
    %dma_start3A_971 = arith.constant 2 : i32
    %dma_start3A_972 = arith.constant 1040 : i32
    %dma_start3A_973 = arith.constant 0 : i32
    %dma_start3A_974 = tpu.memref_slice %arg3[%dma_start3A_971, %dma_start3A_972, %dma_start3A_973] : memref<4x8208x1024xf32, #tpu.memory_space<any>> -> memref<1x1024x1024xf32, #tpu.memory_space<any>>
    %dma_start3A_975 = arith.constant 2 : i32
    %dma_start3A_976 = arith.constant 0 : i32
    %dma_start3A_977 = arith.constant 0 : i32
    %dma_start3A_978 = tpu.memref_slice %arg4[%dma_start3A_975, %dma_start3A_976, %dma_start3A_977] : memref<6x1024x1024xf32, #tpu.memory_space<vmem>> -> memref<1x1024x1024xf32, #tpu.memory_space<vmem>>
    tpu.enqueue_dma source(%dma_start3A_978 : memref<1x1024x1024xf32, #tpu.memory_space<vmem>>) target(%dma_start3A_974 : memref<1x1024x1024xf32, #tpu.memory_space<any>>) target_semaphore(%dma_start3A_970 : memref<!tpu.dma_semaphore, #tpu.memory_space<semaphore_mem>>)
    %dma_wait3A_979 = arith.constant 1 : i32
    %dma_wait3A_980 = tpu.memref_slice %arg6[%dma_wait3A_979] : memref<6x!tpu.dma_semaphore, #tpu.memory_space<semaphore_mem>> -> memref<1x!tpu.dma_semaphore, #tpu.memory_space<semaphore_mem>>
    %dma_wait3A_981 = tpu.memref_squeeze %dma_wait3A_980 : memref<1x!tpu.dma_semaphore, #tpu.memory_space<semaphore_mem>> -> memref<!tpu.dma_semaphore, #tpu.memory_space<semaphore_mem>>
    %dma_wait3A_982 = arith.constant 2 : i32
    %dma_wait3A_983 = arith.constant 16 : i32
    %dma_wait3A_984 = arith.constant 0 : i32
    %dma_wait3A_985 = tpu.memref_slice %arg3[%dma_wait3A_982, %dma_wait3A_983, %dma_wait3A_984] : memref<4x8208x1024xf32, #tpu.memory_space<any>> -> memref<1x1024x1024xf32, #tpu.memory_space<any>>
    %dma_wait3A_986 = arith.constant 1 : i32
    %dma_wait3A_987 = arith.constant 0 : i32
    %dma_wait3A_988 = arith.constant 0 : i32
    %dma_wait3A_989 = tpu.memref_slice %arg4[%dma_wait3A_986, %dma_wait3A_987, %dma_wait3A_988] : memref<6x1024x1024xf32, #tpu.memory_space<vmem>> -> memref<1x1024x1024xf32, #tpu.memory_space<vmem>>
    tpu.wait_dma2 semaphore(%dma_wait3A_981 : memref<!tpu.dma_semaphore, #tpu.memory_space<semaphore_mem>>) src(%dma_wait3A_989 : memref<1x1024x1024xf32, #tpu.memory_space<vmem>>) dst(%dma_wait3A_985 : memref<1x1024x1024xf32, #tpu.memory_space<any>>)
    %dma_start3A_990 = arith.constant 1 : i32
    %dma_start3A_991 = tpu.memref_slice %arg5[%dma_start3A_990] : memref<6x!tpu.dma_semaphore, #tpu.memory_space<semaphore_mem>> -> memref<1x!tpu.dma_semaphore, #tpu.memory_space<semaphore_mem>>
    %dma_start3A_992 = tpu.memref_squeeze %dma_start3A_991 : memref<1x!tpu.dma_semaphore, #tpu.memory_space<semaphore_mem>> -> memref<!tpu.dma_semaphore, #tpu.memory_space<semaphore_mem>>
    %dma_start3A_993 = arith.constant 1 : i32
    %dma_start3A_994 = arith.constant 0 : i32
    %dma_start3A_995 = arith.constant 0 : i32
    %dma_start3A_996 = tpu.memref_slice %arg4[%dma_start3A_993, %dma_start3A_994, %dma_start3A_995] : memref<6x1024x1024xf32, #tpu.memory_space<vmem>> -> memref<1x1024x1024xf32, #tpu.memory_space<vmem>>
    %dma_start3A_997 = arith.constant 2 : i32
    %dma_start3A_998 = arith.constant 6144 : i32
    %dma_start3A_999 = arith.constant 0 : i32
    %dma_start3A_1000 = tpu.memref_slice %arg2[%dma_start3A_997, %dma_start3A_998, %dma_start3A_999] : memref<4x8192x1024xf32, #tpu.memory_space<any>> -> memref<1x1024x1024xf32, #tpu.memory_space<any>>
    tpu.enqueue_dma source(%dma_start3A_1000 : memref<1x1024x1024xf32, #tpu.memory_space<any>>) target(%dma_start3A_996 : memref<1x1024x1024xf32, #tpu.memory_space<vmem>>) target_semaphore(%dma_start3A_992 : memref<!tpu.dma_semaphore, #tpu.memory_space<semaphore_mem>>)
    %dma_wait3A_1001 = arith.constant 3 : i32
    %dma_wait3A_1002 = tpu.memref_slice %arg5[%dma_wait3A_1001] : memref<6x!tpu.dma_semaphore, #tpu.memory_space<semaphore_mem>> -> memref<1x!tpu.dma_semaphore, #tpu.memory_space<semaphore_mem>>
    %dma_wait3A_1003 = tpu.memref_squeeze %dma_wait3A_1002 : memref<1x!tpu.dma_semaphore, #tpu.memory_space<semaphore_mem>> -> memref<!tpu.dma_semaphore, #tpu.memory_space<semaphore_mem>>
    %dma_wait3A_1004 = arith.constant 3 : i32
    %dma_wait3A_1005 = arith.constant 0 : i32
    %dma_wait3A_1006 = arith.constant 0 : i32
    %dma_wait3A_1007 = tpu.memref_slice %arg4[%dma_wait3A_1004, %dma_wait3A_1005, %dma_wait3A_1006] : memref<6x1024x1024xf32, #tpu.memory_space<vmem>> -> memref<1x1024x1024xf32, #tpu.memory_space<vmem>>
    %dma_wait3A_1008 = arith.constant 2 : i32
    %dma_wait3A_1009 = arith.constant 2048 : i32
    %dma_wait3A_1010 = arith.constant 0 : i32
    %dma_wait3A_1011 = tpu.memref_slice %arg2[%dma_wait3A_1008, %dma_wait3A_1009, %dma_wait3A_1010] : memref<4x8192x1024xf32, #tpu.memory_space<any>> -> memref<1x1024x1024xf32, #tpu.memory_space<any>>
    tpu.wait_dma2 semaphore(%dma_wait3A_1003 : memref<!tpu.dma_semaphore, #tpu.memory_space<semaphore_mem>>) src(%dma_wait3A_1011 : memref<1x1024x1024xf32, #tpu.memory_space<any>>) dst(%dma_wait3A_1007 : memref<1x1024x1024xf32, #tpu.memory_space<vmem>>)
    %dma_start3A_1012 = arith.constant 3 : i32
    %dma_start3A_1013 = tpu.memref_slice %arg6[%dma_start3A_1012] : memref<6x!tpu.dma_semaphore, #tpu.memory_space<semaphore_mem>> -> memref<1x!tpu.dma_semaphore, #tpu.memory_space<semaphore_mem>>
    %dma_start3A_1014 = tpu.memref_squeeze %dma_start3A_1013 : memref<1x!tpu.dma_semaphore, #tpu.memory_space<semaphore_mem>> -> memref<!tpu.dma_semaphore, #tpu.memory_space<semaphore_mem>>
    %dma_start3A_1015 = arith.constant 2 : i32
    %dma_start3A_1016 = arith.constant 2064 : i32
    %dma_start3A_1017 = arith.constant 0 : i32
    %dma_start3A_1018 = tpu.memref_slice %arg3[%dma_start3A_1015, %dma_start3A_1016, %dma_start3A_1017] : memref<4x8208x1024xf32, #tpu.memory_space<any>> -> memref<1x1024x1024xf32, #tpu.memory_space<any>>
    %dma_start3A_1019 = arith.constant 3 : i32
    %dma_start3A_1020 = arith.constant 0 : i32
    %dma_start3A_1021 = arith.constant 0 : i32
    %dma_start3A_1022 = tpu.memref_slice %arg4[%dma_start3A_1019, %dma_start3A_1020, %dma_start3A_1021] : memref<6x1024x1024xf32, #tpu.memory_space<vmem>> -> memref<1x1024x1024xf32, #tpu.memory_space<vmem>>
    tpu.enqueue_dma source(%dma_start3A_1022 : memref<1x1024x1024xf32, #tpu.memory_space<vmem>>) target(%dma_start3A_1018 : memref<1x1024x1024xf32, #tpu.memory_space<any>>) target_semaphore(%dma_start3A_1014 : memref<!tpu.dma_semaphore, #tpu.memory_space<semaphore_mem>>)
    %dma_wait3A_1023 = arith.constant 2 : i32
    %dma_wait3A_1024 = tpu.memref_slice %arg6[%dma_wait3A_1023] : memref<6x!tpu.dma_semaphore, #tpu.memory_space<semaphore_mem>> -> memref<1x!tpu.dma_semaphore, #tpu.memory_space<semaphore_mem>>
    %dma_wait3A_1025 = tpu.memref_squeeze %dma_wait3A_1024 : memref<1x!tpu.dma_semaphore, #tpu.memory_space<semaphore_mem>> -> memref<!tpu.dma_semaphore, #tpu.memory_space<semaphore_mem>>
    %dma_wait3A_1026 = arith.constant 2 : i32
    %dma_wait3A_1027 = arith.constant 1040 : i32
    %dma_wait3A_1028 = arith.constant 0 : i32
    %dma_wait3A_1029 = tpu.memref_slice %arg3[%dma_wait3A_1026, %dma_wait3A_1027, %dma_wait3A_1028] : memref<4x8208x1024xf32, #tpu.memory_space<any>> -> memref<1x1024x1024xf32, #tpu.memory_space<any>>
    %dma_wait3A_1030 = arith.constant 2 : i32
    %dma_wait3A_1031 = arith.constant 0 : i32
    %dma_wait3A_1032 = arith.constant 0 : i32
    %dma_wait3A_1033 = tpu.memref_slice %arg4[%dma_wait3A_1030, %dma_wait3A_1031, %dma_wait3A_1032] : memref<6x1024x1024xf32, #tpu.memory_space<vmem>> -> memref<1x1024x1024xf32, #tpu.memory_space<vmem>>
    tpu.wait_dma2 semaphore(%dma_wait3A_1025 : memref<!tpu.dma_semaphore, #tpu.memory_space<semaphore_mem>>) src(%dma_wait3A_1033 : memref<1x1024x1024xf32, #tpu.memory_space<vmem>>) dst(%dma_wait3A_1029 : memref<1x1024x1024xf32, #tpu.memory_space<any>>)
    %dma_start3A_1034 = arith.constant 2 : i32
    %dma_start3A_1035 = tpu.memref_slice %arg5[%dma_start3A_1034] : memref<6x!tpu.dma_semaphore, #tpu.memory_space<semaphore_mem>> -> memref<1x!tpu.dma_semaphore, #tpu.memory_space<semaphore_mem>>
    %dma_start3A_1036 = tpu.memref_squeeze %dma_start3A_1035 : memref<1x!tpu.dma_semaphore, #tpu.memory_space<semaphore_mem>> -> memref<!tpu.dma_semaphore, #tpu.memory_space<semaphore_mem>>
    %dma_start3A_1037 = arith.constant 2 : i32
    %dma_start3A_1038 = arith.constant 0 : i32
    %dma_start3A_1039 = arith.constant 0 : i32
    %dma_start3A_1040 = tpu.memref_slice %arg4[%dma_start3A_1037, %dma_start3A_1038, %dma_start3A_1039] : memref<6x1024x1024xf32, #tpu.memory_space<vmem>> -> memref<1x1024x1024xf32, #tpu.memory_space<vmem>>
    %dma_start3A_1041 = arith.constant 2 : i32
    %dma_start3A_1042 = arith.constant 7168 : i32
    %dma_start3A_1043 = arith.constant 0 : i32
    %dma_start3A_1044 = tpu.memref_slice %arg2[%dma_start3A_1041, %dma_start3A_1042, %dma_start3A_1043] : memref<4x8192x1024xf32, #tpu.memory_space<any>> -> memref<1x1024x1024xf32, #tpu.memory_space<any>>
    tpu.enqueue_dma source(%dma_start3A_1044 : memref<1x1024x1024xf32, #tpu.memory_space<any>>) target(%dma_start3A_1040 : memref<1x1024x1024xf32, #tpu.memory_space<vmem>>) target_semaphore(%dma_start3A_1036 : memref<!tpu.dma_semaphore, #tpu.memory_space<semaphore_mem>>)
    %dma_wait3A_1045 = arith.constant 4 : i32
    %dma_wait3A_1046 = tpu.memref_slice %arg5[%dma_wait3A_1045] : memref<6x!tpu.dma_semaphore, #tpu.memory_space<semaphore_mem>> -> memref<1x!tpu.dma_semaphore, #tpu.memory_space<semaphore_mem>>
    %dma_wait3A_1047 = tpu.memref_squeeze %dma_wait3A_1046 : memref<1x!tpu.dma_semaphore, #tpu.memory_space<semaphore_mem>> -> memref<!tpu.dma_semaphore, #tpu.memory_space<semaphore_mem>>
    %dma_wait3A_1048 = arith.constant 4 : i32
    %dma_wait3A_1049 = arith.constant 0 : i32
    %dma_wait3A_1050 = arith.constant 0 : i32
    %dma_wait3A_1051 = tpu.memref_slice %arg4[%dma_wait3A_1048, %dma_wait3A_1049, %dma_wait3A_1050] : memref<6x1024x1024xf32, #tpu.memory_space<vmem>> -> memref<1x1024x1024xf32, #tpu.memory_space<vmem>>
    %dma_wait3A_1052 = arith.constant 2 : i32
    %dma_wait3A_1053 = arith.constant 3072 : i32
    %dma_wait3A_1054 = arith.constant 0 : i32
    %dma_wait3A_1055 = tpu.memref_slice %arg2[%dma_wait3A_1052, %dma_wait3A_1053, %dma_wait3A_1054] : memref<4x8192x1024xf32, #tpu.memory_space<any>> -> memref<1x1024x1024xf32, #tpu.memory_space<any>>
    tpu.wait_dma2 semaphore(%dma_wait3A_1047 : memref<!tpu.dma_semaphore, #tpu.memory_space<semaphore_mem>>) src(%dma_wait3A_1055 : memref<1x1024x1024xf32, #tpu.memory_space<any>>) dst(%dma_wait3A_1051 : memref<1x1024x1024xf32, #tpu.memory_space<vmem>>)
    %dma_start3A_1056 = arith.constant 4 : i32
    %dma_start3A_1057 = tpu.memref_slice %arg6[%dma_start3A_1056] : memref<6x!tpu.dma_semaphore, #tpu.memory_space<semaphore_mem>> -> memref<1x!tpu.dma_semaphore, #tpu.memory_space<semaphore_mem>>
    %dma_start3A_1058 = tpu.memref_squeeze %dma_start3A_1057 : memref<1x!tpu.dma_semaphore, #tpu.memory_space<semaphore_mem>> -> memref<!tpu.dma_semaphore, #tpu.memory_space<semaphore_mem>>
    %dma_start3A_1059 = arith.constant 2 : i32
    %dma_start3A_1060 = arith.constant 3088 : i32
    %dma_start3A_1061 = arith.constant 0 : i32
    %dma_start3A_1062 = tpu.memref_slice %arg3[%dma_start3A_1059, %dma_start3A_1060, %dma_start3A_1061] : memref<4x8208x1024xf32, #tpu.memory_space<any>> -> memref<1x1024x1024xf32, #tpu.memory_space<any>>
    %dma_start3A_1063 = arith.constant 4 : i32
    %dma_start3A_1064 = arith.constant 0 : i32
    %dma_start3A_1065 = arith.constant 0 : i32
    %dma_start3A_1066 = tpu.memref_slice %arg4[%dma_start3A_1063, %dma_start3A_1064, %dma_start3A_1065] : memref<6x1024x1024xf32, #tpu.memory_space<vmem>> -> memref<1x1024x1024xf32, #tpu.memory_space<vmem>>
    tpu.enqueue_dma source(%dma_start3A_1066 : memref<1x1024x1024xf32, #tpu.memory_space<vmem>>) target(%dma_start3A_1062 : memref<1x1024x1024xf32, #tpu.memory_space<any>>) target_semaphore(%dma_start3A_1058 : memref<!tpu.dma_semaphore, #tpu.memory_space<semaphore_mem>>)
    %dma_wait3A_1067 = arith.constant 3 : i32
    %dma_wait3A_1068 = tpu.memref_slice %arg6[%dma_wait3A_1067] : memref<6x!tpu.dma_semaphore, #tpu.memory_space<semaphore_mem>> -> memref<1x!tpu.dma_semaphore, #tpu.memory_space<semaphore_mem>>
    %dma_wait3A_1069 = tpu.memref_squeeze %dma_wait3A_1068 : memref<1x!tpu.dma_semaphore, #tpu.memory_space<semaphore_mem>> -> memref<!tpu.dma_semaphore, #tpu.memory_space<semaphore_mem>>
    %dma_wait3A_1070 = arith.constant 2 : i32
    %dma_wait3A_1071 = arith.constant 2064 : i32
    %dma_wait3A_1072 = arith.constant 0 : i32
    %dma_wait3A_1073 = tpu.memref_slice %arg3[%dma_wait3A_1070, %dma_wait3A_1071, %dma_wait3A_1072] : memref<4x8208x1024xf32, #tpu.memory_space<any>> -> memref<1x1024x1024xf32, #tpu.memory_space<any>>
    %dma_wait3A_1074 = arith.constant 3 : i32
    %dma_wait3A_1075 = arith.constant 0 : i32
    %dma_wait3A_1076 = arith.constant 0 : i32
    %dma_wait3A_1077 = tpu.memref_slice %arg4[%dma_wait3A_1074, %dma_wait3A_1075, %dma_wait3A_1076] : memref<6x1024x1024xf32, #tpu.memory_space<vmem>> -> memref<1x1024x1024xf32, #tpu.memory_space<vmem>>
    tpu.wait_dma2 semaphore(%dma_wait3A_1069 : memref<!tpu.dma_semaphore, #tpu.memory_space<semaphore_mem>>) src(%dma_wait3A_1077 : memref<1x1024x1024xf32, #tpu.memory_space<vmem>>) dst(%dma_wait3A_1073 : memref<1x1024x1024xf32, #tpu.memory_space<any>>)
    %dma_start3A_1078 = arith.constant 3 : i32
    %dma_start3A_1079 = tpu.memref_slice %arg5[%dma_start3A_1078] : memref<6x!tpu.dma_semaphore, #tpu.memory_space<semaphore_mem>> -> memref<1x!tpu.dma_semaphore, #tpu.memory_space<semaphore_mem>>
    %dma_start3A_1080 = tpu.memref_squeeze %dma_start3A_1079 : memref<1x!tpu.dma_semaphore, #tpu.memory_space<semaphore_mem>> -> memref<!tpu.dma_semaphore, #tpu.memory_space<semaphore_mem>>
    %dma_start3A_1081 = arith.constant 3 : i32
    %dma_start3A_1082 = arith.constant 0 : i32
    %dma_start3A_1083 = arith.constant 0 : i32
    %dma_start3A_1084 = tpu.memref_slice %arg4[%dma_start3A_1081, %dma_start3A_1082, %dma_start3A_1083] : memref<6x1024x1024xf32, #tpu.memory_space<vmem>> -> memref<1x1024x1024xf32, #tpu.memory_space<vmem>>
    %dma_start3A_1085 = arith.constant 3 : i32
    %dma_start3A_1086 = arith.constant 0 : i32
    %dma_start3A_1087 = arith.constant 0 : i32
    %dma_start3A_1088 = tpu.memref_slice %arg2[%dma_start3A_1085, %dma_start3A_1086, %dma_start3A_1087] : memref<4x8192x1024xf32, #tpu.memory_space<any>> -> memref<1x1024x1024xf32, #tpu.memory_space<any>>
    tpu.enqueue_dma source(%dma_start3A_1088 : memref<1x1024x1024xf32, #tpu.memory_space<any>>) target(%dma_start3A_1084 : memref<1x1024x1024xf32, #tpu.memory_space<vmem>>) target_semaphore(%dma_start3A_1080 : memref<!tpu.dma_semaphore, #tpu.memory_space<semaphore_mem>>)
    %dma_wait3A_1089 = arith.constant 5 : i32
    %dma_wait3A_1090 = tpu.memref_slice %arg5[%dma_wait3A_1089] : memref<6x!tpu.dma_semaphore, #tpu.memory_space<semaphore_mem>> -> memref<1x!tpu.dma_semaphore, #tpu.memory_space<semaphore_mem>>
    %dma_wait3A_1091 = tpu.memref_squeeze %dma_wait3A_1090 : memref<1x!tpu.dma_semaphore, #tpu.memory_space<semaphore_mem>> -> memref<!tpu.dma_semaphore, #tpu.memory_space<semaphore_mem>>
    %dma_wait3A_1092 = arith.constant 5 : i32
    %dma_wait3A_1093 = arith.constant 0 : i32
    %dma_wait3A_1094 = arith.constant 0 : i32
    %dma_wait3A_1095 = tpu.memref_slice %arg4[%dma_wait3A_1092, %dma_wait3A_1093, %dma_wait3A_1094] : memref<6x1024x1024xf32, #tpu.memory_space<vmem>> -> memref<1x1024x1024xf32, #tpu.memory_space<vmem>>
    %dma_wait3A_1096 = arith.constant 2 : i32
    %dma_wait3A_1097 = arith.constant 4096 : i32
    %dma_wait3A_1098 = arith.constant 0 : i32
    %dma_wait3A_1099 = tpu.memref_slice %arg2[%dma_wait3A_1096, %dma_wait3A_1097, %dma_wait3A_1098] : memref<4x8192x1024xf32, #tpu.memory_space<any>> -> memref<1x1024x1024xf32, #tpu.memory_space<any>>
    tpu.wait_dma2 semaphore(%dma_wait3A_1091 : memref<!tpu.dma_semaphore, #tpu.memory_space<semaphore_mem>>) src(%dma_wait3A_1099 : memref<1x1024x1024xf32, #tpu.memory_space<any>>) dst(%dma_wait3A_1095 : memref<1x1024x1024xf32, #tpu.memory_space<vmem>>)
    %dma_start3A_1100 = arith.constant 5 : i32
    %dma_start3A_1101 = tpu.memref_slice %arg6[%dma_start3A_1100] : memref<6x!tpu.dma_semaphore, #tpu.memory_space<semaphore_mem>> -> memref<1x!tpu.dma_semaphore, #tpu.memory_space<semaphore_mem>>
    %dma_start3A_1102 = tpu.memref_squeeze %dma_start3A_1101 : memref<1x!tpu.dma_semaphore, #tpu.memory_space<semaphore_mem>> -> memref<!tpu.dma_semaphore, #tpu.memory_space<semaphore_mem>>
    %dma_start3A_1103 = arith.constant 2 : i32
    %dma_start3A_1104 = arith.constant 4112 : i32
    %dma_start3A_1105 = arith.constant 0 : i32
    %dma_start3A_1106 = tpu.memref_slice %arg3[%dma_start3A_1103, %dma_start3A_1104, %dma_start3A_1105] : memref<4x8208x1024xf32, #tpu.memory_space<any>> -> memref<1x1024x1024xf32, #tpu.memory_space<any>>
    %dma_start3A_1107 = arith.constant 5 : i32
    %dma_start3A_1108 = arith.constant 0 : i32
    %dma_start3A_1109 = arith.constant 0 : i32
    %dma_start3A_1110 = tpu.memref_slice %arg4[%dma_start3A_1107, %dma_start3A_1108, %dma_start3A_1109] : memref<6x1024x1024xf32, #tpu.memory_space<vmem>> -> memref<1x1024x1024xf32, #tpu.memory_space<vmem>>
    tpu.enqueue_dma source(%dma_start3A_1110 : memref<1x1024x1024xf32, #tpu.memory_space<vmem>>) target(%dma_start3A_1106 : memref<1x1024x1024xf32, #tpu.memory_space<any>>) target_semaphore(%dma_start3A_1102 : memref<!tpu.dma_semaphore, #tpu.memory_space<semaphore_mem>>)
    %dma_wait3A_1111 = arith.constant 4 : i32
    %dma_wait3A_1112 = tpu.memref_slice %arg6[%dma_wait3A_1111] : memref<6x!tpu.dma_semaphore, #tpu.memory_space<semaphore_mem>> -> memref<1x!tpu.dma_semaphore, #tpu.memory_space<semaphore_mem>>
    %dma_wait3A_1113 = tpu.memref_squeeze %dma_wait3A_1112 : memref<1x!tpu.dma_semaphore, #tpu.memory_space<semaphore_mem>> -> memref<!tpu.dma_semaphore, #tpu.memory_space<semaphore_mem>>
    %dma_wait3A_1114 = arith.constant 2 : i32
    %dma_wait3A_1115 = arith.constant 3088 : i32
    %dma_wait3A_1116 = arith.constant 0 : i32
    %dma_wait3A_1117 = tpu.memref_slice %arg3[%dma_wait3A_1114, %dma_wait3A_1115, %dma_wait3A_1116] : memref<4x8208x1024xf32, #tpu.memory_space<any>> -> memref<1x1024x1024xf32, #tpu.memory_space<any>>
    %dma_wait3A_1118 = arith.constant 4 : i32
    %dma_wait3A_1119 = arith.constant 0 : i32
    %dma_wait3A_1120 = arith.constant 0 : i32
    %dma_wait3A_1121 = tpu.memref_slice %arg4[%dma_wait3A_1118, %dma_wait3A_1119, %dma_wait3A_1120] : memref<6x1024x1024xf32, #tpu.memory_space<vmem>> -> memref<1x1024x1024xf32, #tpu.memory_space<vmem>>
    tpu.wait_dma2 semaphore(%dma_wait3A_1113 : memref<!tpu.dma_semaphore, #tpu.memory_space<semaphore_mem>>) src(%dma_wait3A_1121 : memref<1x1024x1024xf32, #tpu.memory_space<vmem>>) dst(%dma_wait3A_1117 : memref<1x1024x1024xf32, #tpu.memory_space<any>>)
    %dma_start3A_1122 = arith.constant 4 : i32
    %dma_start3A_1123 = tpu.memref_slice %arg5[%dma_start3A_1122] : memref<6x!tpu.dma_semaphore, #tpu.memory_space<semaphore_mem>> -> memref<1x!tpu.dma_semaphore, #tpu.memory_space<semaphore_mem>>
    %dma_start3A_1124 = tpu.memref_squeeze %dma_start3A_1123 : memref<1x!tpu.dma_semaphore, #tpu.memory_space<semaphore_mem>> -> memref<!tpu.dma_semaphore, #tpu.memory_space<semaphore_mem>>
    %dma_start3A_1125 = arith.constant 4 : i32
    %dma_start3A_1126 = arith.constant 0 : i32
    %dma_start3A_1127 = arith.constant 0 : i32
    %dma_start3A_1128 = tpu.memref_slice %arg4[%dma_start3A_1125, %dma_start3A_1126, %dma_start3A_1127] : memref<6x1024x1024xf32, #tpu.memory_space<vmem>> -> memref<1x1024x1024xf32, #tpu.memory_space<vmem>>
    %dma_start3A_1129 = arith.constant 3 : i32
    %dma_start3A_1130 = arith.constant 1024 : i32
    %dma_start3A_1131 = arith.constant 0 : i32
    %dma_start3A_1132 = tpu.memref_slice %arg2[%dma_start3A_1129, %dma_start3A_1130, %dma_start3A_1131] : memref<4x8192x1024xf32, #tpu.memory_space<any>> -> memref<1x1024x1024xf32, #tpu.memory_space<any>>
    tpu.enqueue_dma source(%dma_start3A_1132 : memref<1x1024x1024xf32, #tpu.memory_space<any>>) target(%dma_start3A_1128 : memref<1x1024x1024xf32, #tpu.memory_space<vmem>>) target_semaphore(%dma_start3A_1124 : memref<!tpu.dma_semaphore, #tpu.memory_space<semaphore_mem>>)
    %dma_wait3A_1133 = arith.constant 0 : i32
    %dma_wait3A_1134 = tpu.memref_slice %arg5[%dma_wait3A_1133] : memref<6x!tpu.dma_semaphore, #tpu.memory_space<semaphore_mem>> -> memref<1x!tpu.dma_semaphore, #tpu.memory_space<semaphore_mem>>
    %dma_wait3A_1135 = tpu.memref_squeeze %dma_wait3A_1134 : memref<1x!tpu.dma_semaphore, #tpu.memory_space<semaphore_mem>> -> memref<!tpu.dma_semaphore, #tpu.memory_space<semaphore_mem>>
    %dma_wait3A_1136 = arith.constant 0 : i32
    %dma_wait3A_1137 = arith.constant 0 : i32
    %dma_wait3A_1138 = arith.constant 0 : i32
    %dma_wait3A_1139 = tpu.memref_slice %arg4[%dma_wait3A_1136, %dma_wait3A_1137, %dma_wait3A_1138] : memref<6x1024x1024xf32, #tpu.memory_space<vmem>> -> memref<1x1024x1024xf32, #tpu.memory_space<vmem>>
    %dma_wait3A_1140 = arith.constant 2 : i32
    %dma_wait3A_1141 = arith.constant 5120 : i32
    %dma_wait3A_1142 = arith.constant 0 : i32
    %dma_wait3A_1143 = tpu.memref_slice %arg2[%dma_wait3A_1140, %dma_wait3A_1141, %dma_wait3A_1142] : memref<4x8192x1024xf32, #tpu.memory_space<any>> -> memref<1x1024x1024xf32, #tpu.memory_space<any>>
    tpu.wait_dma2 semaphore(%dma_wait3A_1135 : memref<!tpu.dma_semaphore, #tpu.memory_space<semaphore_mem>>) src(%dma_wait3A_1143 : memref<1x1024x1024xf32, #tpu.memory_space<any>>) dst(%dma_wait3A_1139 : memref<1x1024x1024xf32, #tpu.memory_space<vmem>>)
    %dma_start3A_1144 = arith.constant 0 : i32
    %dma_start3A_1145 = tpu.memref_slice %arg6[%dma_start3A_1144] : memref<6x!tpu.dma_semaphore, #tpu.memory_space<semaphore_mem>> -> memref<1x!tpu.dma_semaphore, #tpu.memory_space<semaphore_mem>>
    %dma_start3A_1146 = tpu.memref_squeeze %dma_start3A_1145 : memref<1x!tpu.dma_semaphore, #tpu.memory_space<semaphore_mem>> -> memref<!tpu.dma_semaphore, #tpu.memory_space<semaphore_mem>>
    %dma_start3A_1147 = arith.constant 2 : i32
    %dma_start3A_1148 = arith.constant 5136 : i32
    %dma_start3A_1149 = arith.constant 0 : i32
    %dma_start3A_1150 = tpu.memref_slice %arg3[%dma_start3A_1147, %dma_start3A_1148, %dma_start3A_1149] : memref<4x8208x1024xf32, #tpu.memory_space<any>> -> memref<1x1024x1024xf32, #tpu.memory_space<any>>
    %dma_start3A_1151 = arith.constant 0 : i32
    %dma_start3A_1152 = arith.constant 0 : i32
    %dma_start3A_1153 = arith.constant 0 : i32
    %dma_start3A_1154 = tpu.memref_slice %arg4[%dma_start3A_1151, %dma_start3A_1152, %dma_start3A_1153] : memref<6x1024x1024xf32, #tpu.memory_space<vmem>> -> memref<1x1024x1024xf32, #tpu.memory_space<vmem>>
    tpu.enqueue_dma source(%dma_start3A_1154 : memref<1x1024x1024xf32, #tpu.memory_space<vmem>>) target(%dma_start3A_1150 : memref<1x1024x1024xf32, #tpu.memory_space<any>>) target_semaphore(%dma_start3A_1146 : memref<!tpu.dma_semaphore, #tpu.memory_space<semaphore_mem>>)
    %dma_wait3A_1155 = arith.constant 5 : i32
    %dma_wait3A_1156 = tpu.memref_slice %arg6[%dma_wait3A_1155] : memref<6x!tpu.dma_semaphore, #tpu.memory_space<semaphore_mem>> -> memref<1x!tpu.dma_semaphore, #tpu.memory_space<semaphore_mem>>
    %dma_wait3A_1157 = tpu.memref_squeeze %dma_wait3A_1156 : memref<1x!tpu.dma_semaphore, #tpu.memory_space<semaphore_mem>> -> memref<!tpu.dma_semaphore, #tpu.memory_space<semaphore_mem>>
    %dma_wait3A_1158 = arith.constant 2 : i32
    %dma_wait3A_1159 = arith.constant 4112 : i32
    %dma_wait3A_1160 = arith.constant 0 : i32
    %dma_wait3A_1161 = tpu.memref_slice %arg3[%dma_wait3A_1158, %dma_wait3A_1159, %dma_wait3A_1160] : memref<4x8208x1024xf32, #tpu.memory_space<any>> -> memref<1x1024x1024xf32, #tpu.memory_space<any>>
    %dma_wait3A_1162 = arith.constant 5 : i32
    %dma_wait3A_1163 = arith.constant 0 : i32
    %dma_wait3A_1164 = arith.constant 0 : i32
    %dma_wait3A_1165 = tpu.memref_slice %arg4[%dma_wait3A_1162, %dma_wait3A_1163, %dma_wait3A_1164] : memref<6x1024x1024xf32, #tpu.memory_space<vmem>> -> memref<1x1024x1024xf32, #tpu.memory_space<vmem>>
    tpu.wait_dma2 semaphore(%dma_wait3A_1157 : memref<!tpu.dma_semaphore, #tpu.memory_space<semaphore_mem>>) src(%dma_wait3A_1165 : memref<1x1024x1024xf32, #tpu.memory_space<vmem>>) dst(%dma_wait3A_1161 : memref<1x1024x1024xf32, #tpu.memory_space<any>>)
    %dma_start3A_1166 = arith.constant 5 : i32
    %dma_start3A_1167 = tpu.memref_slice %arg5[%dma_start3A_1166] : memref<6x!tpu.dma_semaphore, #tpu.memory_space<semaphore_mem>> -> memref<1x!tpu.dma_semaphore, #tpu.memory_space<semaphore_mem>>
    %dma_start3A_1168 = tpu.memref_squeeze %dma_start3A_1167 : memref<1x!tpu.dma_semaphore, #tpu.memory_space<semaphore_mem>> -> memref<!tpu.dma_semaphore, #tpu.memory_space<semaphore_mem>>
    %dma_start3A_1169 = arith.constant 5 : i32
    %dma_start3A_1170 = arith.constant 0 : i32
    %dma_start3A_1171 = arith.constant 0 : i32
    %dma_start3A_1172 = tpu.memref_slice %arg4[%dma_start3A_1169, %dma_start3A_1170, %dma_start3A_1171] : memref<6x1024x1024xf32, #tpu.memory_space<vmem>> -> memref<1x1024x1024xf32, #tpu.memory_space<vmem>>
    %dma_start3A_1173 = arith.constant 3 : i32
    %dma_start3A_1174 = arith.constant 2048 : i32
    %dma_start3A_1175 = arith.constant 0 : i32
    %dma_start3A_1176 = tpu.memref_slice %arg2[%dma_start3A_1173, %dma_start3A_1174, %dma_start3A_1175] : memref<4x8192x1024xf32, #tpu.memory_space<any>> -> memref<1x1024x1024xf32, #tpu.memory_space<any>>
    tpu.enqueue_dma source(%dma_start3A_1176 : memref<1x1024x1024xf32, #tpu.memory_space<any>>) target(%dma_start3A_1172 : memref<1x1024x1024xf32, #tpu.memory_space<vmem>>) target_semaphore(%dma_start3A_1168 : memref<!tpu.dma_semaphore, #tpu.memory_space<semaphore_mem>>)
    %dma_wait3A_1177 = arith.constant 1 : i32
    %dma_wait3A_1178 = tpu.memref_slice %arg5[%dma_wait3A_1177] : memref<6x!tpu.dma_semaphore, #tpu.memory_space<semaphore_mem>> -> memref<1x!tpu.dma_semaphore, #tpu.memory_space<semaphore_mem>>
    %dma_wait3A_1179 = tpu.memref_squeeze %dma_wait3A_1178 : memref<1x!tpu.dma_semaphore, #tpu.memory_space<semaphore_mem>> -> memref<!tpu.dma_semaphore, #tpu.memory_space<semaphore_mem>>
    %dma_wait3A_1180 = arith.constant 1 : i32
    %dma_wait3A_1181 = arith.constant 0 : i32
    %dma_wait3A_1182 = arith.constant 0 : i32
    %dma_wait3A_1183 = tpu.memref_slice %arg4[%dma_wait3A_1180, %dma_wait3A_1181, %dma_wait3A_1182] : memref<6x1024x1024xf32, #tpu.memory_space<vmem>> -> memref<1x1024x1024xf32, #tpu.memory_space<vmem>>
    %dma_wait3A_1184 = arith.constant 2 : i32
    %dma_wait3A_1185 = arith.constant 6144 : i32
    %dma_wait3A_1186 = arith.constant 0 : i32
    %dma_wait3A_1187 = tpu.memref_slice %arg2[%dma_wait3A_1184, %dma_wait3A_1185, %dma_wait3A_1186] : memref<4x8192x1024xf32, #tpu.memory_space<any>> -> memref<1x1024x1024xf32, #tpu.memory_space<any>>
    tpu.wait_dma2 semaphore(%dma_wait3A_1179 : memref<!tpu.dma_semaphore, #tpu.memory_space<semaphore_mem>>) src(%dma_wait3A_1187 : memref<1x1024x1024xf32, #tpu.memory_space<any>>) dst(%dma_wait3A_1183 : memref<1x1024x1024xf32, #tpu.memory_space<vmem>>)
    %dma_start3A_1188 = arith.constant 1 : i32
    %dma_start3A_1189 = tpu.memref_slice %arg6[%dma_start3A_1188] : memref<6x!tpu.dma_semaphore, #tpu.memory_space<semaphore_mem>> -> memref<1x!tpu.dma_semaphore, #tpu.memory_space<semaphore_mem>>
    %dma_start3A_1190 = tpu.memref_squeeze %dma_start3A_1189 : memref<1x!tpu.dma_semaphore, #tpu.memory_space<semaphore_mem>> -> memref<!tpu.dma_semaphore, #tpu.memory_space<semaphore_mem>>
    %dma_start3A_1191 = arith.constant 2 : i32
    %dma_start3A_1192 = arith.constant 6160 : i32
    %dma_start3A_1193 = arith.constant 0 : i32
    %dma_start3A_1194 = tpu.memref_slice %arg3[%dma_start3A_1191, %dma_start3A_1192, %dma_start3A_1193] : memref<4x8208x1024xf32, #tpu.memory_space<any>> -> memref<1x1024x1024xf32, #tpu.memory_space<any>>
    %dma_start3A_1195 = arith.constant 1 : i32
    %dma_start3A_1196 = arith.constant 0 : i32
    %dma_start3A_1197 = arith.constant 0 : i32
    %dma_start3A_1198 = tpu.memref_slice %arg4[%dma_start3A_1195, %dma_start3A_1196, %dma_start3A_1197] : memref<6x1024x1024xf32, #tpu.memory_space<vmem>> -> memref<1x1024x1024xf32, #tpu.memory_space<vmem>>
    tpu.enqueue_dma source(%dma_start3A_1198 : memref<1x1024x1024xf32, #tpu.memory_space<vmem>>) target(%dma_start3A_1194 : memref<1x1024x1024xf32, #tpu.memory_space<any>>) target_semaphore(%dma_start3A_1190 : memref<!tpu.dma_semaphore, #tpu.memory_space<semaphore_mem>>)
    %dma_wait3A_1199 = arith.constant 0 : i32
    %dma_wait3A_1200 = tpu.memref_slice %arg6[%dma_wait3A_1199] : memref<6x!tpu.dma_semaphore, #tpu.memory_space<semaphore_mem>> -> memref<1x!tpu.dma_semaphore, #tpu.memory_space<semaphore_mem>>
    %dma_wait3A_1201 = tpu.memref_squeeze %dma_wait3A_1200 : memref<1x!tpu.dma_semaphore, #tpu.memory_space<semaphore_mem>> -> memref<!tpu.dma_semaphore, #tpu.memory_space<semaphore_mem>>
    %dma_wait3A_1202 = arith.constant 2 : i32
    %dma_wait3A_1203 = arith.constant 5136 : i32
    %dma_wait3A_1204 = arith.constant 0 : i32
    %dma_wait3A_1205 = tpu.memref_slice %arg3[%dma_wait3A_1202, %dma_wait3A_1203, %dma_wait3A_1204] : memref<4x8208x1024xf32, #tpu.memory_space<any>> -> memref<1x1024x1024xf32, #tpu.memory_space<any>>
    %dma_wait3A_1206 = arith.constant 0 : i32
    %dma_wait3A_1207 = arith.constant 0 : i32
    %dma_wait3A_1208 = arith.constant 0 : i32
    %dma_wait3A_1209 = tpu.memref_slice %arg4[%dma_wait3A_1206, %dma_wait3A_1207, %dma_wait3A_1208] : memref<6x1024x1024xf32, #tpu.memory_space<vmem>> -> memref<1x1024x1024xf32, #tpu.memory_space<vmem>>
    tpu.wait_dma2 semaphore(%dma_wait3A_1201 : memref<!tpu.dma_semaphore, #tpu.memory_space<semaphore_mem>>) src(%dma_wait3A_1209 : memref<1x1024x1024xf32, #tpu.memory_space<vmem>>) dst(%dma_wait3A_1205 : memref<1x1024x1024xf32, #tpu.memory_space<any>>)
    %dma_start3A_1210 = arith.constant 0 : i32
    %dma_start3A_1211 = tpu.memref_slice %arg5[%dma_start3A_1210] : memref<6x!tpu.dma_semaphore, #tpu.memory_space<semaphore_mem>> -> memref<1x!tpu.dma_semaphore, #tpu.memory_space<semaphore_mem>>
    %dma_start3A_1212 = tpu.memref_squeeze %dma_start3A_1211 : memref<1x!tpu.dma_semaphore, #tpu.memory_space<semaphore_mem>> -> memref<!tpu.dma_semaphore, #tpu.memory_space<semaphore_mem>>
    %dma_start3A_1213 = arith.constant 0 : i32
    %dma_start3A_1214 = arith.constant 0 : i32
    %dma_start3A_1215 = arith.constant 0 : i32
    %dma_start3A_1216 = tpu.memref_slice %arg4[%dma_start3A_1213, %dma_start3A_1214, %dma_start3A_1215] : memref<6x1024x1024xf32, #tpu.memory_space<vmem>> -> memref<1x1024x1024xf32, #tpu.memory_space<vmem>>
    %dma_start3A_1217 = arith.constant 3 : i32
    %dma_start3A_1218 = arith.constant 3072 : i32
    %dma_start3A_1219 = arith.constant 0 : i32
    %dma_start3A_1220 = tpu.memref_slice %arg2[%dma_start3A_1217, %dma_start3A_1218, %dma_start3A_1219] : memref<4x8192x1024xf32, #tpu.memory_space<any>> -> memref<1x1024x1024xf32, #tpu.memory_space<any>>
    tpu.enqueue_dma source(%dma_start3A_1220 : memref<1x1024x1024xf32, #tpu.memory_space<any>>) target(%dma_start3A_1216 : memref<1x1024x1024xf32, #tpu.memory_space<vmem>>) target_semaphore(%dma_start3A_1212 : memref<!tpu.dma_semaphore, #tpu.memory_space<semaphore_mem>>)
    %dma_wait3A_1221 = arith.constant 2 : i32
    %dma_wait3A_1222 = tpu.memref_slice %arg5[%dma_wait3A_1221] : memref<6x!tpu.dma_semaphore, #tpu.memory_space<semaphore_mem>> -> memref<1x!tpu.dma_semaphore, #tpu.memory_space<semaphore_mem>>
    %dma_wait3A_1223 = tpu.memref_squeeze %dma_wait3A_1222 : memref<1x!tpu.dma_semaphore, #tpu.memory_space<semaphore_mem>> -> memref<!tpu.dma_semaphore, #tpu.memory_space<semaphore_mem>>
    %dma_wait3A_1224 = arith.constant 2 : i32
    %dma_wait3A_1225 = arith.constant 0 : i32
    %dma_wait3A_1226 = arith.constant 0 : i32
    %dma_wait3A_1227 = tpu.memref_slice %arg4[%dma_wait3A_1224, %dma_wait3A_1225, %dma_wait3A_1226] : memref<6x1024x1024xf32, #tpu.memory_space<vmem>> -> memref<1x1024x1024xf32, #tpu.memory_space<vmem>>
    %dma_wait3A_1228 = arith.constant 2 : i32
    %dma_wait3A_1229 = arith.constant 7168 : i32
    %dma_wait3A_1230 = arith.constant 0 : i32
    %dma_wait3A_1231 = tpu.memref_slice %arg2[%dma_wait3A_1228, %dma_wait3A_1229, %dma_wait3A_1230] : memref<4x8192x1024xf32, #tpu.memory_space<any>> -> memref<1x1024x1024xf32, #tpu.memory_space<any>>
    tpu.wait_dma2 semaphore(%dma_wait3A_1223 : memref<!tpu.dma_semaphore, #tpu.memory_space<semaphore_mem>>) src(%dma_wait3A_1231 : memref<1x1024x1024xf32, #tpu.memory_space<any>>) dst(%dma_wait3A_1227 : memref<1x1024x1024xf32, #tpu.memory_space<vmem>>)
    %dma_start3A_1232 = arith.constant 2 : i32
    %dma_start3A_1233 = tpu.memref_slice %arg6[%dma_start3A_1232] : memref<6x!tpu.dma_semaphore, #tpu.memory_space<semaphore_mem>> -> memref<1x!tpu.dma_semaphore, #tpu.memory_space<semaphore_mem>>
    %dma_start3A_1234 = tpu.memref_squeeze %dma_start3A_1233 : memref<1x!tpu.dma_semaphore, #tpu.memory_space<semaphore_mem>> -> memref<!tpu.dma_semaphore, #tpu.memory_space<semaphore_mem>>
    %dma_start3A_1235 = arith.constant 2 : i32
    %dma_start3A_1236 = arith.constant 7184 : i32
    %dma_start3A_1237 = arith.constant 0 : i32
    %dma_start3A_1238 = tpu.memref_slice %arg3[%dma_start3A_1235, %dma_start3A_1236, %dma_start3A_1237] : memref<4x8208x1024xf32, #tpu.memory_space<any>> -> memref<1x1024x1024xf32, #tpu.memory_space<any>>
    %dma_start3A_1239 = arith.constant 2 : i32
    %dma_start3A_1240 = arith.constant 0 : i32
    %dma_start3A_1241 = arith.constant 0 : i32
    %dma_start3A_1242 = tpu.memref_slice %arg4[%dma_start3A_1239, %dma_start3A_1240, %dma_start3A_1241] : memref<6x1024x1024xf32, #tpu.memory_space<vmem>> -> memref<1x1024x1024xf32, #tpu.memory_space<vmem>>
    tpu.enqueue_dma source(%dma_start3A_1242 : memref<1x1024x1024xf32, #tpu.memory_space<vmem>>) target(%dma_start3A_1238 : memref<1x1024x1024xf32, #tpu.memory_space<any>>) target_semaphore(%dma_start3A_1234 : memref<!tpu.dma_semaphore, #tpu.memory_space<semaphore_mem>>)
    %dma_wait3A_1243 = arith.constant 1 : i32
    %dma_wait3A_1244 = tpu.memref_slice %arg6[%dma_wait3A_1243] : memref<6x!tpu.dma_semaphore, #tpu.memory_space<semaphore_mem>> -> memref<1x!tpu.dma_semaphore, #tpu.memory_space<semaphore_mem>>
    %dma_wait3A_1245 = tpu.memref_squeeze %dma_wait3A_1244 : memref<1x!tpu.dma_semaphore, #tpu.memory_space<semaphore_mem>> -> memref<!tpu.dma_semaphore, #tpu.memory_space<semaphore_mem>>
    %dma_wait3A_1246 = arith.constant 2 : i32
    %dma_wait3A_1247 = arith.constant 6160 : i32
    %dma_wait3A_1248 = arith.constant 0 : i32
    %dma_wait3A_1249 = tpu.memref_slice %arg3[%dma_wait3A_1246, %dma_wait3A_1247, %dma_wait3A_1248] : memref<4x8208x1024xf32, #tpu.memory_space<any>> -> memref<1x1024x1024xf32, #tpu.memory_space<any>>
    %dma_wait3A_1250 = arith.constant 1 : i32
    %dma_wait3A_1251 = arith.constant 0 : i32
    %dma_wait3A_1252 = arith.constant 0 : i32
    %dma_wait3A_1253 = tpu.memref_slice %arg4[%dma_wait3A_1250, %dma_wait3A_1251, %dma_wait3A_1252] : memref<6x1024x1024xf32, #tpu.memory_space<vmem>> -> memref<1x1024x1024xf32, #tpu.memory_space<vmem>>
    tpu.wait_dma2 semaphore(%dma_wait3A_1245 : memref<!tpu.dma_semaphore, #tpu.memory_space<semaphore_mem>>) src(%dma_wait3A_1253 : memref<1x1024x1024xf32, #tpu.memory_space<vmem>>) dst(%dma_wait3A_1249 : memref<1x1024x1024xf32, #tpu.memory_space<any>>)
    %dma_start3A_1254 = arith.constant 1 : i32
    %dma_start3A_1255 = tpu.memref_slice %arg5[%dma_start3A_1254] : memref<6x!tpu.dma_semaphore, #tpu.memory_space<semaphore_mem>> -> memref<1x!tpu.dma_semaphore, #tpu.memory_space<semaphore_mem>>
    %dma_start3A_1256 = tpu.memref_squeeze %dma_start3A_1255 : memref<1x!tpu.dma_semaphore, #tpu.memory_space<semaphore_mem>> -> memref<!tpu.dma_semaphore, #tpu.memory_space<semaphore_mem>>
    %dma_start3A_1257 = arith.constant 1 : i32
    %dma_start3A_1258 = arith.constant 0 : i32
    %dma_start3A_1259 = arith.constant 0 : i32
    %dma_start3A_1260 = tpu.memref_slice %arg4[%dma_start3A_1257, %dma_start3A_1258, %dma_start3A_1259] : memref<6x1024x1024xf32, #tpu.memory_space<vmem>> -> memref<1x1024x1024xf32, #tpu.memory_space<vmem>>
    %dma_start3A_1261 = arith.constant 3 : i32
    %dma_start3A_1262 = arith.constant 4096 : i32
    %dma_start3A_1263 = arith.constant 0 : i32
    %dma_start3A_1264 = tpu.memref_slice %arg2[%dma_start3A_1261, %dma_start3A_1262, %dma_start3A_1263] : memref<4x8192x1024xf32, #tpu.memory_space<any>> -> memref<1x1024x1024xf32, #tpu.memory_space<any>>
    tpu.enqueue_dma source(%dma_start3A_1264 : memref<1x1024x1024xf32, #tpu.memory_space<any>>) target(%dma_start3A_1260 : memref<1x1024x1024xf32, #tpu.memory_space<vmem>>) target_semaphore(%dma_start3A_1256 : memref<!tpu.dma_semaphore, #tpu.memory_space<semaphore_mem>>)
    %dma_wait3A_1265 = arith.constant 3 : i32
    %dma_wait3A_1266 = tpu.memref_slice %arg5[%dma_wait3A_1265] : memref<6x!tpu.dma_semaphore, #tpu.memory_space<semaphore_mem>> -> memref<1x!tpu.dma_semaphore, #tpu.memory_space<semaphore_mem>>
    %dma_wait3A_1267 = tpu.memref_squeeze %dma_wait3A_1266 : memref<1x!tpu.dma_semaphore, #tpu.memory_space<semaphore_mem>> -> memref<!tpu.dma_semaphore, #tpu.memory_space<semaphore_mem>>
    %dma_wait3A_1268 = arith.constant 3 : i32
    %dma_wait3A_1269 = arith.constant 0 : i32
    %dma_wait3A_1270 = arith.constant 0 : i32
    %dma_wait3A_1271 = tpu.memref_slice %arg4[%dma_wait3A_1268, %dma_wait3A_1269, %dma_wait3A_1270] : memref<6x1024x1024xf32, #tpu.memory_space<vmem>> -> memref<1x1024x1024xf32, #tpu.memory_space<vmem>>
    %dma_wait3A_1272 = arith.constant 3 : i32
    %dma_wait3A_1273 = arith.constant 0 : i32
    %dma_wait3A_1274 = arith.constant 0 : i32
    %dma_wait3A_1275 = tpu.memref_slice %arg2[%dma_wait3A_1272, %dma_wait3A_1273, %dma_wait3A_1274] : memref<4x8192x1024xf32, #tpu.memory_space<any>> -> memref<1x1024x1024xf32, #tpu.memory_space<any>>
    tpu.wait_dma2 semaphore(%dma_wait3A_1267 : memref<!tpu.dma_semaphore, #tpu.memory_space<semaphore_mem>>) src(%dma_wait3A_1275 : memref<1x1024x1024xf32, #tpu.memory_space<any>>) dst(%dma_wait3A_1271 : memref<1x1024x1024xf32, #tpu.memory_space<vmem>>)
    %dma_start3A_1276 = arith.constant 3 : i32
    %dma_start3A_1277 = tpu.memref_slice %arg6[%dma_start3A_1276] : memref<6x!tpu.dma_semaphore, #tpu.memory_space<semaphore_mem>> -> memref<1x!tpu.dma_semaphore, #tpu.memory_space<semaphore_mem>>
    %dma_start3A_1278 = tpu.memref_squeeze %dma_start3A_1277 : memref<1x!tpu.dma_semaphore, #tpu.memory_space<semaphore_mem>> -> memref<!tpu.dma_semaphore, #tpu.memory_space<semaphore_mem>>
    %dma_start3A_1279 = arith.constant 3 : i32
    %dma_start3A_1280 = arith.constant 16 : i32
    %dma_start3A_1281 = arith.constant 0 : i32
    %dma_start3A_1282 = tpu.memref_slice %arg3[%dma_start3A_1279, %dma_start3A_1280, %dma_start3A_1281] : memref<4x8208x1024xf32, #tpu.memory_space<any>> -> memref<1x1024x1024xf32, #tpu.memory_space<any>>
    %dma_start3A_1283 = arith.constant 3 : i32
    %dma_start3A_1284 = arith.constant 0 : i32
    %dma_start3A_1285 = arith.constant 0 : i32
    %dma_start3A_1286 = tpu.memref_slice %arg4[%dma_start3A_1283, %dma_start3A_1284, %dma_start3A_1285] : memref<6x1024x1024xf32, #tpu.memory_space<vmem>> -> memref<1x1024x1024xf32, #tpu.memory_space<vmem>>
    tpu.enqueue_dma source(%dma_start3A_1286 : memref<1x1024x1024xf32, #tpu.memory_space<vmem>>) target(%dma_start3A_1282 : memref<1x1024x1024xf32, #tpu.memory_space<any>>) target_semaphore(%dma_start3A_1278 : memref<!tpu.dma_semaphore, #tpu.memory_space<semaphore_mem>>)
    %dma_wait3A_1287 = arith.constant 2 : i32
    %dma_wait3A_1288 = tpu.memref_slice %arg6[%dma_wait3A_1287] : memref<6x!tpu.dma_semaphore, #tpu.memory_space<semaphore_mem>> -> memref<1x!tpu.dma_semaphore, #tpu.memory_space<semaphore_mem>>
    %dma_wait3A_1289 = tpu.memref_squeeze %dma_wait3A_1288 : memref<1x!tpu.dma_semaphore, #tpu.memory_space<semaphore_mem>> -> memref<!tpu.dma_semaphore, #tpu.memory_space<semaphore_mem>>
    %dma_wait3A_1290 = arith.constant 2 : i32
    %dma_wait3A_1291 = arith.constant 7184 : i32
    %dma_wait3A_1292 = arith.constant 0 : i32
    %dma_wait3A_1293 = tpu.memref_slice %arg3[%dma_wait3A_1290, %dma_wait3A_1291, %dma_wait3A_1292] : memref<4x8208x1024xf32, #tpu.memory_space<any>> -> memref<1x1024x1024xf32, #tpu.memory_space<any>>
    %dma_wait3A_1294 = arith.constant 2 : i32
    %dma_wait3A_1295 = arith.constant 0 : i32
    %dma_wait3A_1296 = arith.constant 0 : i32
    %dma_wait3A_1297 = tpu.memref_slice %arg4[%dma_wait3A_1294, %dma_wait3A_1295, %dma_wait3A_1296] : memref<6x1024x1024xf32, #tpu.memory_space<vmem>> -> memref<1x1024x1024xf32, #tpu.memory_space<vmem>>
    tpu.wait_dma2 semaphore(%dma_wait3A_1289 : memref<!tpu.dma_semaphore, #tpu.memory_space<semaphore_mem>>) src(%dma_wait3A_1297 : memref<1x1024x1024xf32, #tpu.memory_space<vmem>>) dst(%dma_wait3A_1293 : memref<1x1024x1024xf32, #tpu.memory_space<any>>)
    %dma_start3A_1298 = arith.constant 2 : i32
    %dma_start3A_1299 = tpu.memref_slice %arg5[%dma_start3A_1298] : memref<6x!tpu.dma_semaphore, #tpu.memory_space<semaphore_mem>> -> memref<1x!tpu.dma_semaphore, #tpu.memory_space<semaphore_mem>>
    %dma_start3A_1300 = tpu.memref_squeeze %dma_start3A_1299 : memref<1x!tpu.dma_semaphore, #tpu.memory_space<semaphore_mem>> -> memref<!tpu.dma_semaphore, #tpu.memory_space<semaphore_mem>>
    %dma_start3A_1301 = arith.constant 2 : i32
    %dma_start3A_1302 = arith.constant 0 : i32
    %dma_start3A_1303 = arith.constant 0 : i32
    %dma_start3A_1304 = tpu.memref_slice %arg4[%dma_start3A_1301, %dma_start3A_1302, %dma_start3A_1303] : memref<6x1024x1024xf32, #tpu.memory_space<vmem>> -> memref<1x1024x1024xf32, #tpu.memory_space<vmem>>
    %dma_start3A_1305 = arith.constant 3 : i32
    %dma_start3A_1306 = arith.constant 5120 : i32
    %dma_start3A_1307 = arith.constant 0 : i32
    %dma_start3A_1308 = tpu.memref_slice %arg2[%dma_start3A_1305, %dma_start3A_1306, %dma_start3A_1307] : memref<4x8192x1024xf32, #tpu.memory_space<any>> -> memref<1x1024x1024xf32, #tpu.memory_space<any>>
    tpu.enqueue_dma source(%dma_start3A_1308 : memref<1x1024x1024xf32, #tpu.memory_space<any>>) target(%dma_start3A_1304 : memref<1x1024x1024xf32, #tpu.memory_space<vmem>>) target_semaphore(%dma_start3A_1300 : memref<!tpu.dma_semaphore, #tpu.memory_space<semaphore_mem>>)
    %dma_wait3A_1309 = arith.constant 4 : i32
    %dma_wait3A_1310 = tpu.memref_slice %arg5[%dma_wait3A_1309] : memref<6x!tpu.dma_semaphore, #tpu.memory_space<semaphore_mem>> -> memref<1x!tpu.dma_semaphore, #tpu.memory_space<semaphore_mem>>
    %dma_wait3A_1311 = tpu.memref_squeeze %dma_wait3A_1310 : memref<1x!tpu.dma_semaphore, #tpu.memory_space<semaphore_mem>> -> memref<!tpu.dma_semaphore, #tpu.memory_space<semaphore_mem>>
    %dma_wait3A_1312 = arith.constant 4 : i32
    %dma_wait3A_1313 = arith.constant 0 : i32
    %dma_wait3A_1314 = arith.constant 0 : i32
    %dma_wait3A_1315 = tpu.memref_slice %arg4[%dma_wait3A_1312, %dma_wait3A_1313, %dma_wait3A_1314] : memref<6x1024x1024xf32, #tpu.memory_space<vmem>> -> memref<1x1024x1024xf32, #tpu.memory_space<vmem>>
    %dma_wait3A_1316 = arith.constant 3 : i32
    %dma_wait3A_1317 = arith.constant 1024 : i32
    %dma_wait3A_1318 = arith.constant 0 : i32
    %dma_wait3A_1319 = tpu.memref_slice %arg2[%dma_wait3A_1316, %dma_wait3A_1317, %dma_wait3A_1318] : memref<4x8192x1024xf32, #tpu.memory_space<any>> -> memref<1x1024x1024xf32, #tpu.memory_space<any>>
    tpu.wait_dma2 semaphore(%dma_wait3A_1311 : memref<!tpu.dma_semaphore, #tpu.memory_space<semaphore_mem>>) src(%dma_wait3A_1319 : memref<1x1024x1024xf32, #tpu.memory_space<any>>) dst(%dma_wait3A_1315 : memref<1x1024x1024xf32, #tpu.memory_space<vmem>>)
    %dma_start3A_1320 = arith.constant 4 : i32
    %dma_start3A_1321 = tpu.memref_slice %arg6[%dma_start3A_1320] : memref<6x!tpu.dma_semaphore, #tpu.memory_space<semaphore_mem>> -> memref<1x!tpu.dma_semaphore, #tpu.memory_space<semaphore_mem>>
    %dma_start3A_1322 = tpu.memref_squeeze %dma_start3A_1321 : memref<1x!tpu.dma_semaphore, #tpu.memory_space<semaphore_mem>> -> memref<!tpu.dma_semaphore, #tpu.memory_space<semaphore_mem>>
    %dma_start3A_1323 = arith.constant 3 : i32
    %dma_start3A_1324 = arith.constant 1040 : i32
    %dma_start3A_1325 = arith.constant 0 : i32
    %dma_start3A_1326 = tpu.memref_slice %arg3[%dma_start3A_1323, %dma_start3A_1324, %dma_start3A_1325] : memref<4x8208x1024xf32, #tpu.memory_space<any>> -> memref<1x1024x1024xf32, #tpu.memory_space<any>>
    %dma_start3A_1327 = arith.constant 4 : i32
    %dma_start3A_1328 = arith.constant 0 : i32
    %dma_start3A_1329 = arith.constant 0 : i32
    %dma_start3A_1330 = tpu.memref_slice %arg4[%dma_start3A_1327, %dma_start3A_1328, %dma_start3A_1329] : memref<6x1024x1024xf32, #tpu.memory_space<vmem>> -> memref<1x1024x1024xf32, #tpu.memory_space<vmem>>
    tpu.enqueue_dma source(%dma_start3A_1330 : memref<1x1024x1024xf32, #tpu.memory_space<vmem>>) target(%dma_start3A_1326 : memref<1x1024x1024xf32, #tpu.memory_space<any>>) target_semaphore(%dma_start3A_1322 : memref<!tpu.dma_semaphore, #tpu.memory_space<semaphore_mem>>)
    %dma_wait3A_1331 = arith.constant 3 : i32
    %dma_wait3A_1332 = tpu.memref_slice %arg6[%dma_wait3A_1331] : memref<6x!tpu.dma_semaphore, #tpu.memory_space<semaphore_mem>> -> memref<1x!tpu.dma_semaphore, #tpu.memory_space<semaphore_mem>>
    %dma_wait3A_1333 = tpu.memref_squeeze %dma_wait3A_1332 : memref<1x!tpu.dma_semaphore, #tpu.memory_space<semaphore_mem>> -> memref<!tpu.dma_semaphore, #tpu.memory_space<semaphore_mem>>
    %dma_wait3A_1334 = arith.constant 3 : i32
    %dma_wait3A_1335 = arith.constant 16 : i32
    %dma_wait3A_1336 = arith.constant 0 : i32
    %dma_wait3A_1337 = tpu.memref_slice %arg3[%dma_wait3A_1334, %dma_wait3A_1335, %dma_wait3A_1336] : memref<4x8208x1024xf32, #tpu.memory_space<any>> -> memref<1x1024x1024xf32, #tpu.memory_space<any>>
    %dma_wait3A_1338 = arith.constant 3 : i32
    %dma_wait3A_1339 = arith.constant 0 : i32
    %dma_wait3A_1340 = arith.constant 0 : i32
    %dma_wait3A_1341 = tpu.memref_slice %arg4[%dma_wait3A_1338, %dma_wait3A_1339, %dma_wait3A_1340] : memref<6x1024x1024xf32, #tpu.memory_space<vmem>> -> memref<1x1024x1024xf32, #tpu.memory_space<vmem>>
    tpu.wait_dma2 semaphore(%dma_wait3A_1333 : memref<!tpu.dma_semaphore, #tpu.memory_space<semaphore_mem>>) src(%dma_wait3A_1341 : memref<1x1024x1024xf32, #tpu.memory_space<vmem>>) dst(%dma_wait3A_1337 : memref<1x1024x1024xf32, #tpu.memory_space<any>>)
    %dma_start3A_1342 = arith.constant 3 : i32
    %dma_start3A_1343 = tpu.memref_slice %arg5[%dma_start3A_1342] : memref<6x!tpu.dma_semaphore, #tpu.memory_space<semaphore_mem>> -> memref<1x!tpu.dma_semaphore, #tpu.memory_space<semaphore_mem>>
    %dma_start3A_1344 = tpu.memref_squeeze %dma_start3A_1343 : memref<1x!tpu.dma_semaphore, #tpu.memory_space<semaphore_mem>> -> memref<!tpu.dma_semaphore, #tpu.memory_space<semaphore_mem>>
    %dma_start3A_1345 = arith.constant 3 : i32
    %dma_start3A_1346 = arith.constant 0 : i32
    %dma_start3A_1347 = arith.constant 0 : i32
    %dma_start3A_1348 = tpu.memref_slice %arg4[%dma_start3A_1345, %dma_start3A_1346, %dma_start3A_1347] : memref<6x1024x1024xf32, #tpu.memory_space<vmem>> -> memref<1x1024x1024xf32, #tpu.memory_space<vmem>>
    %dma_start3A_1349 = arith.constant 3 : i32
    %dma_start3A_1350 = arith.constant 6144 : i32
    %dma_start3A_1351 = arith.constant 0 : i32
    %dma_start3A_1352 = tpu.memref_slice %arg2[%dma_start3A_1349, %dma_start3A_1350, %dma_start3A_1351] : memref<4x8192x1024xf32, #tpu.memory_space<any>> -> memref<1x1024x1024xf32, #tpu.memory_space<any>>
    tpu.enqueue_dma source(%dma_start3A_1352 : memref<1x1024x1024xf32, #tpu.memory_space<any>>) target(%dma_start3A_1348 : memref<1x1024x1024xf32, #tpu.memory_space<vmem>>) target_semaphore(%dma_start3A_1344 : memref<!tpu.dma_semaphore, #tpu.memory_space<semaphore_mem>>)
    %dma_wait3A_1353 = arith.constant 5 : i32
    %dma_wait3A_1354 = tpu.memref_slice %arg5[%dma_wait3A_1353] : memref<6x!tpu.dma_semaphore, #tpu.memory_space<semaphore_mem>> -> memref<1x!tpu.dma_semaphore, #tpu.memory_space<semaphore_mem>>
    %dma_wait3A_1355 = tpu.memref_squeeze %dma_wait3A_1354 : memref<1x!tpu.dma_semaphore, #tpu.memory_space<semaphore_mem>> -> memref<!tpu.dma_semaphore, #tpu.memory_space<semaphore_mem>>
    %dma_wait3A_1356 = arith.constant 5 : i32
    %dma_wait3A_1357 = arith.constant 0 : i32
    %dma_wait3A_1358 = arith.constant 0 : i32
    %dma_wait3A_1359 = tpu.memref_slice %arg4[%dma_wait3A_1356, %dma_wait3A_1357, %dma_wait3A_1358] : memref<6x1024x1024xf32, #tpu.memory_space<vmem>> -> memref<1x1024x1024xf32, #tpu.memory_space<vmem>>
    %dma_wait3A_1360 = arith.constant 3 : i32
    %dma_wait3A_1361 = arith.constant 2048 : i32
    %dma_wait3A_1362 = arith.constant 0 : i32
    %dma_wait3A_1363 = tpu.memref_slice %arg2[%dma_wait3A_1360, %dma_wait3A_1361, %dma_wait3A_1362] : memref<4x8192x1024xf32, #tpu.memory_space<any>> -> memref<1x1024x1024xf32, #tpu.memory_space<any>>
    tpu.wait_dma2 semaphore(%dma_wait3A_1355 : memref<!tpu.dma_semaphore, #tpu.memory_space<semaphore_mem>>) src(%dma_wait3A_1363 : memref<1x1024x1024xf32, #tpu.memory_space<any>>) dst(%dma_wait3A_1359 : memref<1x1024x1024xf32, #tpu.memory_space<vmem>>)
    %dma_start3A_1364 = arith.constant 5 : i32
    %dma_start3A_1365 = tpu.memref_slice %arg6[%dma_start3A_1364] : memref<6x!tpu.dma_semaphore, #tpu.memory_space<semaphore_mem>> -> memref<1x!tpu.dma_semaphore, #tpu.memory_space<semaphore_mem>>
    %dma_start3A_1366 = tpu.memref_squeeze %dma_start3A_1365 : memref<1x!tpu.dma_semaphore, #tpu.memory_space<semaphore_mem>> -> memref<!tpu.dma_semaphore, #tpu.memory_space<semaphore_mem>>
    %dma_start3A_1367 = arith.constant 3 : i32
    %dma_start3A_1368 = arith.constant 2064 : i32
    %dma_start3A_1369 = arith.constant 0 : i32
    %dma_start3A_1370 = tpu.memref_slice %arg3[%dma_start3A_1367, %dma_start3A_1368, %dma_start3A_1369] : memref<4x8208x1024xf32, #tpu.memory_space<any>> -> memref<1x1024x1024xf32, #tpu.memory_space<any>>
    %dma_start3A_1371 = arith.constant 5 : i32
    %dma_start3A_1372 = arith.constant 0 : i32
    %dma_start3A_1373 = arith.constant 0 : i32
    %dma_start3A_1374 = tpu.memref_slice %arg4[%dma_start3A_1371, %dma_start3A_1372, %dma_start3A_1373] : memref<6x1024x1024xf32, #tpu.memory_space<vmem>> -> memref<1x1024x1024xf32, #tpu.memory_space<vmem>>
    tpu.enqueue_dma source(%dma_start3A_1374 : memref<1x1024x1024xf32, #tpu.memory_space<vmem>>) target(%dma_start3A_1370 : memref<1x1024x1024xf32, #tpu.memory_space<any>>) target_semaphore(%dma_start3A_1366 : memref<!tpu.dma_semaphore, #tpu.memory_space<semaphore_mem>>)
    %dma_wait3A_1375 = arith.constant 4 : i32
    %dma_wait3A_1376 = tpu.memref_slice %arg6[%dma_wait3A_1375] : memref<6x!tpu.dma_semaphore, #tpu.memory_space<semaphore_mem>> -> memref<1x!tpu.dma_semaphore, #tpu.memory_space<semaphore_mem>>
    %dma_wait3A_1377 = tpu.memref_squeeze %dma_wait3A_1376 : memref<1x!tpu.dma_semaphore, #tpu.memory_space<semaphore_mem>> -> memref<!tpu.dma_semaphore, #tpu.memory_space<semaphore_mem>>
    %dma_wait3A_1378 = arith.constant 3 : i32
    %dma_wait3A_1379 = arith.constant 1040 : i32
    %dma_wait3A_1380 = arith.constant 0 : i32
    %dma_wait3A_1381 = tpu.memref_slice %arg3[%dma_wait3A_1378, %dma_wait3A_1379, %dma_wait3A_1380] : memref<4x8208x1024xf32, #tpu.memory_space<any>> -> memref<1x1024x1024xf32, #tpu.memory_space<any>>
    %dma_wait3A_1382 = arith.constant 4 : i32
    %dma_wait3A_1383 = arith.constant 0 : i32
    %dma_wait3A_1384 = arith.constant 0 : i32
    %dma_wait3A_1385 = tpu.memref_slice %arg4[%dma_wait3A_1382, %dma_wait3A_1383, %dma_wait3A_1384] : memref<6x1024x1024xf32, #tpu.memory_space<vmem>> -> memref<1x1024x1024xf32, #tpu.memory_space<vmem>>
    tpu.wait_dma2 semaphore(%dma_wait3A_1377 : memref<!tpu.dma_semaphore, #tpu.memory_space<semaphore_mem>>) src(%dma_wait3A_1385 : memref<1x1024x1024xf32, #tpu.memory_space<vmem>>) dst(%dma_wait3A_1381 : memref<1x1024x1024xf32, #tpu.memory_space<any>>)
    %dma_start3A_1386 = arith.constant 4 : i32
    %dma_start3A_1387 = tpu.memref_slice %arg5[%dma_start3A_1386] : memref<6x!tpu.dma_semaphore, #tpu.memory_space<semaphore_mem>> -> memref<1x!tpu.dma_semaphore, #tpu.memory_space<semaphore_mem>>
    %dma_start3A_1388 = tpu.memref_squeeze %dma_start3A_1387 : memref<1x!tpu.dma_semaphore, #tpu.memory_space<semaphore_mem>> -> memref<!tpu.dma_semaphore, #tpu.memory_space<semaphore_mem>>
    %dma_start3A_1389 = arith.constant 4 : i32
    %dma_start3A_1390 = arith.constant 0 : i32
    %dma_start3A_1391 = arith.constant 0 : i32
    %dma_start3A_1392 = tpu.memref_slice %arg4[%dma_start3A_1389, %dma_start3A_1390, %dma_start3A_1391] : memref<6x1024x1024xf32, #tpu.memory_space<vmem>> -> memref<1x512x1024xf32, #tpu.memory_space<vmem>>
    %dma_start3A_1393 = arith.constant 3 : i32
    %dma_start3A_1394 = arith.constant 7168 : i32
    %dma_start3A_1395 = arith.constant 0 : i32
    %dma_start3A_1396 = tpu.memref_slice %arg2[%dma_start3A_1393, %dma_start3A_1394, %dma_start3A_1395] : memref<4x8192x1024xf32, #tpu.memory_space<any>> -> memref<1x512x1024xf32, #tpu.memory_space<any>>
    tpu.enqueue_dma source(%dma_start3A_1396 : memref<1x512x1024xf32, #tpu.memory_space<any>>) target(%dma_start3A_1392 : memref<1x512x1024xf32, #tpu.memory_space<vmem>>) target_semaphore(%dma_start3A_1388 : memref<!tpu.dma_semaphore, #tpu.memory_space<semaphore_mem>>)
    %dma_wait3A_1397 = arith.constant 0 : i32
    %dma_wait3A_1398 = tpu.memref_slice %arg5[%dma_wait3A_1397] : memref<6x!tpu.dma_semaphore, #tpu.memory_space<semaphore_mem>> -> memref<1x!tpu.dma_semaphore, #tpu.memory_space<semaphore_mem>>
    %dma_wait3A_1399 = tpu.memref_squeeze %dma_wait3A_1398 : memref<1x!tpu.dma_semaphore, #tpu.memory_space<semaphore_mem>> -> memref<!tpu.dma_semaphore, #tpu.memory_space<semaphore_mem>>
    %dma_wait3A_1400 = arith.constant 0 : i32
    %dma_wait3A_1401 = arith.constant 0 : i32
    %dma_wait3A_1402 = arith.constant 0 : i32
    %dma_wait3A_1403 = tpu.memref_slice %arg4[%dma_wait3A_1400, %dma_wait3A_1401, %dma_wait3A_1402] : memref<6x1024x1024xf32, #tpu.memory_space<vmem>> -> memref<1x1024x1024xf32, #tpu.memory_space<vmem>>
    %dma_wait3A_1404 = arith.constant 3 : i32
    %dma_wait3A_1405 = arith.constant 3072 : i32
    %dma_wait3A_1406 = arith.constant 0 : i32
    %dma_wait3A_1407 = tpu.memref_slice %arg2[%dma_wait3A_1404, %dma_wait3A_1405, %dma_wait3A_1406] : memref<4x8192x1024xf32, #tpu.memory_space<any>> -> memref<1x1024x1024xf32, #tpu.memory_space<any>>
    tpu.wait_dma2 semaphore(%dma_wait3A_1399 : memref<!tpu.dma_semaphore, #tpu.memory_space<semaphore_mem>>) src(%dma_wait3A_1407 : memref<1x1024x1024xf32, #tpu.memory_space<any>>) dst(%dma_wait3A_1403 : memref<1x1024x1024xf32, #tpu.memory_space<vmem>>)
    %dma_start3A_1408 = arith.constant 0 : i32
    %dma_start3A_1409 = tpu.memref_slice %arg6[%dma_start3A_1408] : memref<6x!tpu.dma_semaphore, #tpu.memory_space<semaphore_mem>> -> memref<1x!tpu.dma_semaphore, #tpu.memory_space<semaphore_mem>>
    %dma_start3A_1410 = tpu.memref_squeeze %dma_start3A_1409 : memref<1x!tpu.dma_semaphore, #tpu.memory_space<semaphore_mem>> -> memref<!tpu.dma_semaphore, #tpu.memory_space<semaphore_mem>>
    %dma_start3A_1411 = arith.constant 3 : i32
    %dma_start3A_1412 = arith.constant 3088 : i32
    %dma_start3A_1413 = arith.constant 0 : i32
    %dma_start3A_1414 = tpu.memref_slice %arg3[%dma_start3A_1411, %dma_start3A_1412, %dma_start3A_1413] : memref<4x8208x1024xf32, #tpu.memory_space<any>> -> memref<1x1024x1024xf32, #tpu.memory_space<any>>
    %dma_start3A_1415 = arith.constant 0 : i32
    %dma_start3A_1416 = arith.constant 0 : i32
    %dma_start3A_1417 = arith.constant 0 : i32
    %dma_start3A_1418 = tpu.memref_slice %arg4[%dma_start3A_1415, %dma_start3A_1416, %dma_start3A_1417] : memref<6x1024x1024xf32, #tpu.memory_space<vmem>> -> memref<1x1024x1024xf32, #tpu.memory_space<vmem>>
    tpu.enqueue_dma source(%dma_start3A_1418 : memref<1x1024x1024xf32, #tpu.memory_space<vmem>>) target(%dma_start3A_1414 : memref<1x1024x1024xf32, #tpu.memory_space<any>>) target_semaphore(%dma_start3A_1410 : memref<!tpu.dma_semaphore, #tpu.memory_space<semaphore_mem>>)
    %dma_wait3A_1419 = arith.constant 5 : i32
    %dma_wait3A_1420 = tpu.memref_slice %arg6[%dma_wait3A_1419] : memref<6x!tpu.dma_semaphore, #tpu.memory_space<semaphore_mem>> -> memref<1x!tpu.dma_semaphore, #tpu.memory_space<semaphore_mem>>
    %dma_wait3A_1421 = tpu.memref_squeeze %dma_wait3A_1420 : memref<1x!tpu.dma_semaphore, #tpu.memory_space<semaphore_mem>> -> memref<!tpu.dma_semaphore, #tpu.memory_space<semaphore_mem>>
    %dma_wait3A_1422 = arith.constant 3 : i32
    %dma_wait3A_1423 = arith.constant 2064 : i32
    %dma_wait3A_1424 = arith.constant 0 : i32
    %dma_wait3A_1425 = tpu.memref_slice %arg3[%dma_wait3A_1422, %dma_wait3A_1423, %dma_wait3A_1424] : memref<4x8208x1024xf32, #tpu.memory_space<any>> -> memref<1x1024x1024xf32, #tpu.memory_space<any>>
    %dma_wait3A_1426 = arith.constant 5 : i32
    %dma_wait3A_1427 = arith.constant 0 : i32
    %dma_wait3A_1428 = arith.constant 0 : i32
    %dma_wait3A_1429 = tpu.memref_slice %arg4[%dma_wait3A_1426, %dma_wait3A_1427, %dma_wait3A_1428] : memref<6x1024x1024xf32, #tpu.memory_space<vmem>> -> memref<1x1024x1024xf32, #tpu.memory_space<vmem>>
    tpu.wait_dma2 semaphore(%dma_wait3A_1421 : memref<!tpu.dma_semaphore, #tpu.memory_space<semaphore_mem>>) src(%dma_wait3A_1429 : memref<1x1024x1024xf32, #tpu.memory_space<vmem>>) dst(%dma_wait3A_1425 : memref<1x1024x1024xf32, #tpu.memory_space<any>>)
    %dma_start3A_1430 = arith.constant 5 : i32
    %dma_start3A_1431 = tpu.memref_slice %arg5[%dma_start3A_1430] : memref<6x!tpu.dma_semaphore, #tpu.memory_space<semaphore_mem>> -> memref<1x!tpu.dma_semaphore, #tpu.memory_space<semaphore_mem>>
    %dma_start3A_1432 = tpu.memref_squeeze %dma_start3A_1431 : memref<1x!tpu.dma_semaphore, #tpu.memory_space<semaphore_mem>> -> memref<!tpu.dma_semaphore, #tpu.memory_space<semaphore_mem>>
    %dma_start3A_1433 = arith.constant 5 : i32
    %dma_start3A_1434 = arith.constant 0 : i32
    %dma_start3A_1435 = arith.constant 0 : i32
    %dma_start3A_1436 = tpu.memref_slice %arg4[%dma_start3A_1433, %dma_start3A_1434, %dma_start3A_1435] : memref<6x1024x1024xf32, #tpu.memory_space<vmem>> -> memref<1x256x1024xf32, #tpu.memory_space<vmem>>
    %dma_start3A_1437 = arith.constant 3 : i32
    %dma_start3A_1438 = arith.constant 7680 : i32
    %dma_start3A_1439 = arith.constant 0 : i32
    %dma_start3A_1440 = tpu.memref_slice %arg2[%dma_start3A_1437, %dma_start3A_1438, %dma_start3A_1439] : memref<4x8192x1024xf32, #tpu.memory_space<any>> -> memref<1x256x1024xf32, #tpu.memory_space<any>>
    tpu.enqueue_dma source(%dma_start3A_1440 : memref<1x256x1024xf32, #tpu.memory_space<any>>) target(%dma_start3A_1436 : memref<1x256x1024xf32, #tpu.memory_space<vmem>>) target_semaphore(%dma_start3A_1432 : memref<!tpu.dma_semaphore, #tpu.memory_space<semaphore_mem>>)
    %dma_wait3A_1441 = arith.constant 1 : i32
    %dma_wait3A_1442 = tpu.memref_slice %arg5[%dma_wait3A_1441] : memref<6x!tpu.dma_semaphore, #tpu.memory_space<semaphore_mem>> -> memref<1x!tpu.dma_semaphore, #tpu.memory_space<semaphore_mem>>
    %dma_wait3A_1443 = tpu.memref_squeeze %dma_wait3A_1442 : memref<1x!tpu.dma_semaphore, #tpu.memory_space<semaphore_mem>> -> memref<!tpu.dma_semaphore, #tpu.memory_space<semaphore_mem>>
    %dma_wait3A_1444 = arith.constant 1 : i32
    %dma_wait3A_1445 = arith.constant 0 : i32
    %dma_wait3A_1446 = arith.constant 0 : i32
    %dma_wait3A_1447 = tpu.memref_slice %arg4[%dma_wait3A_1444, %dma_wait3A_1445, %dma_wait3A_1446] : memref<6x1024x1024xf32, #tpu.memory_space<vmem>> -> memref<1x1024x1024xf32, #tpu.memory_space<vmem>>
    %dma_wait3A_1448 = arith.constant 3 : i32
    %dma_wait3A_1449 = arith.constant 4096 : i32
    %dma_wait3A_1450 = arith.constant 0 : i32
    %dma_wait3A_1451 = tpu.memref_slice %arg2[%dma_wait3A_1448, %dma_wait3A_1449, %dma_wait3A_1450] : memref<4x8192x1024xf32, #tpu.memory_space<any>> -> memref<1x1024x1024xf32, #tpu.memory_space<any>>
    tpu.wait_dma2 semaphore(%dma_wait3A_1443 : memref<!tpu.dma_semaphore, #tpu.memory_space<semaphore_mem>>) src(%dma_wait3A_1451 : memref<1x1024x1024xf32, #tpu.memory_space<any>>) dst(%dma_wait3A_1447 : memref<1x1024x1024xf32, #tpu.memory_space<vmem>>)
    %dma_start3A_1452 = arith.constant 1 : i32
    %dma_start3A_1453 = tpu.memref_slice %arg6[%dma_start3A_1452] : memref<6x!tpu.dma_semaphore, #tpu.memory_space<semaphore_mem>> -> memref<1x!tpu.dma_semaphore, #tpu.memory_space<semaphore_mem>>
    %dma_start3A_1454 = tpu.memref_squeeze %dma_start3A_1453 : memref<1x!tpu.dma_semaphore, #tpu.memory_space<semaphore_mem>> -> memref<!tpu.dma_semaphore, #tpu.memory_space<semaphore_mem>>
    %dma_start3A_1455 = arith.constant 3 : i32
    %dma_start3A_1456 = arith.constant 4112 : i32
    %dma_start3A_1457 = arith.constant 0 : i32
    %dma_start3A_1458 = tpu.memref_slice %arg3[%dma_start3A_1455, %dma_start3A_1456, %dma_start3A_1457] : memref<4x8208x1024xf32, #tpu.memory_space<any>> -> memref<1x1024x1024xf32, #tpu.memory_space<any>>
    %dma_start3A_1459 = arith.constant 1 : i32
    %dma_start3A_1460 = arith.constant 0 : i32
    %dma_start3A_1461 = arith.constant 0 : i32
    %dma_start3A_1462 = tpu.memref_slice %arg4[%dma_start3A_1459, %dma_start3A_1460, %dma_start3A_1461] : memref<6x1024x1024xf32, #tpu.memory_space<vmem>> -> memref<1x1024x1024xf32, #tpu.memory_space<vmem>>
    tpu.enqueue_dma source(%dma_start3A_1462 : memref<1x1024x1024xf32, #tpu.memory_space<vmem>>) target(%dma_start3A_1458 : memref<1x1024x1024xf32, #tpu.memory_space<any>>) target_semaphore(%dma_start3A_1454 : memref<!tpu.dma_semaphore, #tpu.memory_space<semaphore_mem>>)
    %dma_wait3A_1463 = arith.constant 0 : i32
    %dma_wait3A_1464 = tpu.memref_slice %arg6[%dma_wait3A_1463] : memref<6x!tpu.dma_semaphore, #tpu.memory_space<semaphore_mem>> -> memref<1x!tpu.dma_semaphore, #tpu.memory_space<semaphore_mem>>
    %dma_wait3A_1465 = tpu.memref_squeeze %dma_wait3A_1464 : memref<1x!tpu.dma_semaphore, #tpu.memory_space<semaphore_mem>> -> memref<!tpu.dma_semaphore, #tpu.memory_space<semaphore_mem>>
    %dma_wait3A_1466 = arith.constant 3 : i32
    %dma_wait3A_1467 = arith.constant 3088 : i32
    %dma_wait3A_1468 = arith.constant 0 : i32
    %dma_wait3A_1469 = tpu.memref_slice %arg3[%dma_wait3A_1466, %dma_wait3A_1467, %dma_wait3A_1468] : memref<4x8208x1024xf32, #tpu.memory_space<any>> -> memref<1x1024x1024xf32, #tpu.memory_space<any>>
    %dma_wait3A_1470 = arith.constant 0 : i32
    %dma_wait3A_1471 = arith.constant 0 : i32
    %dma_wait3A_1472 = arith.constant 0 : i32
    %dma_wait3A_1473 = tpu.memref_slice %arg4[%dma_wait3A_1470, %dma_wait3A_1471, %dma_wait3A_1472] : memref<6x1024x1024xf32, #tpu.memory_space<vmem>> -> memref<1x1024x1024xf32, #tpu.memory_space<vmem>>
    tpu.wait_dma2 semaphore(%dma_wait3A_1465 : memref<!tpu.dma_semaphore, #tpu.memory_space<semaphore_mem>>) src(%dma_wait3A_1473 : memref<1x1024x1024xf32, #tpu.memory_space<vmem>>) dst(%dma_wait3A_1469 : memref<1x1024x1024xf32, #tpu.memory_space<any>>)
    %dma_start3A_1474 = arith.constant 0 : i32
    %dma_start3A_1475 = tpu.memref_slice %arg5[%dma_start3A_1474] : memref<6x!tpu.dma_semaphore, #tpu.memory_space<semaphore_mem>> -> memref<1x!tpu.dma_semaphore, #tpu.memory_space<semaphore_mem>>
    %dma_start3A_1476 = tpu.memref_squeeze %dma_start3A_1475 : memref<1x!tpu.dma_semaphore, #tpu.memory_space<semaphore_mem>> -> memref<!tpu.dma_semaphore, #tpu.memory_space<semaphore_mem>>
    %dma_start3A_1477 = arith.constant 0 : i32
    %dma_start3A_1478 = arith.constant 0 : i32
    %dma_start3A_1479 = arith.constant 0 : i32
    %dma_start3A_1480 = tpu.memref_slice %arg4[%dma_start3A_1477, %dma_start3A_1478, %dma_start3A_1479] : memref<6x1024x1024xf32, #tpu.memory_space<vmem>> -> memref<1x128x1024xf32, #tpu.memory_space<vmem>>
    %dma_start3A_1481 = arith.constant 3 : i32
    %dma_start3A_1482 = arith.constant 7936 : i32
    %dma_start3A_1483 = arith.constant 0 : i32
    %dma_start3A_1484 = tpu.memref_slice %arg2[%dma_start3A_1481, %dma_start3A_1482, %dma_start3A_1483] : memref<4x8192x1024xf32, #tpu.memory_space<any>> -> memref<1x128x1024xf32, #tpu.memory_space<any>>
    tpu.enqueue_dma source(%dma_start3A_1484 : memref<1x128x1024xf32, #tpu.memory_space<any>>) target(%dma_start3A_1480 : memref<1x128x1024xf32, #tpu.memory_space<vmem>>) target_semaphore(%dma_start3A_1476 : memref<!tpu.dma_semaphore, #tpu.memory_space<semaphore_mem>>)
    %dma_wait3A_1485 = arith.constant 2 : i32
    %dma_wait3A_1486 = tpu.memref_slice %arg5[%dma_wait3A_1485] : memref<6x!tpu.dma_semaphore, #tpu.memory_space<semaphore_mem>> -> memref<1x!tpu.dma_semaphore, #tpu.memory_space<semaphore_mem>>
    %dma_wait3A_1487 = tpu.memref_squeeze %dma_wait3A_1486 : memref<1x!tpu.dma_semaphore, #tpu.memory_space<semaphore_mem>> -> memref<!tpu.dma_semaphore, #tpu.memory_space<semaphore_mem>>
    %dma_wait3A_1488 = arith.constant 2 : i32
    %dma_wait3A_1489 = arith.constant 0 : i32
    %dma_wait3A_1490 = arith.constant 0 : i32
    %dma_wait3A_1491 = tpu.memref_slice %arg4[%dma_wait3A_1488, %dma_wait3A_1489, %dma_wait3A_1490] : memref<6x1024x1024xf32, #tpu.memory_space<vmem>> -> memref<1x1024x1024xf32, #tpu.memory_space<vmem>>
    %dma_wait3A_1492 = arith.constant 3 : i32
    %dma_wait3A_1493 = arith.constant 5120 : i32
    %dma_wait3A_1494 = arith.constant 0 : i32
    %dma_wait3A_1495 = tpu.memref_slice %arg2[%dma_wait3A_1492, %dma_wait3A_1493, %dma_wait3A_1494] : memref<4x8192x1024xf32, #tpu.memory_space<any>> -> memref<1x1024x1024xf32, #tpu.memory_space<any>>
    tpu.wait_dma2 semaphore(%dma_wait3A_1487 : memref<!tpu.dma_semaphore, #tpu.memory_space<semaphore_mem>>) src(%dma_wait3A_1495 : memref<1x1024x1024xf32, #tpu.memory_space<any>>) dst(%dma_wait3A_1491 : memref<1x1024x1024xf32, #tpu.memory_space<vmem>>)
    %dma_start3A_1496 = arith.constant 2 : i32
    %dma_start3A_1497 = tpu.memref_slice %arg6[%dma_start3A_1496] : memref<6x!tpu.dma_semaphore, #tpu.memory_space<semaphore_mem>> -> memref<1x!tpu.dma_semaphore, #tpu.memory_space<semaphore_mem>>
    %dma_start3A_1498 = tpu.memref_squeeze %dma_start3A_1497 : memref<1x!tpu.dma_semaphore, #tpu.memory_space<semaphore_mem>> -> memref<!tpu.dma_semaphore, #tpu.memory_space<semaphore_mem>>
    %dma_start3A_1499 = arith.constant 3 : i32
    %dma_start3A_1500 = arith.constant 5136 : i32
    %dma_start3A_1501 = arith.constant 0 : i32
    %dma_start3A_1502 = tpu.memref_slice %arg3[%dma_start3A_1499, %dma_start3A_1500, %dma_start3A_1501] : memref<4x8208x1024xf32, #tpu.memory_space<any>> -> memref<1x1024x1024xf32, #tpu.memory_space<any>>
    %dma_start3A_1503 = arith.constant 2 : i32
    %dma_start3A_1504 = arith.constant 0 : i32
    %dma_start3A_1505 = arith.constant 0 : i32
    %dma_start3A_1506 = tpu.memref_slice %arg4[%dma_start3A_1503, %dma_start3A_1504, %dma_start3A_1505] : memref<6x1024x1024xf32, #tpu.memory_space<vmem>> -> memref<1x1024x1024xf32, #tpu.memory_space<vmem>>
    tpu.enqueue_dma source(%dma_start3A_1506 : memref<1x1024x1024xf32, #tpu.memory_space<vmem>>) target(%dma_start3A_1502 : memref<1x1024x1024xf32, #tpu.memory_space<any>>) target_semaphore(%dma_start3A_1498 : memref<!tpu.dma_semaphore, #tpu.memory_space<semaphore_mem>>)
    %dma_wait3A_1507 = arith.constant 1 : i32
    %dma_wait3A_1508 = tpu.memref_slice %arg6[%dma_wait3A_1507] : memref<6x!tpu.dma_semaphore, #tpu.memory_space<semaphore_mem>> -> memref<1x!tpu.dma_semaphore, #tpu.memory_space<semaphore_mem>>
    %dma_wait3A_1509 = tpu.memref_squeeze %dma_wait3A_1508 : memref<1x!tpu.dma_semaphore, #tpu.memory_space<semaphore_mem>> -> memref<!tpu.dma_semaphore, #tpu.memory_space<semaphore_mem>>
    %dma_wait3A_1510 = arith.constant 3 : i32
    %dma_wait3A_1511 = arith.constant 4112 : i32
    %dma_wait3A_1512 = arith.constant 0 : i32
    %dma_wait3A_1513 = tpu.memref_slice %arg3[%dma_wait3A_1510, %dma_wait3A_1511, %dma_wait3A_1512] : memref<4x8208x1024xf32, #tpu.memory_space<any>> -> memref<1x1024x1024xf32, #tpu.memory_space<any>>
    %dma_wait3A_1514 = arith.constant 1 : i32
    %dma_wait3A_1515 = arith.constant 0 : i32
    %dma_wait3A_1516 = arith.constant 0 : i32
    %dma_wait3A_1517 = tpu.memref_slice %arg4[%dma_wait3A_1514, %dma_wait3A_1515, %dma_wait3A_1516] : memref<6x1024x1024xf32, #tpu.memory_space<vmem>> -> memref<1x1024x1024xf32, #tpu.memory_space<vmem>>
    tpu.wait_dma2 semaphore(%dma_wait3A_1509 : memref<!tpu.dma_semaphore, #tpu.memory_space<semaphore_mem>>) src(%dma_wait3A_1517 : memref<1x1024x1024xf32, #tpu.memory_space<vmem>>) dst(%dma_wait3A_1513 : memref<1x1024x1024xf32, #tpu.memory_space<any>>)
    %dma_start3A_1518 = arith.constant 1 : i32
    %dma_start3A_1519 = tpu.memref_slice %arg5[%dma_start3A_1518] : memref<6x!tpu.dma_semaphore, #tpu.memory_space<semaphore_mem>> -> memref<1x!tpu.dma_semaphore, #tpu.memory_space<semaphore_mem>>
    %dma_start3A_1520 = tpu.memref_squeeze %dma_start3A_1519 : memref<1x!tpu.dma_semaphore, #tpu.memory_space<semaphore_mem>> -> memref<!tpu.dma_semaphore, #tpu.memory_space<semaphore_mem>>
    %dma_start3A_1521 = arith.constant 1 : i32
    %dma_start3A_1522 = arith.constant 0 : i32
    %dma_start3A_1523 = arith.constant 0 : i32
    %dma_start3A_1524 = tpu.memref_slice %arg4[%dma_start3A_1521, %dma_start3A_1522, %dma_start3A_1523] : memref<6x1024x1024xf32, #tpu.memory_space<vmem>> -> memref<1x128x1024xf32, #tpu.memory_space<vmem>>
    %dma_start3A_1525 = arith.constant 3 : i32
    %dma_start3A_1526 = arith.constant 8064 : i32
    %dma_start3A_1527 = arith.constant 0 : i32
    %dma_start3A_1528 = tpu.memref_slice %arg2[%dma_start3A_1525, %dma_start3A_1526, %dma_start3A_1527] : memref<4x8192x1024xf32, #tpu.memory_space<any>> -> memref<1x128x1024xf32, #tpu.memory_space<any>>
    tpu.enqueue_dma source(%dma_start3A_1528 : memref<1x128x1024xf32, #tpu.memory_space<any>>) target(%dma_start3A_1524 : memref<1x128x1024xf32, #tpu.memory_space<vmem>>) target_semaphore(%dma_start3A_1520 : memref<!tpu.dma_semaphore, #tpu.memory_space<semaphore_mem>>)
    %dma_wait3A_1529 = arith.constant 3 : i32
    %dma_wait3A_1530 = tpu.memref_slice %arg5[%dma_wait3A_1529] : memref<6x!tpu.dma_semaphore, #tpu.memory_space<semaphore_mem>> -> memref<1x!tpu.dma_semaphore, #tpu.memory_space<semaphore_mem>>
    %dma_wait3A_1531 = tpu.memref_squeeze %dma_wait3A_1530 : memref<1x!tpu.dma_semaphore, #tpu.memory_space<semaphore_mem>> -> memref<!tpu.dma_semaphore, #tpu.memory_space<semaphore_mem>>
    %dma_wait3A_1532 = arith.constant 3 : i32
    %dma_wait3A_1533 = arith.constant 0 : i32
    %dma_wait3A_1534 = arith.constant 0 : i32
    %dma_wait3A_1535 = tpu.memref_slice %arg4[%dma_wait3A_1532, %dma_wait3A_1533, %dma_wait3A_1534] : memref<6x1024x1024xf32, #tpu.memory_space<vmem>> -> memref<1x1024x1024xf32, #tpu.memory_space<vmem>>
    %dma_wait3A_1536 = arith.constant 3 : i32
    %dma_wait3A_1537 = arith.constant 6144 : i32
    %dma_wait3A_1538 = arith.constant 0 : i32
    %dma_wait3A_1539 = tpu.memref_slice %arg2[%dma_wait3A_1536, %dma_wait3A_1537, %dma_wait3A_1538] : memref<4x8192x1024xf32, #tpu.memory_space<any>> -> memref<1x1024x1024xf32, #tpu.memory_space<any>>
    tpu.wait_dma2 semaphore(%dma_wait3A_1531 : memref<!tpu.dma_semaphore, #tpu.memory_space<semaphore_mem>>) src(%dma_wait3A_1539 : memref<1x1024x1024xf32, #tpu.memory_space<any>>) dst(%dma_wait3A_1535 : memref<1x1024x1024xf32, #tpu.memory_space<vmem>>)
    %dma_start3A_1540 = arith.constant 3 : i32
    %dma_start3A_1541 = tpu.memref_slice %arg6[%dma_start3A_1540] : memref<6x!tpu.dma_semaphore, #tpu.memory_space<semaphore_mem>> -> memref<1x!tpu.dma_semaphore, #tpu.memory_space<semaphore_mem>>
    %dma_start3A_1542 = tpu.memref_squeeze %dma_start3A_1541 : memref<1x!tpu.dma_semaphore, #tpu.memory_space<semaphore_mem>> -> memref<!tpu.dma_semaphore, #tpu.memory_space<semaphore_mem>>
    %dma_start3A_1543 = arith.constant 3 : i32
    %dma_start3A_1544 = arith.constant 6160 : i32
    %dma_start3A_1545 = arith.constant 0 : i32
    %dma_start3A_1546 = tpu.memref_slice %arg3[%dma_start3A_1543, %dma_start3A_1544, %dma_start3A_1545] : memref<4x8208x1024xf32, #tpu.memory_space<any>> -> memref<1x1024x1024xf32, #tpu.memory_space<any>>
    %dma_start3A_1547 = arith.constant 3 : i32
    %dma_start3A_1548 = arith.constant 0 : i32
    %dma_start3A_1549 = arith.constant 0 : i32
    %dma_start3A_1550 = tpu.memref_slice %arg4[%dma_start3A_1547, %dma_start3A_1548, %dma_start3A_1549] : memref<6x1024x1024xf32, #tpu.memory_space<vmem>> -> memref<1x1024x1024xf32, #tpu.memory_space<vmem>>
    tpu.enqueue_dma source(%dma_start3A_1550 : memref<1x1024x1024xf32, #tpu.memory_space<vmem>>) target(%dma_start3A_1546 : memref<1x1024x1024xf32, #tpu.memory_space<any>>) target_semaphore(%dma_start3A_1542 : memref<!tpu.dma_semaphore, #tpu.memory_space<semaphore_mem>>)
    %dma_wait3A_1551 = arith.constant 4 : i32
    %dma_wait3A_1552 = tpu.memref_slice %arg5[%dma_wait3A_1551] : memref<6x!tpu.dma_semaphore, #tpu.memory_space<semaphore_mem>> -> memref<1x!tpu.dma_semaphore, #tpu.memory_space<semaphore_mem>>
    %dma_wait3A_1553 = tpu.memref_squeeze %dma_wait3A_1552 : memref<1x!tpu.dma_semaphore, #tpu.memory_space<semaphore_mem>> -> memref<!tpu.dma_semaphore, #tpu.memory_space<semaphore_mem>>
    %dma_wait3A_1554 = arith.constant 4 : i32
    %dma_wait3A_1555 = arith.constant 0 : i32
    %dma_wait3A_1556 = arith.constant 0 : i32
    %dma_wait3A_1557 = tpu.memref_slice %arg4[%dma_wait3A_1554, %dma_wait3A_1555, %dma_wait3A_1556] : memref<6x1024x1024xf32, #tpu.memory_space<vmem>> -> memref<1x512x1024xf32, #tpu.memory_space<vmem>>
    %dma_wait3A_1558 = arith.constant 3 : i32
    %dma_wait3A_1559 = arith.constant 7168 : i32
    %dma_wait3A_1560 = arith.constant 0 : i32
    %dma_wait3A_1561 = tpu.memref_slice %arg2[%dma_wait3A_1558, %dma_wait3A_1559, %dma_wait3A_1560] : memref<4x8192x1024xf32, #tpu.memory_space<any>> -> memref<1x512x1024xf32, #tpu.memory_space<any>>
    tpu.wait_dma2 semaphore(%dma_wait3A_1553 : memref<!tpu.dma_semaphore, #tpu.memory_space<semaphore_mem>>) src(%dma_wait3A_1561 : memref<1x512x1024xf32, #tpu.memory_space<any>>) dst(%dma_wait3A_1557 : memref<1x512x1024xf32, #tpu.memory_space<vmem>>)
    %dma_start3A_1562 = arith.constant 4 : i32
    %dma_start3A_1563 = tpu.memref_slice %arg6[%dma_start3A_1562] : memref<6x!tpu.dma_semaphore, #tpu.memory_space<semaphore_mem>> -> memref<1x!tpu.dma_semaphore, #tpu.memory_space<semaphore_mem>>
    %dma_start3A_1564 = tpu.memref_squeeze %dma_start3A_1563 : memref<1x!tpu.dma_semaphore, #tpu.memory_space<semaphore_mem>> -> memref<!tpu.dma_semaphore, #tpu.memory_space<semaphore_mem>>
    %dma_start3A_1565 = arith.constant 3 : i32
    %dma_start3A_1566 = arith.constant 7184 : i32
    %dma_start3A_1567 = arith.constant 0 : i32
    %dma_start3A_1568 = tpu.memref_slice %arg3[%dma_start3A_1565, %dma_start3A_1566, %dma_start3A_1567] : memref<4x8208x1024xf32, #tpu.memory_space<any>> -> memref<1x512x1024xf32, #tpu.memory_space<any>>
    %dma_start3A_1569 = arith.constant 4 : i32
    %dma_start3A_1570 = arith.constant 0 : i32
    %dma_start3A_1571 = arith.constant 0 : i32
    %dma_start3A_1572 = tpu.memref_slice %arg4[%dma_start3A_1569, %dma_start3A_1570, %dma_start3A_1571] : memref<6x1024x1024xf32, #tpu.memory_space<vmem>> -> memref<1x512x1024xf32, #tpu.memory_space<vmem>>
    tpu.enqueue_dma source(%dma_start3A_1572 : memref<1x512x1024xf32, #tpu.memory_space<vmem>>) target(%dma_start3A_1568 : memref<1x512x1024xf32, #tpu.memory_space<any>>) target_semaphore(%dma_start3A_1564 : memref<!tpu.dma_semaphore, #tpu.memory_space<semaphore_mem>>)
    %dma_wait3A_1573 = arith.constant 5 : i32
    %dma_wait3A_1574 = tpu.memref_slice %arg5[%dma_wait3A_1573] : memref<6x!tpu.dma_semaphore, #tpu.memory_space<semaphore_mem>> -> memref<1x!tpu.dma_semaphore, #tpu.memory_space<semaphore_mem>>
    %dma_wait3A_1575 = tpu.memref_squeeze %dma_wait3A_1574 : memref<1x!tpu.dma_semaphore, #tpu.memory_space<semaphore_mem>> -> memref<!tpu.dma_semaphore, #tpu.memory_space<semaphore_mem>>
    %dma_wait3A_1576 = arith.constant 5 : i32
    %dma_wait3A_1577 = arith.constant 0 : i32
    %dma_wait3A_1578 = arith.constant 0 : i32
    %dma_wait3A_1579 = tpu.memref_slice %arg4[%dma_wait3A_1576, %dma_wait3A_1577, %dma_wait3A_1578] : memref<6x1024x1024xf32, #tpu.memory_space<vmem>> -> memref<1x256x1024xf32, #tpu.memory_space<vmem>>
    %dma_wait3A_1580 = arith.constant 3 : i32
    %dma_wait3A_1581 = arith.constant 7680 : i32
    %dma_wait3A_1582 = arith.constant 0 : i32
    %dma_wait3A_1583 = tpu.memref_slice %arg2[%dma_wait3A_1580, %dma_wait3A_1581, %dma_wait3A_1582] : memref<4x8192x1024xf32, #tpu.memory_space<any>> -> memref<1x256x1024xf32, #tpu.memory_space<any>>
    tpu.wait_dma2 semaphore(%dma_wait3A_1575 : memref<!tpu.dma_semaphore, #tpu.memory_space<semaphore_mem>>) src(%dma_wait3A_1583 : memref<1x256x1024xf32, #tpu.memory_space<any>>) dst(%dma_wait3A_1579 : memref<1x256x1024xf32, #tpu.memory_space<vmem>>)
    %dma_start3A_1584 = arith.constant 5 : i32
    %dma_start3A_1585 = tpu.memref_slice %arg6[%dma_start3A_1584] : memref<6x!tpu.dma_semaphore, #tpu.memory_space<semaphore_mem>> -> memref<1x!tpu.dma_semaphore, #tpu.memory_space<semaphore_mem>>
    %dma_start3A_1586 = tpu.memref_squeeze %dma_start3A_1585 : memref<1x!tpu.dma_semaphore, #tpu.memory_space<semaphore_mem>> -> memref<!tpu.dma_semaphore, #tpu.memory_space<semaphore_mem>>
    %dma_start3A_1587 = arith.constant 3 : i32
    %dma_start3A_1588 = arith.constant 7696 : i32
    %dma_start3A_1589 = arith.constant 0 : i32
    %dma_start3A_1590 = tpu.memref_slice %arg3[%dma_start3A_1587, %dma_start3A_1588, %dma_start3A_1589] : memref<4x8208x1024xf32, #tpu.memory_space<any>> -> memref<1x256x1024xf32, #tpu.memory_space<any>>
    %dma_start3A_1591 = arith.constant 5 : i32
    %dma_start3A_1592 = arith.constant 0 : i32
    %dma_start3A_1593 = arith.constant 0 : i32
    %dma_start3A_1594 = tpu.memref_slice %arg4[%dma_start3A_1591, %dma_start3A_1592, %dma_start3A_1593] : memref<6x1024x1024xf32, #tpu.memory_space<vmem>> -> memref<1x256x1024xf32, #tpu.memory_space<vmem>>
    tpu.enqueue_dma source(%dma_start3A_1594 : memref<1x256x1024xf32, #tpu.memory_space<vmem>>) target(%dma_start3A_1590 : memref<1x256x1024xf32, #tpu.memory_space<any>>) target_semaphore(%dma_start3A_1586 : memref<!tpu.dma_semaphore, #tpu.memory_space<semaphore_mem>>)
    %dma_wait3A_1595 = arith.constant 0 : i32
    %dma_wait3A_1596 = tpu.memref_slice %arg5[%dma_wait3A_1595] : memref<6x!tpu.dma_semaphore, #tpu.memory_space<semaphore_mem>> -> memref<1x!tpu.dma_semaphore, #tpu.memory_space<semaphore_mem>>
    %dma_wait3A_1597 = tpu.memref_squeeze %dma_wait3A_1596 : memref<1x!tpu.dma_semaphore, #tpu.memory_space<semaphore_mem>> -> memref<!tpu.dma_semaphore, #tpu.memory_space<semaphore_mem>>
    %dma_wait3A_1598 = arith.constant 0 : i32
    %dma_wait3A_1599 = arith.constant 0 : i32
    %dma_wait3A_1600 = arith.constant 0 : i32
    %dma_wait3A_1601 = tpu.memref_slice %arg4[%dma_wait3A_1598, %dma_wait3A_1599, %dma_wait3A_1600] : memref<6x1024x1024xf32, #tpu.memory_space<vmem>> -> memref<1x128x1024xf32, #tpu.memory_space<vmem>>
    %dma_wait3A_1602 = arith.constant 3 : i32
    %dma_wait3A_1603 = arith.constant 7936 : i32
    %dma_wait3A_1604 = arith.constant 0 : i32
    %dma_wait3A_1605 = tpu.memref_slice %arg2[%dma_wait3A_1602, %dma_wait3A_1603, %dma_wait3A_1604] : memref<4x8192x1024xf32, #tpu.memory_space<any>> -> memref<1x128x1024xf32, #tpu.memory_space<any>>
    tpu.wait_dma2 semaphore(%dma_wait3A_1597 : memref<!tpu.dma_semaphore, #tpu.memory_space<semaphore_mem>>) src(%dma_wait3A_1605 : memref<1x128x1024xf32, #tpu.memory_space<any>>) dst(%dma_wait3A_1601 : memref<1x128x1024xf32, #tpu.memory_space<vmem>>)
    %dma_start3A_1606 = arith.constant 0 : i32
    %dma_start3A_1607 = tpu.memref_slice %arg6[%dma_start3A_1606] : memref<6x!tpu.dma_semaphore, #tpu.memory_space<semaphore_mem>> -> memref<1x!tpu.dma_semaphore, #tpu.memory_space<semaphore_mem>>
    %dma_start3A_1608 = tpu.memref_squeeze %dma_start3A_1607 : memref<1x!tpu.dma_semaphore, #tpu.memory_space<semaphore_mem>> -> memref<!tpu.dma_semaphore, #tpu.memory_space<semaphore_mem>>
    %dma_start3A_1609 = arith.constant 3 : i32
    %dma_start3A_1610 = arith.constant 7952 : i32
    %dma_start3A_1611 = arith.constant 0 : i32
    %dma_start3A_1612 = tpu.memref_slice %arg3[%dma_start3A_1609, %dma_start3A_1610, %dma_start3A_1611] : memref<4x8208x1024xf32, #tpu.memory_space<any>> -> memref<1x128x1024xf32, #tpu.memory_space<any>>
    %dma_start3A_1613 = arith.constant 0 : i32
    %dma_start3A_1614 = arith.constant 0 : i32
    %dma_start3A_1615 = arith.constant 0 : i32
    %dma_start3A_1616 = tpu.memref_slice %arg4[%dma_start3A_1613, %dma_start3A_1614, %dma_start3A_1615] : memref<6x1024x1024xf32, #tpu.memory_space<vmem>> -> memref<1x128x1024xf32, #tpu.memory_space<vmem>>
    tpu.enqueue_dma source(%dma_start3A_1616 : memref<1x128x1024xf32, #tpu.memory_space<vmem>>) target(%dma_start3A_1612 : memref<1x128x1024xf32, #tpu.memory_space<any>>) target_semaphore(%dma_start3A_1608 : memref<!tpu.dma_semaphore, #tpu.memory_space<semaphore_mem>>)
    %dma_wait3A_1617 = arith.constant 1 : i32
    %dma_wait3A_1618 = tpu.memref_slice %arg5[%dma_wait3A_1617] : memref<6x!tpu.dma_semaphore, #tpu.memory_space<semaphore_mem>> -> memref<1x!tpu.dma_semaphore, #tpu.memory_space<semaphore_mem>>
    %dma_wait3A_1619 = tpu.memref_squeeze %dma_wait3A_1618 : memref<1x!tpu.dma_semaphore, #tpu.memory_space<semaphore_mem>> -> memref<!tpu.dma_semaphore, #tpu.memory_space<semaphore_mem>>
    %dma_wait3A_1620 = arith.constant 1 : i32
    %dma_wait3A_1621 = arith.constant 0 : i32
    %dma_wait3A_1622 = arith.constant 0 : i32
    %dma_wait3A_1623 = tpu.memref_slice %arg4[%dma_wait3A_1620, %dma_wait3A_1621, %dma_wait3A_1622] : memref<6x1024x1024xf32, #tpu.memory_space<vmem>> -> memref<1x128x1024xf32, #tpu.memory_space<vmem>>
    %dma_wait3A_1624 = arith.constant 3 : i32
    %dma_wait3A_1625 = arith.constant 8064 : i32
    %dma_wait3A_1626 = arith.constant 0 : i32
    %dma_wait3A_1627 = tpu.memref_slice %arg2[%dma_wait3A_1624, %dma_wait3A_1625, %dma_wait3A_1626] : memref<4x8192x1024xf32, #tpu.memory_space<any>> -> memref<1x128x1024xf32, #tpu.memory_space<any>>
    tpu.wait_dma2 semaphore(%dma_wait3A_1619 : memref<!tpu.dma_semaphore, #tpu.memory_space<semaphore_mem>>) src(%dma_wait3A_1627 : memref<1x128x1024xf32, #tpu.memory_space<any>>) dst(%dma_wait3A_1623 : memref<1x128x1024xf32, #tpu.memory_space<vmem>>)
    %dma_start3A_1628 = arith.constant 1 : i32
    %dma_start3A_1629 = tpu.memref_slice %arg6[%dma_start3A_1628] : memref<6x!tpu.dma_semaphore, #tpu.memory_space<semaphore_mem>> -> memref<1x!tpu.dma_semaphore, #tpu.memory_space<semaphore_mem>>
    %dma_start3A_1630 = tpu.memref_squeeze %dma_start3A_1629 : memref<1x!tpu.dma_semaphore, #tpu.memory_space<semaphore_mem>> -> memref<!tpu.dma_semaphore, #tpu.memory_space<semaphore_mem>>
    %dma_start3A_1631 = arith.constant 3 : i32
    %dma_start3A_1632 = arith.constant 8080 : i32
    %dma_start3A_1633 = arith.constant 0 : i32
    %dma_start3A_1634 = tpu.memref_slice %arg3[%dma_start3A_1631, %dma_start3A_1632, %dma_start3A_1633] : memref<4x8208x1024xf32, #tpu.memory_space<any>> -> memref<1x128x1024xf32, #tpu.memory_space<any>>
    %dma_start3A_1635 = arith.constant 1 : i32
    %dma_start3A_1636 = arith.constant 0 : i32
    %dma_start3A_1637 = arith.constant 0 : i32
    %dma_start3A_1638 = tpu.memref_slice %arg4[%dma_start3A_1635, %dma_start3A_1636, %dma_start3A_1637] : memref<6x1024x1024xf32, #tpu.memory_space<vmem>> -> memref<1x128x1024xf32, #tpu.memory_space<vmem>>
    tpu.enqueue_dma source(%dma_start3A_1638 : memref<1x128x1024xf32, #tpu.memory_space<vmem>>) target(%dma_start3A_1634 : memref<1x128x1024xf32, #tpu.memory_space<any>>) target_semaphore(%dma_start3A_1630 : memref<!tpu.dma_semaphore, #tpu.memory_space<semaphore_mem>>)
    %dma_wait3A_1639 = arith.constant 2 : i32
    %dma_wait3A_1640 = tpu.memref_slice %arg6[%dma_wait3A_1639] : memref<6x!tpu.dma_semaphore, #tpu.memory_space<semaphore_mem>> -> memref<1x!tpu.dma_semaphore, #tpu.memory_space<semaphore_mem>>
    %dma_wait3A_1641 = tpu.memref_squeeze %dma_wait3A_1640 : memref<1x!tpu.dma_semaphore, #tpu.memory_space<semaphore_mem>> -> memref<!tpu.dma_semaphore, #tpu.memory_space<semaphore_mem>>
    %dma_wait3A_1642 = arith.constant 3 : i32
    %dma_wait3A_1643 = arith.constant 5136 : i32
    %dma_wait3A_1644 = arith.constant 0 : i32
    %dma_wait3A_1645 = tpu.memref_slice %arg3[%dma_wait3A_1642, %dma_wait3A_1643, %dma_wait3A_1644] : memref<4x8208x1024xf32, #tpu.memory_space<any>> -> memref<1x1024x1024xf32, #tpu.memory_space<any>>
    %dma_wait3A_1646 = arith.constant 2 : i32
    %dma_wait3A_1647 = arith.constant 0 : i32
    %dma_wait3A_1648 = arith.constant 0 : i32
    %dma_wait3A_1649 = tpu.memref_slice %arg4[%dma_wait3A_1646, %dma_wait3A_1647, %dma_wait3A_1648] : memref<6x1024x1024xf32, #tpu.memory_space<vmem>> -> memref<1x1024x1024xf32, #tpu.memory_space<vmem>>
    tpu.wait_dma2 semaphore(%dma_wait3A_1641 : memref<!tpu.dma_semaphore, #tpu.memory_space<semaphore_mem>>) src(%dma_wait3A_1649 : memref<1x1024x1024xf32, #tpu.memory_space<vmem>>) dst(%dma_wait3A_1645 : memref<1x1024x1024xf32, #tpu.memory_space<any>>)
    %dma_wait3A_1650 = arith.constant 3 : i32
    %dma_wait3A_1651 = tpu.memref_slice %arg6[%dma_wait3A_1650] : memref<6x!tpu.dma_semaphore, #tpu.memory_space<semaphore_mem>> -> memref<1x!tpu.dma_semaphore, #tpu.memory_space<semaphore_mem>>
    %dma_wait3A_1652 = tpu.memref_squeeze %dma_wait3A_1651 : memref<1x!tpu.dma_semaphore, #tpu.memory_space<semaphore_mem>> -> memref<!tpu.dma_semaphore, #tpu.memory_space<semaphore_mem>>
    %dma_wait3A_1653 = arith.constant 3 : i32
    %dma_wait3A_1654 = arith.constant 6160 : i32
    %dma_wait3A_1655 = arith.constant 0 : i32
    %dma_wait3A_1656 = tpu.memref_slice %arg3[%dma_wait3A_1653, %dma_wait3A_1654, %dma_wait3A_1655] : memref<4x8208x1024xf32, #tpu.memory_space<any>> -> memref<1x1024x1024xf32, #tpu.memory_space<any>>
    %dma_wait3A_1657 = arith.constant 3 : i32
    %dma_wait3A_1658 = arith.constant 0 : i32
    %dma_wait3A_1659 = arith.constant 0 : i32
    %dma_wait3A_1660 = tpu.memref_slice %arg4[%dma_wait3A_1657, %dma_wait3A_1658, %dma_wait3A_1659] : memref<6x1024x1024xf32, #tpu.memory_space<vmem>> -> memref<1x1024x1024xf32, #tpu.memory_space<vmem>>
    tpu.wait_dma2 semaphore(%dma_wait3A_1652 : memref<!tpu.dma_semaphore, #tpu.memory_space<semaphore_mem>>) src(%dma_wait3A_1660 : memref<1x1024x1024xf32, #tpu.memory_space<vmem>>) dst(%dma_wait3A_1656 : memref<1x1024x1024xf32, #tpu.memory_space<any>>)
    %dma_wait3A_1661 = arith.constant 4 : i32
    %dma_wait3A_1662 = tpu.memref_slice %arg6[%dma_wait3A_1661] : memref<6x!tpu.dma_semaphore, #tpu.memory_space<semaphore_mem>> -> memref<1x!tpu.dma_semaphore, #tpu.memory_space<semaphore_mem>>
    %dma_wait3A_1663 = tpu.memref_squeeze %dma_wait3A_1662 : memref<1x!tpu.dma_semaphore, #tpu.memory_space<semaphore_mem>> -> memref<!tpu.dma_semaphore, #tpu.memory_space<semaphore_mem>>
    %dma_wait3A_1664 = arith.constant 3 : i32
    %dma_wait3A_1665 = arith.constant 7184 : i32
    %dma_wait3A_1666 = arith.constant 0 : i32
    %dma_wait3A_1667 = tpu.memref_slice %arg3[%dma_wait3A_1664, %dma_wait3A_1665, %dma_wait3A_1666] : memref<4x8208x1024xf32, #tpu.memory_space<any>> -> memref<1x512x1024xf32, #tpu.memory_space<any>>
    %dma_wait3A_1668 = arith.constant 4 : i32
    %dma_wait3A_1669 = arith.constant 0 : i32
    %dma_wait3A_1670 = arith.constant 0 : i32
    %dma_wait3A_1671 = tpu.memref_slice %arg4[%dma_wait3A_1668, %dma_wait3A_1669, %dma_wait3A_1670] : memref<6x1024x1024xf32, #tpu.memory_space<vmem>> -> memref<1x512x1024xf32, #tpu.memory_space<vmem>>
    tpu.wait_dma2 semaphore(%dma_wait3A_1663 : memref<!tpu.dma_semaphore, #tpu.memory_space<semaphore_mem>>) src(%dma_wait3A_1671 : memref<1x512x1024xf32, #tpu.memory_space<vmem>>) dst(%dma_wait3A_1667 : memref<1x512x1024xf32, #tpu.memory_space<any>>)
    %dma_wait3A_1672 = arith.constant 5 : i32
    %dma_wait3A_1673 = tpu.memref_slice %arg6[%dma_wait3A_1672] : memref<6x!tpu.dma_semaphore, #tpu.memory_space<semaphore_mem>> -> memref<1x!tpu.dma_semaphore, #tpu.memory_space<semaphore_mem>>
    %dma_wait3A_1674 = tpu.memref_squeeze %dma_wait3A_1673 : memref<1x!tpu.dma_semaphore, #tpu.memory_space<semaphore_mem>> -> memref<!tpu.dma_semaphore, #tpu.memory_space<semaphore_mem>>
    %dma_wait3A_1675 = arith.constant 3 : i32
    %dma_wait3A_1676 = arith.constant 7696 : i32
    %dma_wait3A_1677 = arith.constant 0 : i32
    %dma_wait3A_1678 = tpu.memref_slice %arg3[%dma_wait3A_1675, %dma_wait3A_1676, %dma_wait3A_1677] : memref<4x8208x1024xf32, #tpu.memory_space<any>> -> memref<1x256x1024xf32, #tpu.memory_space<any>>
    %dma_wait3A_1679 = arith.constant 5 : i32
    %dma_wait3A_1680 = arith.constant 0 : i32
    %dma_wait3A_1681 = arith.constant 0 : i32
    %dma_wait3A_1682 = tpu.memref_slice %arg4[%dma_wait3A_1679, %dma_wait3A_1680, %dma_wait3A_1681] : memref<6x1024x1024xf32, #tpu.memory_space<vmem>> -> memref<1x256x1024xf32, #tpu.memory_space<vmem>>
    tpu.wait_dma2 semaphore(%dma_wait3A_1674 : memref<!tpu.dma_semaphore, #tpu.memory_space<semaphore_mem>>) src(%dma_wait3A_1682 : memref<1x256x1024xf32, #tpu.memory_space<vmem>>) dst(%dma_wait3A_1678 : memref<1x256x1024xf32, #tpu.memory_space<any>>)
    %dma_wait3A_1683 = arith.constant 0 : i32
    %dma_wait3A_1684 = tpu.memref_slice %arg6[%dma_wait3A_1683] : memref<6x!tpu.dma_semaphore, #tpu.memory_space<semaphore_mem>> -> memref<1x!tpu.dma_semaphore, #tpu.memory_space<semaphore_mem>>
    %dma_wait3A_1685 = tpu.memref_squeeze %dma_wait3A_1684 : memref<1x!tpu.dma_semaphore, #tpu.memory_space<semaphore_mem>> -> memref<!tpu.dma_semaphore, #tpu.memory_space<semaphore_mem>>
    %dma_wait3A_1686 = arith.constant 3 : i32
    %dma_wait3A_1687 = arith.constant 7952 : i32
    %dma_wait3A_1688 = arith.constant 0 : i32
    %dma_wait3A_1689 = tpu.memref_slice %arg3[%dma_wait3A_1686, %dma_wait3A_1687, %dma_wait3A_1688] : memref<4x8208x1024xf32, #tpu.memory_space<any>> -> memref<1x128x1024xf32, #tpu.memory_space<any>>
    %dma_wait3A_1690 = arith.constant 0 : i32
    %dma_wait3A_1691 = arith.constant 0 : i32
    %dma_wait3A_1692 = arith.constant 0 : i32
    %dma_wait3A_1693 = tpu.memref_slice %arg4[%dma_wait3A_1690, %dma_wait3A_1691, %dma_wait3A_1692] : memref<6x1024x1024xf32, #tpu.memory_space<vmem>> -> memref<1x128x1024xf32, #tpu.memory_space<vmem>>
    tpu.wait_dma2 semaphore(%dma_wait3A_1685 : memref<!tpu.dma_semaphore, #tpu.memory_space<semaphore_mem>>) src(%dma_wait3A_1693 : memref<1x128x1024xf32, #tpu.memory_space<vmem>>) dst(%dma_wait3A_1689 : memref<1x128x1024xf32, #tpu.memory_space<any>>)
    %dma_wait3A_1694 = arith.constant 1 : i32
    %dma_wait3A_1695 = tpu.memref_slice %arg6[%dma_wait3A_1694] : memref<6x!tpu.dma_semaphore, #tpu.memory_space<semaphore_mem>> -> memref<1x!tpu.dma_semaphore, #tpu.memory_space<semaphore_mem>>
    %dma_wait3A_1696 = tpu.memref_squeeze %dma_wait3A_1695 : memref<1x!tpu.dma_semaphore, #tpu.memory_space<semaphore_mem>> -> memref<!tpu.dma_semaphore, #tpu.memory_space<semaphore_mem>>
    %dma_wait3A_1697 = arith.constant 3 : i32
    %dma_wait3A_1698 = arith.constant 8080 : i32
    %dma_wait3A_1699 = arith.constant 0 : i32
    %dma_wait3A_1700 = tpu.memref_slice %arg3[%dma_wait3A_1697, %dma_wait3A_1698, %dma_wait3A_1699] : memref<4x8208x1024xf32, #tpu.memory_space<any>> -> memref<1x128x1024xf32, #tpu.memory_space<any>>
    %dma_wait3A_1701 = arith.constant 1 : i32
    %dma_wait3A_1702 = arith.constant 0 : i32
    %dma_wait3A_1703 = arith.constant 0 : i32
    %dma_wait3A_1704 = tpu.memref_slice %arg4[%dma_wait3A_1701, %dma_wait3A_1702, %dma_wait3A_1703] : memref<6x1024x1024xf32, #tpu.memory_space<vmem>> -> memref<1x128x1024xf32, #tpu.memory_space<vmem>>
    tpu.wait_dma2 semaphore(%dma_wait3A_1696 : memref<!tpu.dma_semaphore, #tpu.memory_space<semaphore_mem>>) src(%dma_wait3A_1704 : memref<1x128x1024xf32, #tpu.memory_space<vmem>>) dst(%dma_wait3A_1700 : memref<1x128x1024xf32, #tpu.memory_space<any>>)
    %get3A_1705 = arith.constant 0 : index
    %get3A_1706 = memref.load %arg0[%get3A_1705] : memref<1xi32, #tpu.memory_space<smem>>
    %dma_wait3A_1707 = arith.constant 0 : i32
    %dma_wait3A_1708 = arith.constant 0 : i32
    %dma_wait3A_1709 = arith.constant 0 : i32
    %dma_wait3A_1710 = tpu.memref_slice %arg3[%dma_wait3A_1707, %dma_wait3A_1708, %dma_wait3A_1709] : memref<4x8208x1024xf32, #tpu.memory_space<any>> -> memref<1x16x1024xf32, #tpu.memory_space<any>>
    %dma_wait3A_1711 = arith.constant 0 : i32
    %dma_wait3A_1712 = arith.constant 0 : i32
    %dma_wait3A_1713 = tpu.memref_slice %arg1[%get3A_1706, %dma_wait3A_1711, %dma_wait3A_1712] : memref<24x16x1024xf32, #tpu.memory_space<any>> -> memref<1x16x1024xf32, #tpu.memory_space<any>>
    tpu.wait_dma2 semaphore(%arg7 : memref<!tpu.dma_semaphore, #tpu.memory_space<semaphore_mem>>) src(%dma_wait3A_1713 : memref<1x16x1024xf32, #tpu.memory_space<any>>) dst(%dma_wait3A_1710 : memref<1x16x1024xf32, #tpu.memory_space<any>>)
    %get3A_1714 = arith.constant 0 : index
    %get3A_1715 = memref.load %arg0[%get3A_1714] : memref<1xi32, #tpu.memory_space<smem>>
    %dma_wait3A_1716 = arith.constant 1 : i32
    %dma_wait3A_1717 = arith.constant 0 : i32
    %dma_wait3A_1718 = arith.constant 0 : i32
    %dma_wait3A_1719 = tpu.memref_slice %arg3[%dma_wait3A_1716, %dma_wait3A_1717, %dma_wait3A_1718] : memref<4x8208x1024xf32, #tpu.memory_space<any>> -> memref<1x16x1024xf32, #tpu.memory_space<any>>
    %dma_wait3A_1720 = arith.constant 0 : i32
    %dma_wait3A_1721 = arith.constant 0 : i32
    %dma_wait3A_1722 = tpu.memref_slice %arg1[%get3A_1715, %dma_wait3A_1720, %dma_wait3A_1721] : memref<24x16x1024xf32, #tpu.memory_space<any>> -> memref<1x16x1024xf32, #tpu.memory_space<any>>
    tpu.wait_dma2 semaphore(%arg7 : memref<!tpu.dma_semaphore, #tpu.memory_space<semaphore_mem>>) src(%dma_wait3A_1722 : memref<1x16x1024xf32, #tpu.memory_space<any>>) dst(%dma_wait3A_1719 : memref<1x16x1024xf32, #tpu.memory_space<any>>)
    %get3A_1723 = arith.constant 0 : index
    %get3A_1724 = memref.load %arg0[%get3A_1723] : memref<1xi32, #tpu.memory_space<smem>>
    %dma_wait3A_1725 = arith.constant 2 : i32
    %dma_wait3A_1726 = arith.constant 0 : i32
    %dma_wait3A_1727 = arith.constant 0 : i32
    %dma_wait3A_1728 = tpu.memref_slice %arg3[%dma_wait3A_1725, %dma_wait3A_1726, %dma_wait3A_1727] : memref<4x8208x1024xf32, #tpu.memory_space<any>> -> memref<1x16x1024xf32, #tpu.memory_space<any>>
    %dma_wait3A_1729 = arith.constant 0 : i32
    %dma_wait3A_1730 = arith.constant 0 : i32
    %dma_wait3A_1731 = tpu.memref_slice %arg1[%get3A_1724, %dma_wait3A_1729, %dma_wait3A_1730] : memref<24x16x1024xf32, #tpu.memory_space<any>> -> memref<1x16x1024xf32, #tpu.memory_space<any>>
    tpu.wait_dma2 semaphore(%arg7 : memref<!tpu.dma_semaphore, #tpu.memory_space<semaphore_mem>>) src(%dma_wait3A_1731 : memref<1x16x1024xf32, #tpu.memory_space<any>>) dst(%dma_wait3A_1728 : memref<1x16x1024xf32, #tpu.memory_space<any>>)
    %get3A_1732 = arith.constant 0 : index
    %get3A_1733 = memref.load %arg0[%get3A_1732] : memref<1xi32, #tpu.memory_space<smem>>
    %dma_wait3A_1734 = arith.constant 3 : i32
    %dma_wait3A_1735 = arith.constant 0 : i32
    %dma_wait3A_1736 = arith.constant 0 : i32
    %dma_wait3A_1737 = tpu.memref_slice %arg3[%dma_wait3A_1734, %dma_wait3A_1735, %dma_wait3A_1736] : memref<4x8208x1024xf32, #tpu.memory_space<any>> -> memref<1x16x1024xf32, #tpu.memory_space<any>>
    %dma_wait3A_1738 = arith.constant 0 : i32
    %dma_wait3A_1739 = arith.constant 0 : i32
    %dma_wait3A_1740 = tpu.memref_slice %arg1[%get3A_1733, %dma_wait3A_1738, %dma_wait3A_1739] : memref<24x16x1024xf32, #tpu.memory_space<any>> -> memref<1x16x1024xf32, #tpu.memory_space<any>>
    tpu.wait_dma2 semaphore(%arg7 : memref<!tpu.dma_semaphore, #tpu.memory_space<semaphore_mem>>) src(%dma_wait3A_1740 : memref<1x16x1024xf32, #tpu.memory_space<any>>) dst(%dma_wait3A_1737 : memref<1x16x1024xf32, #tpu.memory_space<any>>)
    return
  }
}

</mosaic_0001>

<sc_bundles>
// kernel: kernel.4.cloned.1.call-start
scs
__scs_entry_jumppad:
0x0: {  	(pc) =	sbr.rel $0x88, $3  }
0x1: {  	(tag) =	ssettag $0x0;
	lr =	simm.s32 $0x1  }
0x2: {  	[smem:$0x3F9D] =	sst lr;
	_ =	strace $0xD0000000  }
0x3: {  	_ = 	snop  }
0x4: {  	_ = 	snop  }
0x5: {  	_ = 	snop  }
0x6: {  	_ = 	snop  }
0x7: {  	_ = 	snop  }
__scs_overlays_trampoline_lowered:
0x8: {  	[smem:$0x3FAC] =	sst s0  }
0x9: {  	[smem:$0x3FAD] =	sst s1  }
0xa: {  	[smem:$0x3FAE] =	sst s2  }
0xb: {  	[smem:$0x3FAF] =	sst s3  }
0xc: {  	[smem:$0x3FB0] =	sst s4  }
0xd: {  	[smem:$0x3FB1] =	sst s5  }
0xe: {  	[smem:$0x3FB2] =	sst s6  }
0xf: {  	[smem:$0x3FB3] =	sst s7  }
0x10: {  	[smem:$0x3FB4] =	sst s8  }
0x11: {  	[smem:$0x3FB5] =	sst s9;
	s0 =	simm.s32 @!p0 $0x0  }
0x12: {  	s1 =	sld [smem:$0x3F9B];
	s0 =	simm.s32 @p0 $0x1  }
0x13: {  	[smem:$0x3FB6] =	sst s0;
	s0 =	simm.s32 @!p1 $0x0  }
0x14: {  	s2 =	sld [smem:$0x3F9A];
	s0 =	simm.s32 @p1 $0x1  }
0x15: {  	[smem:$0x3FB7] =	sst s0;
	s0 =	simm.s32 @!p2 $0x0  }
0x16: {  	s3 =	sld [smem:$0x3FDB];
	s0 =	simm.s32 @p2 $0x1  }
0x17: {  	s4 =	simm.s32 $0x1BF5;
	[smem:$0x3FB9] =	sst s0  }
0x18: {  	s0 =	sld [smem:$0x3F9C];
	_ =	swait.ge [sflag:s4], $0x0  }
0x19: {  	s7 =	sld [smem:$0x3F9D]  }
0x1a: {  	s8 =	sadd.s32 $0xFFFFE003, lr  }
0x1b: {  	s9 =	sadd.s32 $0xFFFFFEF7, lr;
	s5 =	simm.s32 $0xFFFFFFFF;
	p2 =	slt.u32 s8, $0xFFFFF086  }
0x1c: {  	p1 =	slt.u32 s9, $0xF7A;
	s5 =	simm.s32 @!p2 $0x0  }
0x1d: {  	s5 =	simm.s32 @p1 $0x1;
	p0 =	seq.s32 s7, s2  }
0x1e: {  	s7 =	smul.u32 @!p0 $0xF7A, s2;
	p2 =	seq.s32 @!p0 s5, $0x0  }
0x1f: {  	s9 =	smul.u32 $0xF7A, s1;
	s8 =	simm.s32 @!p0 $0x1BF5;
	p2 =	por !p2, p0  }
0x20: {  	[sflag:s8] =	ssyncset.s32 @!p0 $0xFFFFF086;
	s6 =	sadd.s32 @!p0 s3, s7;
	s7 =	simm.s32 @!p0 $0x108  }
0x21: {  	s3 =	sadd.s32 s3, s9;
	s6 =	sadd.s32 @!p0 $0x88, s6;
	s7 =	simm.s32 @p2 $0x1082  }
0x22: {  	[simem:s7], [sflag:s8] =	dma.local @!p0 [hbm:s6], $0xF7A  }
0x23: {  	s9 =	sor.u32 $0xD0000000, s2;
	s6 =	simm.s32 $0x108;
	_ =	swait.ge @!p0 [sflag:s8], $0x0  }
0x24: {  	s3 =	sadd.s32 $0x88, s3;
	s6 =	simm.s32 @!p1 $0x1082;
	[sflag:s4] =	ssyncset.s32 $0xFFFFF086  }
0x25: {  	[simem:s6], [sflag:s4] =	dma.local [hbm:s3], $0xF7A  }
0x26: {  	[smem:$0x3F9D] =	sst s1;
	(tag) =	ssettag s2;
	_ =	strace s9  }
0x27: {  	s1 =	sld [smem:$0x3FAD]  }
0x28: {  	s2 =	sld [smem:$0x3FAE]  }
0x29: {  	s4 =	sld [smem:$0x3FB0]  }
0x2a: {  	p0 =	seq.s32 s5, $0x0;
	s5 =	sld [smem:$0x3FB1]  }
0x2b: {  	s6 =	sld [smem:$0x3FB2]  }
0x2c: {  	s7 =	sld [smem:$0x3FB3]  }
0x2d: {  	s3 =	simm.s32 $0x108;
	s8 =	sld [smem:$0x3FB4]  }
0x2e: {  	s3 =	simm.s32 @!p0 $0x1082;
	s9 =	sld [smem:$0x3FB5]  }
0x2f: {  	lr =	sadd.s32 s0, s3;
	s0 =	sld [smem:$0x3FAC]  }
0x30: {  	s3 =	sld [smem:$0x3FAF]  }
0x31: {  	[smem:$0x3FB8] =	sst s10  }
0x32: {  	s10 =	sld [smem:$0x3FB6];
	_ =	sdelay $0x3  }
0x33: {  	p0 =	seq.s32 s10, $0x1;
	s10 =	sld [smem:$0x3FB8];
	_ =	sdelay $0x3  }
0x34: {  	[smem:$0x3FB8] =	sst s10  }
0x35: {  	s10 =	sld [smem:$0x3FB7];
	_ =	sdelay $0x3  }
0x36: {  	p1 =	seq.s32 s10, $0x1;
	s10 =	sld [smem:$0x3FB8];
	_ =	sdelay $0x3  }
0x37: {  	[smem:$0x3FB8] =	sst s10  }
0x38: {  	s10 =	sld [smem:$0x3FB9]  }
0x39: {  	_ = 	snop;
	(pc) =	sbr.ind lr, $3  }
0x3a: {  	_ = 	snop  }
0x3b: {  	_ = 	snop  }
0x3c: {  	p2 =	seq.s32 s10, $0x1;
	s10 =	sld [smem:$0x3FB8]  }
0x3d: {  	_ =	shalt  }
0x3e: {  	_ =	shalt  }
0x3f: {  	_ =	shalt  }
0x40: {  	_ =	shalt  }
0x41: {  	_ =	shalt  }
0x42: {  	_ =	shalt  }
0x43: {  	_ =	shalt  }
0x44: {  	_ =	shalt  }
0x45: {  	_ =	shalt  }
0x46: {  	_ =	shalt  }
0x47: {  	_ =	shalt  }
0x48: {  	_ =	shalt  }
0x49: {  	_ =	shalt  }
0x4a: {  	_ =	shalt  }
0x4b: {  	_ =	shalt  }
0x4c: {  	_ =	shalt  }
0x4d: {  	_ =	shalt  }
0x4e: {  	_ =	shalt  }
0x4f: {  	_ =	shalt  }
0x50: {  	_ =	shalt  }
0x51: {  	_ =	shalt  }
0x52: {  	_ =	shalt  }
0x53: {  	_ =	shalt  }
0x54: {  	_ =	shalt  }
0x55: {  	_ =	shalt  }
0x56: {  	_ =	shalt  }
0x57: {  	_ =	shalt  }
0x58: {  	_ =	shalt  }
0x59: {  	_ =	shalt  }
0x5a: {  	_ =	shalt  }
0x5b: {  	_ =	shalt  }
0x5c: {  	_ =	shalt  }
0x5d: {  	_ =	shalt  }
0x5e: {  	_ =	shalt  }
0x5f: {  	_ =	shalt  }
0x60: {  	_ =	shalt  }
0x61: {  	_ =	shalt  }
0x62: {  	_ =	shalt  }
0x63: {  	_ =	shalt  }
0x64: {  	_ =	shalt  }
0x65: {  	_ =	shalt  }
0x66: {  	_ =	shalt  }
0x67: {  	_ =	shalt  }
0x68: {  	_ =	shalt  }
0x69: {  	_ =	shalt  }
0x6a: {  	_ =	shalt  }
0x6b: {  	_ =	shalt  }
0x6c: {  	_ =	shalt  }
0x6d: {  	_ =	shalt  }
0x6e: {  	_ =	shalt  }
0x6f: {  	_ =	shalt  }
0x70: {  	_ =	shalt  }
0x71: {  	_ =	shalt  }
0x72: {  	_ =	shalt  }
0x73: {  	_ =	shalt  }
0x74: {  	_ =	shalt  }
0x75: {  	_ =	shalt  }
0x76: {  	_ =	shalt  }
0x77: {  	_ =	shalt  }
0x78: {  	_ =	shalt  }
0x79: {  	_ =	shalt  }
0x7a: {  	_ =	shalt  }
0x7b: {  	_ =	shalt  }
0x7c: {  	_ =	shalt  }
0x7d: {  	_ =	shalt  }
0x7e: {  	_ =	shalt  }
0x7f: {  	_ =	shalt  }
0x80: {  	_ =	shalt  }
0x81: {  	_ =	shalt  }
0x82: {  	_ =	shalt  }
0x83: {  	_ =	shalt  }
0x84: {  	_ =	shalt  }
0x85: {  	_ =	shalt  }
0x86: {  	_ =	shalt  }
0x87: {  	_ =	shalt  }
.Lfunc_end0:
.L_simem_size_0:
called_computation_lowered:
.L_overlay_start_0:
0x88: {  	s2 =	sld [smem:$0x3FD9]  }
0x89: {  	s3 =	sld [smem:$0x3FFE];
	_ =	sdelay $0x1  }
0x8a: {  	s1 =	srdreg.scid  }
0x8b: {  	s0 =	sand.u32 $0x1, s1  }
0x8c: {  	s14 =	sshll.u32 s0, $0xA;
	s2 =	sadd.s32 s3, s2  }
0x8d: {  	s2 =	sadd.s32 s2, s14  }
0x8e: {  	[smem:$0x3FC4] =	sst s2  }
0x8f: {  	_ = 	snop  }
0x90: {  	s2 =	sld [smem:$0x3FD0];
	_ =	sdelay $0x2  }
0x91: {  	s15 =	simm.s32 $0xA;
	s4 =	simm.s32 $0x10  }
0x92: {  	[smem:s4], [sflag:s15] =	dma.local [hbm:s2], $0x1  }
0x93: {  	_ =	swait.eq [sflag:s15], $0x1  }
0x94: {  	[sflag:s15] =	ssyncset.done $0x0  }
0x95: {  	[sflag:s15] =	ssyncadd.s32 $0xFFFFFFFF  }
0x96: {  	s16 =	sld [smem:$0x11];
	(tm) =	ssettm $0x1  }
0x97: {  	s17 =	sld [smem:$0x3FFB];
	_ =	sdelay $0x3  }
0x98: {  	_ =	strace s17  }
0x99: {  	s3 =	sld [smem:$0x3FFC];
	_ =	sdelay $0x3  }
0x9a: {  	_ =	strace s3  }
0x9b: {  	s3 =	sld [smem:$0x3FFD];
	_ =	sdelay $0x3  }
0x9c: {  	_ =	strace s3  }
0x9d: {  	_ =	strace $0x8FFFFFFF  }
0x9e: {  	s18 =	sld [smem:$0x3FDB];
	_ =	sdelay $0x1  }
0x9f: {  	s19 =	simm.s32 $_scs_section_size  }
0xa0: {  	s5 =	simm.s32 $_size__tile_overlayer_lowered;
	s6 =	simm.s32 $_tile_overlayer_lowered  }
0xa1: {  	s22 =	simm.s32 $0x1BFF;
	s21 =	sshll.u32 s6, $0x1;
	s3 =	sadd.s32 s19, s18  }
0xa2: {  	s7 =	simm.s32 $0x0;
	s20 =	sshll.u32 s5, $0x1;
	s5 =	sadd.s32 s21, s3  }
0xa3: {  	[timem:s7], [sflag:s22] =	dma.local [hbm:s5], s20  }
0xa4: {  	_ =	swait.ge [sflag:s22], s20  }
0xa5: {  	s4 =	ssub.s32 $0x0, s20;
	[sflag:s22] =	ssyncset.done $0x0  }
0xa6: {  	[sflag:s22] =	ssyncadd.s32 s4;
	_ =	sdelay $0x1  }
0xa7: {  	s23 =	simm.s32 $0x1B8B  }
0xa8: {  	_ =	swait.ge [sflag:s23], $0x1  }
0xa9: {  	[sflag:s23] =	ssyncset.done $0x0  }
0xaa: {  	s25 =	simm.s32 $0x1B8E;
	s24 =	sld [smem:$0x3FFE];
	[sflag:s23] =	ssyncadd.s32 $0xFFFFFFFF  }
0xab: {  	s26 =	simm.s32 $execute0_lowered;
	[smem:$0x3FD2] =	sst s25  }
0xac: {  	s5 =	sshll.u32 s26, $0x1;
	_ =	strace $0x80000046;
	[dreg:$0x1] =	wrdreg $0xFFFFFFFF  }
0xad: {  	s28 =	simm.s32 $_size_execute0_lowered;
	s3 =	sadd.s32 s3, s5;
	[dreg:$0x0] =	wrdreg $0x0  }
0xae: {  	s5 =	sshll.u32 s28, $0x1;
	[dreg:$0x2] =	wrdreg s3  }
0xaf: {  	[dreg:$0x3] =	wrdreg s5  }
0xb0: {  	[dreg:$0x4] =	wrdreg $0xC0  }
0xb1: {  	_ =	task [dreg:s7], $0x5FFFF  }
0xb2: {  	[dreg:$0x1] =	wrdreg $0xFFFFFFFF  }
0xb3: {  	[dreg:$0x0] =	wrdreg $0x60  }
0xb4: {  	[dreg:$0x2] =	wrdreg s16  }
0xb5: {  	[dreg:$0x3] =	wrdreg s24  }
0xb6: {  	[dreg:$0x4] =	wrdreg $0x9  }
0xb7: {  	_ =	task.clear_ibuf [dreg:s7], $0x5FFFF;
	_ =	strace $0x90000046  }
0xb8: {  	s29 =	simm.s32 $0x9;
	_ =	strace $0x80000048  }
0xb9: {  	_ =	swait.ge [sflag:s29], $0x1  }
0xba: {  	[sflag:s29] =	ssyncadd.s32 $0xFFFFFFFF  }
0xbb: {  	_ =	strace $0x90000048  }
0xbc: {  	_ =	sfence  }
0xbd: {  	s30 =	sld [smem:$0x0];
	_ =	sdelay $0x2  }
0xbe: {  	s31 =	sshll.u32 s1, $0xD;
	s1 =	sshrl.u32 s1, $0x2  }
0xbf: {  	s3 =	sand.u32 $0x4000, s31;
	s1 =	sadd.s32 s1, s30  }
0xc0: {  	s0 =	sor.u32 s3, s0;
	s1 =	sshll.u32 s1, $0x11  }
0xc1: {  	s0 =	sor.u32 s1, s0  }
0xc2: {  	s0 =	sadd.s32 $0x8F2B, s0  }
0xc3: {  	[sflag:s0] =	ssyncadd.remote.s32 $0x1  }
0xc4: {  	_ =	sfence.sel $0xFFFF  }
0xc5: {  	[dreg:$0x0] =	wrdreg $0xFFFFFFFF;
	(pc) =	sbr.abs _section_cstart, $3  }
0xc6: {  	[dreg:$0x1] =	wrdreg $0xFFFFFFFF  }
0xc7: {  	_ =	task.clear_ibuf [dreg:s7], $0x2FFFF;
	_ =	strace $0x9FFFFFFF  }
0xc8: {  	(tm) =	ssettm $0x7FFFFFFF  }
0xc9: {  	_ =	shalt  }
tec
execute0_lowered:
.L_overlay_start_1:
0x0: {  	(tag) =	ssettag $0x1  }
0x1: {  	s1 =	rddreg [dreg:$0x0]  }
0x2: {  	s14 =	rddreg [dreg:$0x1]  }
0x3: {  	s2 =	srdreg.scid;
	s0 =	rddreg [dreg:$0x2]  }
0x4: {  	s3 =	simm.s32 $0x0;
	s16 =	simm.s32 $0x1;
	s17 =	simm.s32 $0x2000  }
0x5: {  	s5 =	sand.u32 $0x1, s2;
	[smem:$0x7FF] =	sst s3;
	s2 =	stileid.u32  }
0x6: {  	s4 =	sadd.s32 $0x600, s14;
	s9 =	sadd.s32 $0xE04, s14;
	s10 =	sadd.s32 $0xE06, s14  }
0x7: {  	s11 =	sadd.s32 $0x400, s1;
	s12 =	sadd.s32 $0xA02, s14;
	s13 =	sadd.s32 $0xA04, s14  }
0x8: {  	s6 =	ssub.s32 $0x2, s5;
	_ =	strace $0x80000047;
	s8 =	sshll.u32 s2, $0x1  }
.Ltmp0:
0x9: {  	s7 =	sshrl.u32 s6, $0x1;
	s18 =	sor.u32 s5, s8;
	(pc) =	sbr.rel .LBB2_1-.Ltmp0, $4  }
0xa: {  	s5 =	sadd.s32 $0xC00, s1;
	s8 =	sadd.s32 $0x800, s1;
	s15 =	ssub.s32 s6, s7  }
0xb: {  	s6 =	sadd.s32 $0x1206, s14;
	s7 =	sadd.s32 $0x1208, s14;
	s14 =	sadd.s32 $0x602, s14  }
0xc: {  	p0 =	sgt.s32 s18, $0x1;
	p1 =	seq.s32 s18, $0x0;
	p2 =	seq.s32 s18, $0x1  }
0xd: {  	v0 =	vimm.s32 $0x1;
	p3 =	seq.s32 s18, $0x2;
	p4 =	seq.s32 s18, $0x3;
	s15 =	smax.u32 s15, $0x1  }
.LBB2_9:
0xe: {  	[tilespmem:$0x2000] =	vst v0  }
0xf: {  	[tilespmem:s3], [sflag:$0x1] =	stream.linear.gather [hbm4b:s8+s3], $0x2000, $0x38;
	[tilespmem:$0x2080] =	vst v63  }
0x10: {  	_ =	swait.ge [sflag:s16], $0x2000  }
0x11: {  	[sflag:s16] =	ssyncset.done $0x0  }
0x12: {  	s18 =	smov.u32 s10;
	[sflag:s16] =	ssyncadd.s32 $0xFFFFE000  }
0x13: {  	[hbm4b:s9+s3] =	stream.linear.scatter [tilespmem:s17], [sflag:$0x1], $0x10, $0x38;
	[tilespmem:$0x2080] =	vst v63  }
.LBB2_10:
0x14: {  	_ =	swait.ge [sflag:s16], $0x10  }
0x15: {  	[sflag:s16] =	ssyncset.done $0x0  }
0x16: {  	[sflag:s16] =	ssyncadd.s32 $0xFFFFFFF0  }
0x17: {  	[hbm4b:s18+s3] =	stream.linear.scatter [tilespmem:s3], [sflag:$0x1], $0x2000, $0x38;
	[tilespmem:$0x2080] =	vst v63  }
0x18: {  	_ =	swait.ge [sflag:s16], $0x2000  }
0x19: {  	[sflag:s16] =	ssyncset.done $0x0  }
0x1a: {  	[sflag:s16] =	ssyncadd.s32 $0xFFFFE000  }
.LBB2_11:
0x1b: {  	s15 =	sadd.s32 $0xFFFFFFFF, s15  }
0x1c: {  	p5 =	sne.s32 s15, $0x0  }
.Ltmp1:
0x1d: {  	_ = 	snop;
	(pc) =	sbr.rel @!p5 .LBB2_12-.Ltmp1, $1  }
0x1e: {  	_ =	sdelay $0x3  }
.LBB2_1:
.Ltmp2:
0x1f: {  	(pc) =	sbr.rel @p0 .LBB2_5-.Ltmp2, $1  }
0x20: {  	_ =	sdelay $0x3  }
.Ltmp3:
0x21: {  	(pc) =	sbr.rel @p1 .LBB2_8-.Ltmp3, $1  }
0x22: {  	_ =	sdelay $0x3  }
.Ltmp4:
0x23: {  	(pc) =	sbr.rel @!p2 .LBB2_11-.Ltmp4, $1  }
0x24: {  	_ =	sdelay $0x3  }
0x25: {  	[tilespmem:$0x2000] =	vst v0  }
0x26: {  	[tilespmem:s3], [sflag:$0x1] =	stream.linear.gather [hbm4b:s11+s3], $0x2000, $0x38;
	[tilespmem:$0x2080] =	vst v63  }
.Ltmp5:
0x27: {  	_ = 	snop;
	(pc) =	sbr.rel .LBB2_10-.Ltmp5, $4  }
0x28: {  	_ =	swait.ge [sflag:s16], $0x2000  }
0x29: {  	[sflag:s16] =	ssyncset.done $0x0  }
0x2a: {  	s18 =	smov.u32 s13;
	[sflag:s16] =	ssyncadd.s32 $0xFFFFE000  }
0x2b: {  	[hbm4b:s12+s3] =	stream.linear.scatter [tilespmem:s17], [sflag:$0x1], $0x10, $0x38;
	[tilespmem:$0x2080] =	vst v63  }
.LBB2_5:
.Ltmp6:
0x2c: {  	(pc) =	sbr.rel @p3 .LBB2_9-.Ltmp6, $1  }
0x2d: {  	_ =	sdelay $0x3  }
.Ltmp7:
0x2e: {  	(pc) =	sbr.rel @!p4 .LBB2_11-.Ltmp7, $1  }
0x2f: {  	_ =	sdelay $0x3  }
0x30: {  	[tilespmem:$0x2000] =	vst v0  }
0x31: {  	[tilespmem:s3], [sflag:$0x1] =	stream.linear.gather [hbm4b:s5+s3], $0x2000, $0x38;
	[tilespmem:$0x2080] =	vst v63  }
.Ltmp8:
0x32: {  	_ = 	snop;
	(pc) =	sbr.rel .LBB2_10-.Ltmp8, $4  }
0x33: {  	_ =	swait.ge [sflag:s16], $0x2000  }
0x34: {  	[sflag:s16] =	ssyncset.done $0x0  }
0x35: {  	s18 =	smov.u32 s7;
	[sflag:s16] =	ssyncadd.s32 $0xFFFFE000  }
0x36: {  	[hbm4b:s6+s3] =	stream.linear.scatter [tilespmem:s17], [sflag:$0x1], $0x10, $0x38;
	[tilespmem:$0x2080] =	vst v63  }
.LBB2_8:
0x37: {  	[tilespmem:$0x2000] =	vst v0  }
0x38: {  	[tilespmem:s3], [sflag:$0x1] =	stream.linear.gather [hbm4b:s1+s3], $0x2000, $0x38;
	[tilespmem:$0x2080] =	vst v63  }
.Ltmp9:
0x39: {  	_ = 	snop;
	(pc) =	sbr.rel .LBB2_10-.Ltmp9, $4  }
0x3a: {  	_ =	swait.ge [sflag:s16], $0x2000  }
0x3b: {  	[sflag:s16] =	ssyncset.done $0x0  }
0x3c: {  	s18 =	smov.u32 s14;
	[sflag:s16] =	ssyncadd.s32 $0xFFFFE000  }
0x3d: {  	[hbm4b:s4+s3] =	stream.linear.scatter [tilespmem:s17], [sflag:$0x1], $0x10, $0x38;
	[tilespmem:$0x2080] =	vst v63  }
.LBB2_12:
0x3e: {  	_ =	sfence.sel $0x180000  }
0x3f: {  	[bflag:$0x0] =	sbarrier.arrive $0xFFFF  }
0x40: {  	p0 =	sne.s32 s2, $0x0;
	_ =	strace $0x90000047  }
0x41: {  	s0 =	sadd.s32 @!p0 $0x100000, s0;
	[bflag:$0x2] =	sbarrier.arrive $0xFFFF  }
0x42: {  	[sflag:s0] =	ssyncadd.tile.s32 @!p0 $0x1;
	_ =	shalt  }
.Lfunc_end2:
_tile_overlayer_lowered:
.L_overlay_start_2:
0x43: {  	(tag) =	ssettag $0x2  }
0x44: {  	s0 =	rddreg [dreg:$0x0];
	s2 =	stileid.u32  }
0x45: {  	s1 =	rddreg [dreg:$0x1];
	p0 =	sne.s32 s2, $0x0  }
0x46: {  	s3 =	rddreg [dreg:$0x2];
	[bflag:$0x3] =	sbarrier.arrive $0xFFFF;
	s2 =	simm.s32 @!p0 $0x1C01  }
0x47: {  	[timem:s3], [sflag:s2] =	dma.local @!p0 [hbm:s0], s1  }
0x48: {  	s0 =	simm.s32 @!p0 $0x1  }
0x49: {  	_ =	swait.ge @!p0 [sflag:s0], s1  }
0x4a: {  	s1 =	ssub.s32 @!p0 $0x0, s1;
	[sflag:s0] =	ssyncset.done @!p0 $0x0  }
0x4b: {  	[sflag:s0] =	ssyncadd.s32 @!p0 s1  }
0x4c: {  	[bflag:$0x3] =	sbarrier.arrive $0xFFFF  }
0x4d: {  	_ =	shalt  }

</sc_bundles>
